<compile_context>
chip_gen: v7x
topology: tpu7x:2x2x1
jax: 0.10.2.dev20260603
libtpu: 0.0.44.dev20260713+nightly
codegen_flags: <defaults>
</compile_context>

<pallas_src>
import functools

import jax
import jax.numpy as jnp
from jax import lax
from jax.experimental import pallas as pl
from jax.experimental.pallas import tpu as pltpu
from jax.experimental.pallas import tpu_sc as plsc

V = 1000
C = 1000
CP = 1024
NC, NS = 2, 16
NW = NC * NS
CH = 32
NBUF = 2
BB = 2048


def _lse_body(table_ref, out_ref):
    x = table_ref[...]
    m = jnp.max(x, axis=1, keepdims=True)
    s = jnp.sum(jnp.exp(x - m), axis=1, keepdims=True)
    out_ref[...] = m + jnp.log(s)


def _row_lse(table):
    return pl.pallas_call(
        _lse_body,
        out_shape=jax.ShapeDtypeStruct((V, 1), jnp.float32),
    )(table)


def _loss_body(*refs, inv_n):
    out_ref = refs[-1]
    s = sum(jnp.sum(r[...]) for r in refs[:-1]) * inv_n
    out_ref[...] = jnp.broadcast_to(s, (1, 1))


def _finalize_loss(partials_list, n):
    out = pl.pallas_call(
        functools.partial(_loss_body, inv_n=1.0 / n),
        out_shape=jax.ShapeDtypeStruct((1, 1), jnp.float32),
    )(*partials_list)
    return out[0, 0]


def _tr_compute(in_ref, out_ref):
    x = in_ref[...]
    out_ref[0] = x.reshape(BB, CP)[:, :C].T


def _tr_body2(in_ref, out_ref):
    _tr_compute(in_ref, out_ref)


def _tr_body_alias(in_ref, prev_ref, out_ref):
    del prev_ref
    _tr_compute(in_ref, out_ref)


def _tc_transpose_part(out1h, prev, ta, tspan, B, T):
    nb = B // BB
    out_spec = pl.BlockSpec((1, C, BB), lambda t, b: (t + ta, 0, b))
    in_spec = pl.BlockSpec((BB * 8, 128), lambda t, b: (t * nb + b, 0))
    out_shape = jax.ShapeDtypeStruct((T, C, B), jnp.float32)
    if prev is None:
        return pl.pallas_call(
            _tr_body2,
            grid=(tspan, nb),
            in_specs=[in_spec],
            out_specs=out_spec,
            out_shape=out_shape,
        )(out1h)
    return pl.pallas_call(
        _tr_body_alias,
        grid=(tspan, nb),
        in_specs=[in_spec, pl.BlockSpec(memory_space=pl.ANY)],
        out_specs=out_spec,
        out_shape=out_shape,
        input_output_aliases={1: 0},
    )(out1h, prev)


def _sc_gather(tab_p, idxT, tgtT, lse, t_base, tspan):
    T, B = idxT.shape
    n_chunks_b = B // CH
    per_w = (tspan * n_chunks_b) // NW
    mesh = plsc.VectorSubcoreMesh(
        core_axis_name="c", subcore_axis_name="s",
        num_cores=NC, num_subcores=NS)

    @functools.partial(
        pl.kernel,
        out_type=[jax.ShapeDtypeStruct((tspan * B, CP), jnp.float32),
                  jax.ShapeDtypeStruct((NW, 16), jnp.float32)],
        mesh=mesh,
        compiler_params=pltpu.CompilerParams(
            needs_layout_passes=False, use_tc_tiling_on_sc=False),
        scratch_types=[
            pltpu.VMEM_SHARED((V, CP), jnp.float32),
            pltpu.VMEM((NBUF, CH), jnp.int32),
            pltpu.VMEM((NBUF, CH), jnp.int32),
            pltpu.VMEM((V,), jnp.float32),
            pltpu.VMEM((NBUF, CH, CP), jnp.float32),
            pltpu.VMEM((16,), jnp.float32),
            pltpu.SemaphoreType.DMA,
            pltpu.SemaphoreType.DMA,
            pltpu.SemaphoreType.DMA,
            pltpu.SemaphoreType.DMA,
        ],
    )
    def k(tab_hbm, idx_hbm, tgt_hbm, lse_hbm, out_hbm, part_hbm,
          table_sh, idx_v, tgt_v, lse_v, rows_v, acc_v, g0, g1, o0, o1):
        cid = lax.axis_index("c")
        sid = lax.axis_index("s")
        wid = sid * NC + cid
        gsem = (g0, g1)
        osem = (o0, o1)

        @pl.when(sid == 0)
        def _():
            pltpu.sync_copy(tab_hbm, table_sh)
        plsc.subcore_barrier()

        pltpu.sync_copy(lse_hbm, lse_v)
        acc_v[...] = jnp.zeros((16,), jnp.float32)
        lanes = lax.iota(jnp.int32, 16)
        lo = wid * per_w
        hi = lo + per_w

        def start_gather(u, s):
            t = t_base + u // n_chunks_b
            b0 = (u % n_chunks_b) * CH
            pltpu.sync_copy(idx_hbm.at[t, pl.ds(b0, CH)], idx_v.at[s])
            pltpu.sync_copy(tgt_hbm.at[t, pl.ds(b0, CH)], tgt_v.at[s])
            pltpu.async_copy(table_sh.at[idx_v.at[s]], rows_v.at[s], gsem[s])

        for s in range(NBUF):
            start_gather(lo + s, s)

        def pair(i, carry):
            u0 = lo + i * NBUF
            for s in range(NBUF):
                u = u0 + s
                t = u // n_chunks_b
                b0 = (u % n_chunks_b) * CH
                pltpu.make_async_copy(
                    table_sh.at[idx_v.at[s]], rows_v.at[s], gsem[s]).wait()
                acc = acc_v[...]
                for g in range(CH // 16):
                    ii = idx_v[s, pl.ds(g * 16, 16)]
                    tt = tgt_v[s, pl.ds(g * 16, 16)]
                    lse_g = plsc.load_gather(lse_v, [ii])
                    r = lanes + (g * 16)
                    tv = plsc.load_gather(rows_v.at[s], [r, tt])
                    acc = acc + (lse_g - tv)
                acc_v[...] = acc
                pltpu.async_copy(
                    rows_v.at[s], out_hbm.at[pl.ds(t * B + b0, CH)], osem[s])
            for s in range(NBUF):
                u = u0 + s
                un = u + NBUF
                t = u // n_chunks_b
                b0 = (u % n_chunks_b) * CH
                dst = out_hbm.at[pl.ds(t * B + b0, CH)]

                @pl.when(un < hi)
                def _():
                    pltpu.make_async_copy(rows_v.at[s], dst, osem[s]).wait()
                    start_gather(un, s)
            return carry

        lax.fori_loop(0, per_w // NBUF, pair, 0, unroll=False)

        for s in range(NBUF):
            u = hi - NBUF + s
            t = u // n_chunks_b
            b0 = (u % n_chunks_b) * CH
            dst = out_hbm.at[pl.ds(t * B + b0, CH)]
            pltpu.make_async_copy(rows_v.at[s], dst, osem[s]).wait()
        pltpu.sync_copy(acc_v, part_hbm.at[wid])

    return k(tab_p, idxT, tgtT, lse)


SPLITS = ((0, 25), (25, 25))


def kernel(idx, targets, table):
    Bq, Tq = idx.shape
    n = Bq * Tq
    idxT = idx.astype(jnp.int32).T
    tgtT = targets.astype(jnp.int32).T
    table = table.astype(jnp.float32)
    tab_p = jnp.pad(table, ((0, 0), (0, CP - C)))
    lse = _row_lse(table).reshape(V)
    halves = [_sc_gather(tab_p, idxT, tgtT, lse, ta, ts)
              for ta, ts in SPLITS]
    out3 = None
    for (ta, ts), (o, _) in zip(SPLITS, halves):
        o8 = o.reshape(ts * Bq * 8, 128)
        out3 = _tc_transpose_part(o8, out3, ta, ts, Bq, Tq)
    logits = jnp.transpose(out3, (2, 0, 1))
    loss = _finalize_loss([p for _, p in halves], n)
    return logits, loss

# --- scband reference (transcript-rebuilt; emitter-appended) ---
"""Pipeline reference for scband-bigram-language-model-6081673691575 (READ-ONLY COPY).

The authoritative reference and input builder live on the scoring server;
editing this copy changes nothing except your own understanding.
"""

import jax, jax.numpy as jnp
import numpy as np

VOCAB = 1000
B, T = 4096, 50


def setup_inputs(seed: int = 0) -> dict:
    key = jax.random.key(seed)
    k1, k2, k3 = jax.random.split(key, 3)
    idx = jax.random.randint(k1, (B, T), 0, VOCAB)
    targets = jax.random.randint(k2, (B, T), 0, VOCAB)
    # learned parameter: nn.Embedding(vocab_size, vocab_size) weight
    table = jax.random.normal(k3, (VOCAB, VOCAB), dtype=jnp.float32)
    return {"idx": idx, "targets": targets, "table": table}


def reference(idx, targets, table):
    # logits = token_embedding_table(idx)  -> gather rows of table
    logits = jnp.take(table, idx, axis=0)  # [B, T, C]
    Bq, Tq, C = logits.shape
    flat_logits = logits.reshape(Bq * Tq, C)
    flat_targets = targets.reshape(Bq * Tq)
    # F.cross_entropy with mean reduction
    logp = jax.nn.log_softmax(flat_logits, axis=-1)
    nll = -jnp.take_along_axis(logp, flat_targets[:, None], axis=1)[:, 0]
    loss = jnp.mean(nll)
    return (logits, loss)

if __name__ == "__main__":
    import jax
    _d = setup_inputs()
    print(jax.jit(kernel)(*tuple(_d.values())))

</pallas_src>

<mosaic_0001>
#map = affine_map<(d0, d1) -> (0, 0)>
#map1 = affine_map<(d0, d1) -> (0)>
module attributes {stable_mosaic.version = 14 : i64} {
  func.func @k(%arg0: i32, %arg1: i32, %arg2: memref<1000x1024xf32, #tpu.memory_space<hbm>>, %arg3: memref<50x4096xi32, #tpu.memory_space<hbm>>, %arg4: memref<50x4096xi32, #tpu.memory_space<hbm>>, %arg5: memref<1000xf32, #tpu.memory_space<hbm>>, %arg6: memref<102400x1024xf32, #tpu.memory_space<hbm>>, %arg7: memref<32x16xf32, #tpu.memory_space<hbm>>, %arg8: memref<1000x1024xf32, #tpu.memory_space<vmem_shared>>, %arg9: memref<2x32xi32, #tpu.memory_space<vmem>>, %arg10: memref<2x32xi32, #tpu.memory_space<vmem>>, %arg11: memref<1000xf32, #tpu.memory_space<vmem>>, %arg12: memref<2x32x1024xf32, #tpu.memory_space<vmem>>, %arg13: memref<16xf32, #tpu.memory_space<vmem>>, %arg14: memref<!tpu.dma_semaphore, #tpu.memory_space<semaphore_mem>>, %arg15: memref<!tpu.dma_semaphore, #tpu.memory_space<semaphore_mem>>, %arg16: memref<!tpu.dma_semaphore, #tpu.memory_space<semaphore_mem>>, %arg17: memref<!tpu.dma_semaphore, #tpu.memory_space<semaphore_mem>>) attributes {dimension_semantics = [#tpu.dimension_semantics<core_parallel>, #tpu.dimension_semantics<subcore_parallel>], iteration_bounds = array<i64: 2, 16>, scalar_prefetch = 0 : i64, scratch_operands = 10 : i64, tpu.core_type = #tpu.core_type<sc_vector_subcore>, window_params = [{transform_indices = #map}, {transform_indices = #map}, {transform_indices = #map}, {transform_indices = #map1}, {transform_indices = #map}, {transform_indices = #map}]} {
    %mul3A = arith.constant 2 : i32
    %mul3A_0 = arith.muli %arg1, %mul3A : i32
    %add3A = arith.addi %mul3A_0, %arg0 : i32
    %eq3A = arith.constant 0 : i32
    %eq3A_1 = arith.cmpi eq, %arg1, %eq3A : i32
    %convert_element_type3A = arith.extui %eq3A_1 : i1 to i32
    %cond3A = arith.constant 0 : i32
    %cond3A_2 = arith.cmpi ne, %convert_element_type3A, %cond3A : i32
    scf.if %cond3A_2 {
      "tpu.region"() ({
        %run_scoped3A_246 = tpu.sem_alloc : memref<!tpu.dma_semaphore, #tpu.memory_space<semaphore_mem>>
        tpu.enqueue_dma source(%arg2 : memref<1000x1024xf32, #tpu.memory_space<hbm>>) target(%arg8 : memref<1000x1024xf32, #tpu.memory_space<vmem_shared>>) target_semaphore(%run_scoped3A_246 : memref<!tpu.dma_semaphore, #tpu.memory_space<semaphore_mem>>)
        tpu.wait_dma2 semaphore(%run_scoped3A_246 : memref<!tpu.dma_semaphore, #tpu.memory_space<semaphore_mem>>) src(%arg2 : memref<1000x1024xf32, #tpu.memory_space<hbm>>) dst(%arg8 : memref<1000x1024xf32, #tpu.memory_space<vmem_shared>>)
        tpu.yield
      }) : () -> ()
    } else {
    }
    %barrier3A = arith.constant 0 : index
    tpu.barrier barrier_id(%barrier3A)
    "tpu.region"() ({
      %run_scoped3A_246 = tpu.sem_alloc : memref<!tpu.dma_semaphore, #tpu.memory_space<semaphore_mem>>
      tpu.enqueue_dma source(%arg5 : memref<1000xf32, #tpu.memory_space<hbm>>) target(%arg11 : memref<1000xf32, #tpu.memory_space<vmem>>) target_semaphore(%run_scoped3A_246 : memref<!tpu.dma_semaphore, #tpu.memory_space<semaphore_mem>>)
      tpu.wait_dma2 semaphore(%run_scoped3A_246 : memref<!tpu.dma_semaphore, #tpu.memory_space<semaphore_mem>>) src(%arg5 : memref<1000xf32, #tpu.memory_space<hbm>>) dst(%arg11 : memref<1000xf32, #tpu.memory_space<vmem>>)
      tpu.yield
    }) : () -> ()
    %broadcast_in_dim3A = arith.constant 0.000000e+00 : f32
    %broadcast_in_dim3A_3 = vector.broadcast %broadcast_in_dim3A : f32 to vector<16xf32>
    %swap3A = arith.constant 0 : index
    %swap3A_4 = tpu.vector_load %arg13[%swap3A] {strides = array<i32>} : memref<16xf32, #tpu.memory_space<vmem>>, vector<16xf32>,
    tpu.vector_store %arg13[%swap3A], %broadcast_in_dim3A_3 {strides = array<i32>} : memref<16xf32, #tpu.memory_space<vmem>>, vector<16xf32>,
    %iota3A = tpu.iota {dimensions = array<i32: 0>} : vector<16xi32>
    %mul3A_5 = arith.constant 100 : i32
    %mul3A_6 = arith.muli %add3A, %mul3A_5 : i32
    %add3A_7 = arith.constant 100 : i32
    %add3A_8 = arith.addi %mul3A_6, %add3A_7 : i32
    %add3A_9 = arith.constant 0 : i32
    %add3A_10 = arith.addi %mul3A_6, %add3A_9 : i32
    %jit3A = arith.constant 128 : i32
    %div3A = arith.divsi %add3A_10, %jit3A : i32
    %sign3A = arith.constant 0 : i32
    %sign3A_11 = arith.cmpi sgt, %add3A_10, %sign3A : i32
    %sign3A_12 = arith.extui %sign3A_11 : i1 to i32
    %sign3A_13 = arith.constant 0 : i32
    %sign3A_14 = arith.cmpi slt, %add3A_10, %sign3A_13 : i32
    %sign3A_15 = arith.extui %sign3A_14 : i1 to i32
    %sign3A_16 = arith.subi %sign3A_12, %sign3A_15 : i32
    %sign3A_17 = arith.constant 0 : i32
    %sign3A_18 = arith.cmpi sgt, %jit3A, %sign3A_17 : i32
    %sign3A_19 = arith.extui %sign3A_18 : i1 to i32
    %sign3A_20 = arith.constant 0 : i32
    %sign3A_21 = arith.cmpi slt, %jit3A, %sign3A_20 : i32
    %sign3A_22 = arith.extui %sign3A_21 : i1 to i32
    %sign3A_23 = arith.subi %sign3A_19, %sign3A_22 : i32
    %ne3A = arith.cmpi ne, %sign3A_16, %sign3A_23 : i32
    %rem3A = arith.remsi %add3A_10, %jit3A : i32
    %ne3A_24 = arith.constant 0 : i32
    %ne3A_25 = arith.cmpi ne, %rem3A, %ne3A_24 : i32
    %and3A = arith.andi %ne3A, %ne3A_25 : i1
    %sub3A = arith.constant 1 : i32
    %sub3A_26 = arith.subi %div3A, %sub3A : i32
    %select_n3A = arith.select %and3A, %sub3A_26, %div3A : i32
    %add3A_27 = arith.constant 0 : i32
    %add3A_28 = arith.addi %add3A_27, %select_n3A : i32
    %jit3A_29 = arith.constant 128 : i32
    %eq3A_30 = arith.constant 0 : i32
    %eq3A_31 = arith.cmpi eq, %jit3A_29, %eq3A_30 : i32
    %jit3A_32 = arith.constant 1 : i32
    %select_n3A_33 = arith.select %eq3A_31, %jit3A_32, %jit3A_29 : i32
    %rem3A_34 = arith.remsi %add3A_10, %select_n3A_33 : i32
    %ne3A_35 = arith.constant 0 : i32
    %ne3A_36 = arith.cmpi ne, %rem3A_34, %ne3A_35 : i32
    %lt3A = arith.constant 0 : i32
    %lt3A_37 = arith.cmpi slt, %rem3A_34, %lt3A : i32
    %lt3A_38 = arith.constant 0 : i32
    %lt3A_39 = arith.cmpi slt, %select_n3A_33, %lt3A_38 : i32
    %ne3A_40 = arith.xori %lt3A_37, %lt3A_39 : i1
    %and3A_41 = arith.andi %ne3A_40, %ne3A_36 : i1
    %add3A_42 = arith.addi %rem3A_34, %select_n3A_33 : i32
    %select_n3A_43 = arith.select %and3A_41, %add3A_42, %rem3A_34 : i32
    %mul3A_44 = arith.constant 32 : i32
    %mul3A_45 = arith.muli %select_n3A_43, %mul3A_44 : i32
    %run_scoped3A = arith.constant 0 : i32
    "tpu.region"() ({
      %run_scoped3A_246 = tpu.sem_alloc : memref<!tpu.dma_semaphore, #tpu.memory_space<semaphore_mem>>
      %dma_start3A_247 = arith.constant 0 : i32
      %dma_start3A_248 = tpu.memref_slice %arg9[%run_scoped3A, %dma_start3A_247] : memref<2x32xi32, #tpu.memory_space<vmem>> -> memref<1x32xi32, #tpu.memory_space<vmem>>
      %dma_start3A_249 = tpu.memref_squeeze %dma_start3A_248 : memref<1x32xi32, #tpu.memory_space<vmem>> -> memref<32xi32, #tpu.memory_space<vmem>>
      %dma_start3A_250 = tpu.memref_slice %arg3[%add3A_28, %mul3A_45] : memref<50x4096xi32, #tpu.memory_space<hbm>> -> memref<1x32xi32, #tpu.memory_space<hbm>>
      %dma_start3A_251 = tpu.memref_squeeze %dma_start3A_250 : memref<1x32xi32, #tpu.memory_space<hbm>> -> memref<32xi32, #tpu.memory_space<hbm>>
      %dma_start3A_252 = arith.constant 0 : i32
      %dma_start3A_253 = tpu.memref_slice %arg9[%run_scoped3A, %dma_start3A_252] : memref<2x32xi32, #tpu.memory_space<vmem>> -> memref<1x32xi32, #tpu.memory_space<vmem>>
      %dma_start3A_254 = tpu.memref_squeeze %dma_start3A_253 : memref<1x32xi32, #tpu.memory_space<vmem>> -> memref<32xi32, #tpu.memory_space<vmem>>
      %dma_start3A_255 = tpu.memref_slice %arg3[%add3A_28, %mul3A_45] : memref<50x4096xi32, #tpu.memory_space<hbm>> -> memref<1x32xi32, #tpu.memory_space<hbm>>
      %dma_start3A_256 = tpu.memref_squeeze %dma_start3A_255 : memref<1x32xi32, #tpu.memory_space<hbm>> -> memref<32xi32, #tpu.memory_space<hbm>>
      tpu.enqueue_dma source(%dma_start3A_256 : memref<32xi32, #tpu.memory_space<hbm>>) target(%dma_start3A_254 : memref<32xi32, #tpu.memory_space<vmem>>) target_semaphore(%run_scoped3A_246 : memref<!tpu.dma_semaphore, #tpu.memory_space<semaphore_mem>>)
      %dma_wait3A_257 = arith.constant 0 : i32
      %dma_wait3A_258 = tpu.memref_slice %arg9[%run_scoped3A, %dma_wait3A_257] : memref<2x32xi32, #tpu.memory_space<vmem>> -> memref<1x32xi32, #tpu.memory_space<vmem>>
      %dma_wait3A_259 = tpu.memref_squeeze %dma_wait3A_258 : memref<1x32xi32, #tpu.memory_space<vmem>> -> memref<32xi32, #tpu.memory_space<vmem>>
      %dma_wait3A_260 = tpu.memref_slice %arg3[%add3A_28, %mul3A_45] : memref<50x4096xi32, #tpu.memory_space<hbm>> -> memref<1x32xi32, #tpu.memory_space<hbm>>
      %dma_wait3A_261 = tpu.memref_squeeze %dma_wait3A_260 : memref<1x32xi32, #tpu.memory_space<hbm>> -> memref<32xi32, #tpu.memory_space<hbm>>
      %dma_wait3A_262 = arith.constant 0 : i32
      %dma_wait3A_263 = tpu.memref_slice %arg9[%run_scoped3A, %dma_wait3A_262] : memref<2x32xi32, #tpu.memory_space<vmem>> -> memref<1x32xi32, #tpu.memory_space<vmem>>
      %dma_wait3A_264 = tpu.memref_squeeze %dma_wait3A_263 : memref<1x32xi32, #tpu.memory_space<vmem>> -> memref<32xi32, #tpu.memory_space<vmem>>
      %dma_wait3A_265 = tpu.memref_slice %arg3[%add3A_28, %mul3A_45] : memref<50x4096xi32, #tpu.memory_space<hbm>> -> memref<1x32xi32, #tpu.memory_space<hbm>>
      %dma_wait3A_266 = tpu.memref_squeeze %dma_wait3A_265 : memref<1x32xi32, #tpu.memory_space<hbm>> -> memref<32xi32, #tpu.memory_space<hbm>>
      tpu.wait_dma2 semaphore(%run_scoped3A_246 : memref<!tpu.dma_semaphore, #tpu.memory_space<semaphore_mem>>) src(%dma_wait3A_266 : memref<32xi32, #tpu.memory_space<hbm>>) dst(%dma_wait3A_264 : memref<32xi32, #tpu.memory_space<vmem>>)
      tpu.yield
    }) : () -> ()
    %run_scoped3A_46 = arith.constant 0 : i32
    "tpu.region"() ({
      %run_scoped3A_246 = tpu.sem_alloc : memref<!tpu.dma_semaphore, #tpu.memory_space<semaphore_mem>>
      %dma_start3A_247 = arith.constant 0 : i32
      %dma_start3A_248 = tpu.memref_slice %arg10[%run_scoped3A_46, %dma_start3A_247] : memref<2x32xi32, #tpu.memory_space<vmem>> -> memref<1x32xi32, #tpu.memory_space<vmem>>
      %dma_start3A_249 = tpu.memref_squeeze %dma_start3A_248 : memref<1x32xi32, #tpu.memory_space<vmem>> -> memref<32xi32, #tpu.memory_space<vmem>>
      %dma_start3A_250 = tpu.memref_slice %arg4[%add3A_28, %mul3A_45] : memref<50x4096xi32, #tpu.memory_space<hbm>> -> memref<1x32xi32, #tpu.memory_space<hbm>>
      %dma_start3A_251 = tpu.memref_squeeze %dma_start3A_250 : memref<1x32xi32, #tpu.memory_space<hbm>> -> memref<32xi32, #tpu.memory_space<hbm>>
      %dma_start3A_252 = arith.constant 0 : i32
      %dma_start3A_253 = tpu.memref_slice %arg10[%run_scoped3A_46, %dma_start3A_252] : memref<2x32xi32, #tpu.memory_space<vmem>> -> memref<1x32xi32, #tpu.memory_space<vmem>>
      %dma_start3A_254 = tpu.memref_squeeze %dma_start3A_253 : memref<1x32xi32, #tpu.memory_space<vmem>> -> memref<32xi32, #tpu.memory_space<vmem>>
      %dma_start3A_255 = tpu.memref_slice %arg4[%add3A_28, %mul3A_45] : memref<50x4096xi32, #tpu.memory_space<hbm>> -> memref<1x32xi32, #tpu.memory_space<hbm>>
      %dma_start3A_256 = tpu.memref_squeeze %dma_start3A_255 : memref<1x32xi32, #tpu.memory_space<hbm>> -> memref<32xi32, #tpu.memory_space<hbm>>
      tpu.enqueue_dma source(%dma_start3A_256 : memref<32xi32, #tpu.memory_space<hbm>>) target(%dma_start3A_254 : memref<32xi32, #tpu.memory_space<vmem>>) target_semaphore(%run_scoped3A_246 : memref<!tpu.dma_semaphore, #tpu.memory_space<semaphore_mem>>)
      %dma_wait3A_257 = arith.constant 0 : i32
      %dma_wait3A_258 = tpu.memref_slice %arg10[%run_scoped3A_46, %dma_wait3A_257] : memref<2x32xi32, #tpu.memory_space<vmem>> -> memref<1x32xi32, #tpu.memory_space<vmem>>
      %dma_wait3A_259 = tpu.memref_squeeze %dma_wait3A_258 : memref<1x32xi32, #tpu.memory_space<vmem>> -> memref<32xi32, #tpu.memory_space<vmem>>
      %dma_wait3A_260 = tpu.memref_slice %arg4[%add3A_28, %mul3A_45] : memref<50x4096xi32, #tpu.memory_space<hbm>> -> memref<1x32xi32, #tpu.memory_space<hbm>>
      %dma_wait3A_261 = tpu.memref_squeeze %dma_wait3A_260 : memref<1x32xi32, #tpu.memory_space<hbm>> -> memref<32xi32, #tpu.memory_space<hbm>>
      %dma_wait3A_262 = arith.constant 0 : i32
      %dma_wait3A_263 = tpu.memref_slice %arg10[%run_scoped3A_46, %dma_wait3A_262] : memref<2x32xi32, #tpu.memory_space<vmem>> -> memref<1x32xi32, #tpu.memory_space<vmem>>
      %dma_wait3A_264 = tpu.memref_squeeze %dma_wait3A_263 : memref<1x32xi32, #tpu.memory_space<vmem>> -> memref<32xi32, #tpu.memory_space<vmem>>
      %dma_wait3A_265 = tpu.memref_slice %arg4[%add3A_28, %mul3A_45] : memref<50x4096xi32, #tpu.memory_space<hbm>> -> memref<1x32xi32, #tpu.memory_space<hbm>>
      %dma_wait3A_266 = tpu.memref_squeeze %dma_wait3A_265 : memref<1x32xi32, #tpu.memory_space<hbm>> -> memref<32xi32, #tpu.memory_space<hbm>>
      tpu.wait_dma2 semaphore(%run_scoped3A_246 : memref<!tpu.dma_semaphore, #tpu.memory_space<semaphore_mem>>) src(%dma_wait3A_266 : memref<32xi32, #tpu.memory_space<hbm>>) dst(%dma_wait3A_264 : memref<32xi32, #tpu.memory_space<vmem>>)
      tpu.yield
    }) : () -> ()
    %dma_start3A = arith.constant 0 : i32
    %dma_start3A_47 = arith.constant 0 : i32
    %dma_start3A_48 = arith.constant 0 : i32
    %dma_start3A_49 = arith.constant 0 : i32
    %dma_start3A_50 = tpu.memref_slice %arg12[%dma_start3A_47, %dma_start3A_48, %dma_start3A_49] : memref<2x32x1024xf32, #tpu.memory_space<vmem>> -> memref<1x32x1024xf32, #tpu.memory_space<vmem>>
    %dma_start3A_51 = tpu.memref_squeeze %dma_start3A_50 : memref<1x32x1024xf32, #tpu.memory_space<vmem>> -> memref<32x1024xf32, #tpu.memory_space<vmem>>
    %dma_start3A_52 = arith.constant 0 : i32
    %dma_start3A_53 = tpu.memref_slice %arg9[%dma_start3A, %dma_start3A_52] : memref<2x32xi32, #tpu.memory_space<vmem>> -> memref<1x32xi32, #tpu.memory_space<vmem>>
    %dma_start3A_54 = tpu.memref_squeeze %dma_start3A_53 : memref<1x32xi32, #tpu.memory_space<vmem>> -> memref<32xi32, #tpu.memory_space<vmem>>
    %dma_start3A_55 = arith.constant 0 : i32
    %dma_start3A_56 = arith.constant 0 : i32
    %dma_start3A_57 = tpu.memref_slice %arg8[%dma_start3A_55, %dma_start3A_56] : memref<1000x1024xf32, #tpu.memory_space<vmem_shared>> -> memref<1000x1024xf32, #tpu.memory_space<vmem_shared>>
    tpu.enqueue_indirect_dma source(%dma_start3A_57 : memref<1000x1024xf32, #tpu.memory_space<vmem_shared>>) target(%dma_start3A_51 : memref<32x1024xf32, #tpu.memory_space<vmem>>) offsets(%dma_start3A_54 : memref<32xi32, #tpu.memory_space<vmem>>) semaphore(%arg14 : memref<!tpu.dma_semaphore, #tpu.memory_space<semaphore_mem>>)
    %add3A_58 = arith.constant 1 : i32
    %add3A_59 = arith.addi %mul3A_6, %add3A_58 : i32
    %jit3A_60 = arith.constant 128 : i32
    %div3A_61 = arith.divsi %add3A_59, %jit3A_60 : i32
    %sign3A_62 = arith.constant 0 : i32
    %sign3A_63 = arith.cmpi sgt, %add3A_59, %sign3A_62 : i32
    %sign3A_64 = arith.extui %sign3A_63 : i1 to i32
    %sign3A_65 = arith.constant 0 : i32
    %sign3A_66 = arith.cmpi slt, %add3A_59, %sign3A_65 : i32
    %sign3A_67 = arith.extui %sign3A_66 : i1 to i32
    %sign3A_68 = arith.subi %sign3A_64, %sign3A_67 : i32
    %sign3A_69 = arith.constant 0 : i32
    %sign3A_70 = arith.cmpi sgt, %jit3A_60, %sign3A_69 : i32
    %sign3A_71 = arith.extui %sign3A_70 : i1 to i32
    %sign3A_72 = arith.constant 0 : i32
    %sign3A_73 = arith.cmpi slt, %jit3A_60, %sign3A_72 : i32
    %sign3A_74 = arith.extui %sign3A_73 : i1 to i32
    %sign3A_75 = arith.subi %sign3A_71, %sign3A_74 : i32
    %ne3A_76 = arith.cmpi ne, %sign3A_68, %sign3A_75 : i32
    %rem3A_77 = arith.remsi %add3A_59, %jit3A_60 : i32
    %ne3A_78 = arith.constant 0 : i32
    %ne3A_79 = arith.cmpi ne, %rem3A_77, %ne3A_78 : i32
    %and3A_80 = arith.andi %ne3A_76, %ne3A_79 : i1
    %sub3A_81 = arith.constant 1 : i32
    %sub3A_82 = arith.subi %div3A_61, %sub3A_81 : i32
    %select_n3A_83 = arith.select %and3A_80, %sub3A_82, %div3A_61 : i32
    %add3A_84 = arith.constant 0 : i32
    %add3A_85 = arith.addi %add3A_84, %select_n3A_83 : i32
    %jit3A_86 = arith.constant 128 : i32
    %eq3A_87 = arith.constant 0 : i32
    %eq3A_88 = arith.cmpi eq, %jit3A_86, %eq3A_87 : i32
    %jit3A_89 = arith.constant 1 : i32
    %select_n3A_90 = arith.select %eq3A_88, %jit3A_89, %jit3A_86 : i32
    %rem3A_91 = arith.remsi %add3A_59, %select_n3A_90 : i32
    %ne3A_92 = arith.constant 0 : i32
    %ne3A_93 = arith.cmpi ne, %rem3A_91, %ne3A_92 : i32
    %lt3A_94 = arith.constant 0 : i32
    %lt3A_95 = arith.cmpi slt, %rem3A_91, %lt3A_94 : i32
    %lt3A_96 = arith.constant 0 : i32
    %lt3A_97 = arith.cmpi slt, %select_n3A_90, %lt3A_96 : i32
    %ne3A_98 = arith.xori %lt3A_95, %lt3A_97 : i1
    %and3A_99 = arith.andi %ne3A_98, %ne3A_93 : i1
    %add3A_100 = arith.addi %rem3A_91, %select_n3A_90 : i32
    %select_n3A_101 = arith.select %and3A_99, %add3A_100, %rem3A_91 : i32
    %mul3A_102 = arith.constant 32 : i32
    %mul3A_103 = arith.muli %select_n3A_101, %mul3A_102 : i32
    %run_scoped3A_104 = arith.constant 1 : i32
    "tpu.region"() ({
      %run_scoped3A_246 = tpu.sem_alloc : memref<!tpu.dma_semaphore, #tpu.memory_space<semaphore_mem>>
      %dma_start3A_247 = arith.constant 0 : i32
      %dma_start3A_248 = tpu.memref_slice %arg9[%run_scoped3A_104, %dma_start3A_247] : memref<2x32xi32, #tpu.memory_space<vmem>> -> memref<1x32xi32, #tpu.memory_space<vmem>>
      %dma_start3A_249 = tpu.memref_squeeze %dma_start3A_248 : memref<1x32xi32, #tpu.memory_space<vmem>> -> memref<32xi32, #tpu.memory_space<vmem>>
      %dma_start3A_250 = tpu.memref_slice %arg3[%add3A_85, %mul3A_103] : memref<50x4096xi32, #tpu.memory_space<hbm>> -> memref<1x32xi32, #tpu.memory_space<hbm>>
      %dma_start3A_251 = tpu.memref_squeeze %dma_start3A_250 : memref<1x32xi32, #tpu.memory_space<hbm>> -> memref<32xi32, #tpu.memory_space<hbm>>
      %dma_start3A_252 = arith.constant 0 : i32
      %dma_start3A_253 = tpu.memref_slice %arg9[%run_scoped3A_104, %dma_start3A_252] : memref<2x32xi32, #tpu.memory_space<vmem>> -> memref<1x32xi32, #tpu.memory_space<vmem>>
      %dma_start3A_254 = tpu.memref_squeeze %dma_start3A_253 : memref<1x32xi32, #tpu.memory_space<vmem>> -> memref<32xi32, #tpu.memory_space<vmem>>
      %dma_start3A_255 = tpu.memref_slice %arg3[%add3A_85, %mul3A_103] : memref<50x4096xi32, #tpu.memory_space<hbm>> -> memref<1x32xi32, #tpu.memory_space<hbm>>
      %dma_start3A_256 = tpu.memref_squeeze %dma_start3A_255 : memref<1x32xi32, #tpu.memory_space<hbm>> -> memref<32xi32, #tpu.memory_space<hbm>>
      tpu.enqueue_dma source(%dma_start3A_256 : memref<32xi32, #tpu.memory_space<hbm>>) target(%dma_start3A_254 : memref<32xi32, #tpu.memory_space<vmem>>) target_semaphore(%run_scoped3A_246 : memref<!tpu.dma_semaphore, #tpu.memory_space<semaphore_mem>>)
      %dma_wait3A_257 = arith.constant 0 : i32
      %dma_wait3A_258 = tpu.memref_slice %arg9[%run_scoped3A_104, %dma_wait3A_257] : memref<2x32xi32, #tpu.memory_space<vmem>> -> memref<1x32xi32, #tpu.memory_space<vmem>>
      %dma_wait3A_259 = tpu.memref_squeeze %dma_wait3A_258 : memref<1x32xi32, #tpu.memory_space<vmem>> -> memref<32xi32, #tpu.memory_space<vmem>>
      %dma_wait3A_260 = tpu.memref_slice %arg3[%add3A_85, %mul3A_103] : memref<50x4096xi32, #tpu.memory_space<hbm>> -> memref<1x32xi32, #tpu.memory_space<hbm>>
      %dma_wait3A_261 = tpu.memref_squeeze %dma_wait3A_260 : memref<1x32xi32, #tpu.memory_space<hbm>> -> memref<32xi32, #tpu.memory_space<hbm>>
      %dma_wait3A_262 = arith.constant 0 : i32
      %dma_wait3A_263 = tpu.memref_slice %arg9[%run_scoped3A_104, %dma_wait3A_262] : memref<2x32xi32, #tpu.memory_space<vmem>> -> memref<1x32xi32, #tpu.memory_space<vmem>>
      %dma_wait3A_264 = tpu.memref_squeeze %dma_wait3A_263 : memref<1x32xi32, #tpu.memory_space<vmem>> -> memref<32xi32, #tpu.memory_space<vmem>>
      %dma_wait3A_265 = tpu.memref_slice %arg3[%add3A_85, %mul3A_103] : memref<50x4096xi32, #tpu.memory_space<hbm>> -> memref<1x32xi32, #tpu.memory_space<hbm>>
      %dma_wait3A_266 = tpu.memref_squeeze %dma_wait3A_265 : memref<1x32xi32, #tpu.memory_space<hbm>> -> memref<32xi32, #tpu.memory_space<hbm>>
      tpu.wait_dma2 semaphore(%run_scoped3A_246 : memref<!tpu.dma_semaphore, #tpu.memory_space<semaphore_mem>>) src(%dma_wait3A_266 : memref<32xi32, #tpu.memory_space<hbm>>) dst(%dma_wait3A_264 : memref<32xi32, #tpu.memory_space<vmem>>)
      tpu.yield
    }) : () -> ()
    %run_scoped3A_105 = arith.constant 1 : i32
    "tpu.region"() ({
      %run_scoped3A_246 = tpu.sem_alloc : memref<!tpu.dma_semaphore, #tpu.memory_space<semaphore_mem>>
      %dma_start3A_247 = arith.constant 0 : i32
      %dma_start3A_248 = tpu.memref_slice %arg10[%run_scoped3A_105, %dma_start3A_247] : memref<2x32xi32, #tpu.memory_space<vmem>> -> memref<1x32xi32, #tpu.memory_space<vmem>>
      %dma_start3A_249 = tpu.memref_squeeze %dma_start3A_248 : memref<1x32xi32, #tpu.memory_space<vmem>> -> memref<32xi32, #tpu.memory_space<vmem>>
      %dma_start3A_250 = tpu.memref_slice %arg4[%add3A_85, %mul3A_103] : memref<50x4096xi32, #tpu.memory_space<hbm>> -> memref<1x32xi32, #tpu.memory_space<hbm>>
      %dma_start3A_251 = tpu.memref_squeeze %dma_start3A_250 : memref<1x32xi32, #tpu.memory_space<hbm>> -> memref<32xi32, #tpu.memory_space<hbm>>
      %dma_start3A_252 = arith.constant 0 : i32
      %dma_start3A_253 = tpu.memref_slice %arg10[%run_scoped3A_105, %dma_start3A_252] : memref<2x32xi32, #tpu.memory_space<vmem>> -> memref<1x32xi32, #tpu.memory_space<vmem>>
      %dma_start3A_254 = tpu.memref_squeeze %dma_start3A_253 : memref<1x32xi32, #tpu.memory_space<vmem>> -> memref<32xi32, #tpu.memory_space<vmem>>
      %dma_start3A_255 = tpu.memref_slice %arg4[%add3A_85, %mul3A_103] : memref<50x4096xi32, #tpu.memory_space<hbm>> -> memref<1x32xi32, #tpu.memory_space<hbm>>
      %dma_start3A_256 = tpu.memref_squeeze %dma_start3A_255 : memref<1x32xi32, #tpu.memory_space<hbm>> -> memref<32xi32, #tpu.memory_space<hbm>>
      tpu.enqueue_dma source(%dma_start3A_256 : memref<32xi32, #tpu.memory_space<hbm>>) target(%dma_start3A_254 : memref<32xi32, #tpu.memory_space<vmem>>) target_semaphore(%run_scoped3A_246 : memref<!tpu.dma_semaphore, #tpu.memory_space<semaphore_mem>>)
      %dma_wait3A_257 = arith.constant 0 : i32
      %dma_wait3A_258 = tpu.memref_slice %arg10[%run_scoped3A_105, %dma_wait3A_257] : memref<2x32xi32, #tpu.memory_space<vmem>> -> memref<1x32xi32, #tpu.memory_space<vmem>>
      %dma_wait3A_259 = tpu.memref_squeeze %dma_wait3A_258 : memref<1x32xi32, #tpu.memory_space<vmem>> -> memref<32xi32, #tpu.memory_space<vmem>>
      %dma_wait3A_260 = tpu.memref_slice %arg4[%add3A_85, %mul3A_103] : memref<50x4096xi32, #tpu.memory_space<hbm>> -> memref<1x32xi32, #tpu.memory_space<hbm>>
      %dma_wait3A_261 = tpu.memref_squeeze %dma_wait3A_260 : memref<1x32xi32, #tpu.memory_space<hbm>> -> memref<32xi32, #tpu.memory_space<hbm>>
      %dma_wait3A_262 = arith.constant 0 : i32
      %dma_wait3A_263 = tpu.memref_slice %arg10[%run_scoped3A_105, %dma_wait3A_262] : memref<2x32xi32, #tpu.memory_space<vmem>> -> memref<1x32xi32, #tpu.memory_space<vmem>>
      %dma_wait3A_264 = tpu.memref_squeeze %dma_wait3A_263 : memref<1x32xi32, #tpu.memory_space<vmem>> -> memref<32xi32, #tpu.memory_space<vmem>>
      %dma_wait3A_265 = tpu.memref_slice %arg4[%add3A_85, %mul3A_103] : memref<50x4096xi32, #tpu.memory_space<hbm>> -> memref<1x32xi32, #tpu.memory_space<hbm>>
      %dma_wait3A_266 = tpu.memref_squeeze %dma_wait3A_265 : memref<1x32xi32, #tpu.memory_space<hbm>> -> memref<32xi32, #tpu.memory_space<hbm>>
      tpu.wait_dma2 semaphore(%run_scoped3A_246 : memref<!tpu.dma_semaphore, #tpu.memory_space<semaphore_mem>>) src(%dma_wait3A_266 : memref<32xi32, #tpu.memory_space<hbm>>) dst(%dma_wait3A_264 : memref<32xi32, #tpu.memory_space<vmem>>)
      tpu.yield
    }) : () -> ()
    %dma_start3A_106 = arith.constant 1 : i32
    %dma_start3A_107 = arith.constant 1 : i32
    %dma_start3A_108 = arith.constant 0 : i32
    %dma_start3A_109 = arith.constant 0 : i32
    %dma_start3A_110 = tpu.memref_slice %arg12[%dma_start3A_107, %dma_start3A_108, %dma_start3A_109] : memref<2x32x1024xf32, #tpu.memory_space<vmem>> -> memref<1x32x1024xf32, #tpu.memory_space<vmem>>
    %dma_start3A_111 = tpu.memref_squeeze %dma_start3A_110 : memref<1x32x1024xf32, #tpu.memory_space<vmem>> -> memref<32x1024xf32, #tpu.memory_space<vmem>>
    %dma_start3A_112 = arith.constant 0 : i32
    %dma_start3A_113 = tpu.memref_slice %arg9[%dma_start3A_106, %dma_start3A_112] : memref<2x32xi32, #tpu.memory_space<vmem>> -> memref<1x32xi32, #tpu.memory_space<vmem>>
    %dma_start3A_114 = tpu.memref_squeeze %dma_start3A_113 : memref<1x32xi32, #tpu.memory_space<vmem>> -> memref<32xi32, #tpu.memory_space<vmem>>
    %dma_start3A_115 = arith.constant 0 : i32
    %dma_start3A_116 = arith.constant 0 : i32
    %dma_start3A_117 = tpu.memref_slice %arg8[%dma_start3A_115, %dma_start3A_116] : memref<1000x1024xf32, #tpu.memory_space<vmem_shared>> -> memref<1000x1024xf32, #tpu.memory_space<vmem_shared>>
    tpu.enqueue_indirect_dma source(%dma_start3A_117 : memref<1000x1024xf32, #tpu.memory_space<vmem_shared>>) target(%dma_start3A_111 : memref<32x1024xf32, #tpu.memory_space<vmem>>) offsets(%dma_start3A_114 : memref<32xi32, #tpu.memory_space<vmem>>) semaphore(%arg15 : memref<!tpu.dma_semaphore, #tpu.memory_space<semaphore_mem>>)
    %scan3A = arith.constant 0 : i32
    %scan3A_118 = arith.constant 0 : i32
    %scan3A_119 = arith.constant 50 : i32
    %scan3A_120 = arith.addi %scan3A_118, %scan3A_119 : i32
    %scan3A_121 = arith.constant 1 : i32
    scf.for %scan3A_246 = %scan3A_118 to %scan3A_120 step %scan3A_121  : i32 {
      %mul3A_247 = arith.constant 2 : i32
      %mul3A_248 = arith.muli %scan3A_246, %mul3A_247 : i32
      %add3A_249 = arith.addi %mul3A_6, %mul3A_248 : i32
      %add3A_250 = arith.constant 0 : i32
      %add3A_251 = arith.addi %add3A_249, %add3A_250 : i32
      %jit3A_252 = arith.constant 128 : i32
      %div3A_253 = arith.divsi %add3A_251, %jit3A_252 : i32
      %sign3A_254 = arith.constant 0 : i32
      %sign3A_255 = arith.cmpi sgt, %add3A_251, %sign3A_254 : i32
      %sign3A_256 = arith.extui %sign3A_255 : i1 to i32
      %sign3A_257 = arith.constant 0 : i32
      %sign3A_258 = arith.cmpi slt, %add3A_251, %sign3A_257 : i32
      %sign3A_259 = arith.extui %sign3A_258 : i1 to i32
      %sign3A_260 = arith.subi %sign3A_256, %sign3A_259 : i32
      %sign3A_261 = arith.constant 0 : i32
      %sign3A_262 = arith.cmpi sgt, %jit3A_252, %sign3A_261 : i32
      %sign3A_263 = arith.extui %sign3A_262 : i1 to i32
      %sign3A_264 = arith.constant 0 : i32
      %sign3A_265 = arith.cmpi slt, %jit3A_252, %sign3A_264 : i32
      %sign3A_266 = arith.extui %sign3A_265 : i1 to i32
      %sign3A_267 = arith.subi %sign3A_263, %sign3A_266 : i32
      %ne3A_268 = arith.cmpi ne, %sign3A_260, %sign3A_267 : i32
      %rem3A_269 = arith.remsi %add3A_251, %jit3A_252 : i32
      %ne3A_270 = arith.constant 0 : i32
      %ne3A_271 = arith.cmpi ne, %rem3A_269, %ne3A_270 : i32
      %and3A_272 = arith.andi %ne3A_268, %ne3A_271 : i1
      %sub3A_273 = arith.constant 1 : i32
      %sub3A_274 = arith.subi %div3A_253, %sub3A_273 : i32
      %select_n3A_275 = arith.select %and3A_272, %sub3A_274, %div3A_253 : i32
      %jit3A_276 = arith.constant 128 : i32
      %eq3A_277 = arith.constant 0 : i32
      %eq3A_278 = arith.cmpi eq, %jit3A_276, %eq3A_277 : i32
      %jit3A_279 = arith.constant 1 : i32
      %select_n3A_280 = arith.select %eq3A_278, %jit3A_279, %jit3A_276 : i32
      %rem3A_281 = arith.remsi %add3A_251, %select_n3A_280 : i32
      %ne3A_282 = arith.constant 0 : i32
      %ne3A_283 = arith.cmpi ne, %rem3A_281, %ne3A_282 : i32
      %lt3A_284 = arith.constant 0 : i32
      %lt3A_285 = arith.cmpi slt, %rem3A_281, %lt3A_284 : i32
      %lt3A_286 = arith.constant 0 : i32
      %lt3A_287 = arith.cmpi slt, %select_n3A_280, %lt3A_286 : i32
      %ne3A_288 = arith.xori %lt3A_285, %lt3A_287 : i1
      %and3A_289 = arith.andi %ne3A_288, %ne3A_283 : i1
      %add3A_290 = arith.addi %rem3A_281, %select_n3A_280 : i32
      %select_n3A_291 = arith.select %and3A_289, %add3A_290, %rem3A_281 : i32
      %mul3A_292 = arith.constant 32 : i32
      %mul3A_293 = arith.muli %select_n3A_291, %mul3A_292 : i32
      %dma_wait3A_294 = arith.constant 0 : i32
      %dma_wait3A_295 = arith.constant 0 : i32
      %dma_wait3A_296 = arith.constant 0 : i32
      %dma_wait3A_297 = arith.constant 0 : i32
      %dma_wait3A_298 = tpu.memref_slice %arg12[%dma_wait3A_295, %dma_wait3A_296, %dma_wait3A_297] : memref<2x32x1024xf32, #tpu.memory_space<vmem>> -> memref<1x32x1024xf32, #tpu.memory_space<vmem>>
      %dma_wait3A_299 = tpu.memref_squeeze %dma_wait3A_298 : memref<1x32x1024xf32, #tpu.memory_space<vmem>> -> memref<32x1024xf32, #tpu.memory_space<vmem>>
      %dma_wait3A_300 = arith.constant 0 : i32
      %dma_wait3A_301 = tpu.memref_slice %arg9[%dma_wait3A_294, %dma_wait3A_300] : memref<2x32xi32, #tpu.memory_space<vmem>> -> memref<1x32xi32, #tpu.memory_space<vmem>>
      %dma_wait3A_302 = tpu.memref_squeeze %dma_wait3A_301 : memref<1x32xi32, #tpu.memory_space<vmem>> -> memref<32xi32, #tpu.memory_space<vmem>>
      %dma_wait3A_303 = arith.constant 0 : i32
      %dma_wait3A_304 = arith.constant 0 : i32
      %dma_wait3A_305 = tpu.memref_slice %arg8[%dma_wait3A_303, %dma_wait3A_304] : memref<1000x1024xf32, #tpu.memory_space<vmem_shared>> -> memref<1000x1024xf32, #tpu.memory_space<vmem_shared>>
      tpu.wait_indirect_dma semaphore(%arg14 : memref<!tpu.dma_semaphore, #tpu.memory_space<semaphore_mem>>) src(%dma_wait3A_305 : memref<1000x1024xf32, #tpu.memory_space<vmem_shared>>) dst(%dma_wait3A_299 : memref<32x1024xf32, #tpu.memory_space<vmem>>)
      %get3A = arith.constant 0 : index
      %get3A_306 = tpu.vector_load %arg13[%get3A] {strides = array<i32>} : memref<16xf32, #tpu.memory_space<vmem>>, vector<16xf32>,
      %get3A_307 = arith.constant 0 : i32
      %get3A_308 = arith.index_cast %get3A_307 : i32 to index
      %get3A_309 = arith.constant 0 : index
      %get3A_310 = tpu.vector_load %arg9[%get3A_308, %get3A_309] {strides = array<i32>} : memref<2x32xi32, #tpu.memory_space<vmem>>, vector<16xi32>,
      %get3A_311 = arith.constant 0 : i32
      %get3A_312 = arith.index_cast %get3A_311 : i32 to index
      %get3A_313 = arith.constant 0 : index
      %get3A_314 = tpu.vector_load %arg10[%get3A_312, %get3A_313] {strides = array<i32>} : memref<2x32xi32, #tpu.memory_space<vmem>>, vector<16xi32>,
      %gather3A = tpu.vector_load_idx %arg11[%get3A_310] : memref<1000xf32, #tpu.memory_space<vmem>>[vector<16xi32>], vector<16xf32>,
      %add3A_315 = arith.constant 0 : i32
      %add3A_316 = vector.broadcast %add3A_315 : i32 to vector<16xi32>
      %add3A_317 = arith.addi %iota3A, %add3A_316 : vector<16xi32>
      %gather3A_318 = arith.constant 0 : i32
      %gather3A_319 = arith.constant 0 : i32
      %gather3A_320 = arith.constant 0 : i32
      %gather3A_321 = tpu.memref_slice %arg12[%gather3A_318, %gather3A_319, %gather3A_320] : memref<2x32x1024xf32, #tpu.memory_space<vmem>> -> memref<1x32x1024xf32, #tpu.memory_space<vmem>>
      %gather3A_322 = tpu.memref_squeeze %gather3A_321 : memref<1x32x1024xf32, #tpu.memory_space<vmem>> -> memref<32x1024xf32, #tpu.memory_space<vmem>>
      %gather3A_323 = tpu.vector_load_idx %gather3A_322[%add3A_317, %get3A_314] : memref<32x1024xf32, #tpu.memory_space<vmem>>[vector<16xi32>, vector<16xi32>], vector<16xf32>,
      %sub3A_324 = arith.subf %gather3A, %gather3A_323 : vector<16xf32>
      %add3A_325 = arith.addf %get3A_306, %sub3A_324 : vector<16xf32>
      %get3A_326 = arith.constant 0 : i32
      %get3A_327 = arith.index_cast %get3A_326 : i32 to index
      %get3A_328 = arith.constant 16 : index
      %get3A_329 = tpu.vector_load %arg9[%get3A_327, %get3A_328] {strides = array<i32>} : memref<2x32xi32, #tpu.memory_space<vmem>>, vector<16xi32>,
      %get3A_330 = arith.constant 0 : i32
      %get3A_331 = arith.index_cast %get3A_330 : i32 to index
      %get3A_332 = arith.constant 16 : index
      %get3A_333 = tpu.vector_load %arg10[%get3A_331, %get3A_332] {strides = array<i32>} : memref<2x32xi32, #tpu.memory_space<vmem>>, vector<16xi32>,
      %gather3A_334 = tpu.vector_load_idx %arg11[%get3A_329] : memref<1000xf32, #tpu.memory_space<vmem>>[vector<16xi32>], vector<16xf32>,
      %add3A_335 = arith.constant 16 : i32
      %add3A_336 = vector.broadcast %add3A_335 : i32 to vector<16xi32>
      %add3A_337 = arith.addi %iota3A, %add3A_336 : vector<16xi32>
      %gather3A_338 = arith.constant 0 : i32
      %gather3A_339 = arith.constant 0 : i32
      %gather3A_340 = arith.constant 0 : i32
      %gather3A_341 = tpu.memref_slice %arg12[%gather3A_338, %gather3A_339, %gather3A_340] : memref<2x32x1024xf32, #tpu.memory_space<vmem>> -> memref<1x32x1024xf32, #tpu.memory_space<vmem>>
      %gather3A_342 = tpu.memref_squeeze %gather3A_341 : memref<1x32x1024xf32, #tpu.memory_space<vmem>> -> memref<32x1024xf32, #tpu.memory_space<vmem>>
      %gather3A_343 = tpu.vector_load_idx %gather3A_342[%add3A_337, %get3A_333] : memref<32x1024xf32, #tpu.memory_space<vmem>>[vector<16xi32>, vector<16xi32>], vector<16xf32>,
      %sub3A_344 = arith.subf %gather3A_334, %gather3A_343 : vector<16xf32>
      %add3A_345 = arith.addf %add3A_325, %sub3A_344 : vector<16xf32>
      %swap3A_346 = arith.constant 0 : index
      %swap3A_347 = tpu.vector_load %arg13[%swap3A_346] {strides = array<i32>} : memref<16xf32, #tpu.memory_space<vmem>>, vector<16xf32>,
      tpu.vector_store %arg13[%swap3A_346], %add3A_345 {strides = array<i32>} : memref<16xf32, #tpu.memory_space<vmem>>, vector<16xf32>,
      %mul3A_348 = arith.constant 4096 : i32
      %mul3A_349 = arith.muli %select_n3A_275, %mul3A_348 : i32
      %add3A_350 = arith.addi %mul3A_349, %mul3A_293 : i32
      %dma_start3A_351 = arith.constant 0 : i32
      %dma_start3A_352 = arith.constant 0 : i32
      %dma_start3A_353 = arith.constant 0 : i32
      %dma_start3A_354 = tpu.memref_slice %arg12[%dma_start3A_351, %dma_start3A_352, %dma_start3A_353] : memref<2x32x1024xf32, #tpu.memory_space<vmem>> -> memref<1x32x1024xf32, #tpu.memory_space<vmem>>
      %dma_start3A_355 = tpu.memref_squeeze %dma_start3A_354 : memref<1x32x1024xf32, #tpu.memory_space<vmem>> -> memref<32x1024xf32, #tpu.memory_space<vmem>>
      %dma_start3A_356 = arith.constant 0 : i32
      %dma_start3A_357 = tpu.memref_slice %arg6[%add3A_350, %dma_start3A_356] : memref<102400x1024xf32, #tpu.memory_space<hbm>> -> memref<32x1024xf32, #tpu.memory_space<hbm>>
      %dma_start3A_358 = arith.constant 0 : i32
      %dma_start3A_359 = tpu.memref_slice %arg6[%add3A_350, %dma_start3A_358] : memref<102400x1024xf32, #tpu.memory_space<hbm>> -> memref<32x1024xf32, #tpu.memory_space<hbm>>
      %dma_start3A_360 = arith.constant 0 : i32
      %dma_start3A_361 = arith.constant 0 : i32
      %dma_start3A_362 = tpu.memref_slice %arg12[%dma_start3A_351, %dma_start3A_360, %dma_start3A_361] : memref<2x32x1024xf32, #tpu.memory_space<vmem>> -> memref<1x32x1024xf32, #tpu.memory_space<vmem>>
      %dma_start3A_363 = tpu.memref_squeeze %dma_start3A_362 : memref<1x32x1024xf32, #tpu.memory_space<vmem>> -> memref<32x1024xf32, #tpu.memory_space<vmem>>
      tpu.enqueue_dma source(%dma_start3A_363 : memref<32x1024xf32, #tpu.memory_space<vmem>>) target(%dma_start3A_359 : memref<32x1024xf32, #tpu.memory_space<hbm>>) target_semaphore(%arg16 : memref<!tpu.dma_semaphore, #tpu.memory_space<semaphore_mem>>)
      %add3A_364 = arith.constant 1 : i32
      %add3A_365 = arith.addi %add3A_249, %add3A_364 : i32
      %jit3A_366 = arith.constant 128 : i32
      %div3A_367 = arith.divsi %add3A_365, %jit3A_366 : i32
      %sign3A_368 = arith.constant 0 : i32
      %sign3A_369 = arith.cmpi sgt, %add3A_365, %sign3A_368 : i32
      %sign3A_370 = arith.extui %sign3A_369 : i1 to i32
      %sign3A_371 = arith.constant 0 : i32
      %sign3A_372 = arith.cmpi slt, %add3A_365, %sign3A_371 : i32
      %sign3A_373 = arith.extui %sign3A_372 : i1 to i32
      %sign3A_374 = arith.subi %sign3A_370, %sign3A_373 : i32
      %sign3A_375 = arith.constant 0 : i32
      %sign3A_376 = arith.cmpi sgt, %jit3A_366, %sign3A_375 : i32
      %sign3A_377 = arith.extui %sign3A_376 : i1 to i32
      %sign3A_378 = arith.constant 0 : i32
      %sign3A_379 = arith.cmpi slt, %jit3A_366, %sign3A_378 : i32
      %sign3A_380 = arith.extui %sign3A_379 : i1 to i32
      %sign3A_381 = arith.subi %sign3A_377, %sign3A_380 : i32
      %ne3A_382 = arith.cmpi ne, %sign3A_374, %sign3A_381 : i32
      %rem3A_383 = arith.remsi %add3A_365, %jit3A_366 : i32
      %ne3A_384 = arith.constant 0 : i32
      %ne3A_385 = arith.cmpi ne, %rem3A_383, %ne3A_384 : i32
      %and3A_386 = arith.andi %ne3A_382, %ne3A_385 : i1
      %sub3A_387 = arith.constant 1 : i32
      %sub3A_388 = arith.subi %div3A_367, %sub3A_387 : i32
      %select_n3A_389 = arith.select %and3A_386, %sub3A_388, %div3A_367 : i32
      %jit3A_390 = arith.constant 128 : i32
      %eq3A_391 = arith.constant 0 : i32
      %eq3A_392 = arith.cmpi eq, %jit3A_390, %eq3A_391 : i32
      %jit3A_393 = arith.constant 1 : i32
      %select_n3A_394 = arith.select %eq3A_392, %jit3A_393, %jit3A_390 : i32
      %rem3A_395 = arith.remsi %add3A_365, %select_n3A_394 : i32
      %ne3A_396 = arith.constant 0 : i32
      %ne3A_397 = arith.cmpi ne, %rem3A_395, %ne3A_396 : i32
      %lt3A_398 = arith.constant 0 : i32
      %lt3A_399 = arith.cmpi slt, %rem3A_395, %lt3A_398 : i32
      %lt3A_400 = arith.constant 0 : i32
      %lt3A_401 = arith.cmpi slt, %select_n3A_394, %lt3A_400 : i32
      %ne3A_402 = arith.xori %lt3A_399, %lt3A_401 : i1
      %and3A_403 = arith.andi %ne3A_402, %ne3A_397 : i1
      %add3A_404 = arith.addi %rem3A_395, %select_n3A_394 : i32
      %select_n3A_405 = arith.select %and3A_403, %add3A_404, %rem3A_395 : i32
      %mul3A_406 = arith.constant 32 : i32
      %mul3A_407 = arith.muli %select_n3A_405, %mul3A_406 : i32
      %dma_wait3A_408 = arith.constant 1 : i32
      %dma_wait3A_409 = arith.constant 1 : i32
      %dma_wait3A_410 = arith.constant 0 : i32
      %dma_wait3A_411 = arith.constant 0 : i32
      %dma_wait3A_412 = tpu.memref_slice %arg12[%dma_wait3A_409, %dma_wait3A_410, %dma_wait3A_411] : memref<2x32x1024xf32, #tpu.memory_space<vmem>> -> memref<1x32x1024xf32, #tpu.memory_space<vmem>>
      %dma_wait3A_413 = tpu.memref_squeeze %dma_wait3A_412 : memref<1x32x1024xf32, #tpu.memory_space<vmem>> -> memref<32x1024xf32, #tpu.memory_space<vmem>>
      %dma_wait3A_414 = arith.constant 0 : i32
      %dma_wait3A_415 = tpu.memref_slice %arg9[%dma_wait3A_408, %dma_wait3A_414] : memref<2x32xi32, #tpu.memory_space<vmem>> -> memref<1x32xi32, #tpu.memory_space<vmem>>
      %dma_wait3A_416 = tpu.memref_squeeze %dma_wait3A_415 : memref<1x32xi32, #tpu.memory_space<vmem>> -> memref<32xi32, #tpu.memory_space<vmem>>
      %dma_wait3A_417 = arith.constant 0 : i32
      %dma_wait3A_418 = arith.constant 0 : i32
      %dma_wait3A_419 = tpu.memref_slice %arg8[%dma_wait3A_417, %dma_wait3A_418] : memref<1000x1024xf32, #tpu.memory_space<vmem_shared>> -> memref<1000x1024xf32, #tpu.memory_space<vmem_shared>>
      tpu.wait_indirect_dma semaphore(%arg15 : memref<!tpu.dma_semaphore, #tpu.memory_space<semaphore_mem>>) src(%dma_wait3A_419 : memref<1000x1024xf32, #tpu.memory_space<vmem_shared>>) dst(%dma_wait3A_413 : memref<32x1024xf32, #tpu.memory_space<vmem>>)
      %get3A_420 = arith.constant 0 : index
      %get3A_421 = tpu.vector_load %arg13[%get3A_420] {strides = array<i32>} : memref<16xf32, #tpu.memory_space<vmem>>, vector<16xf32>,
      %get3A_422 = arith.constant 1 : i32
      %get3A_423 = arith.index_cast %get3A_422 : i32 to index
      %get3A_424 = arith.constant 0 : index
      %get3A_425 = tpu.vector_load %arg9[%get3A_423, %get3A_424] {strides = array<i32>} : memref<2x32xi32, #tpu.memory_space<vmem>>, vector<16xi32>,
      %get3A_426 = arith.constant 1 : i32
      %get3A_427 = arith.index_cast %get3A_426 : i32 to index
      %get3A_428 = arith.constant 0 : index
      %get3A_429 = tpu.vector_load %arg10[%get3A_427, %get3A_428] {strides = array<i32>} : memref<2x32xi32, #tpu.memory_space<vmem>>, vector<16xi32>,
      %gather3A_430 = tpu.vector_load_idx %arg11[%get3A_425] : memref<1000xf32, #tpu.memory_space<vmem>>[vector<16xi32>], vector<16xf32>,
      %add3A_431 = arith.constant 0 : i32
      %add3A_432 = vector.broadcast %add3A_431 : i32 to vector<16xi32>
      %add3A_433 = arith.addi %iota3A, %add3A_432 : vector<16xi32>
      %gather3A_434 = arith.constant 1 : i32
      %gather3A_435 = arith.constant 0 : i32
      %gather3A_436 = arith.constant 0 : i32
      %gather3A_437 = tpu.memref_slice %arg12[%gather3A_434, %gather3A_435, %gather3A_436] : memref<2x32x1024xf32, #tpu.memory_space<vmem>> -> memref<1x32x1024xf32, #tpu.memory_space<vmem>>
      %gather3A_438 = tpu.memref_squeeze %gather3A_437 : memref<1x32x1024xf32, #tpu.memory_space<vmem>> -> memref<32x1024xf32, #tpu.memory_space<vmem>>
      %gather3A_439 = tpu.vector_load_idx %gather3A_438[%add3A_433, %get3A_429] : memref<32x1024xf32, #tpu.memory_space<vmem>>[vector<16xi32>, vector<16xi32>], vector<16xf32>,
      %sub3A_440 = arith.subf %gather3A_430, %gather3A_439 : vector<16xf32>
      %add3A_441 = arith.addf %get3A_421, %sub3A_440 : vector<16xf32>
      %get3A_442 = arith.constant 1 : i32
      %get3A_443 = arith.index_cast %get3A_442 : i32 to index
      %get3A_444 = arith.constant 16 : index
      %get3A_445 = tpu.vector_load %arg9[%get3A_443, %get3A_444] {strides = array<i32>} : memref<2x32xi32, #tpu.memory_space<vmem>>, vector<16xi32>,
      %get3A_446 = arith.constant 1 : i32
      %get3A_447 = arith.index_cast %get3A_446 : i32 to index
      %get3A_448 = arith.constant 16 : index
      %get3A_449 = tpu.vector_load %arg10[%get3A_447, %get3A_448] {strides = array<i32>} : memref<2x32xi32, #tpu.memory_space<vmem>>, vector<16xi32>,
      %gather3A_450 = tpu.vector_load_idx %arg11[%get3A_445] : memref<1000xf32, #tpu.memory_space<vmem>>[vector<16xi32>], vector<16xf32>,
      %add3A_451 = arith.constant 16 : i32
      %add3A_452 = vector.broadcast %add3A_451 : i32 to vector<16xi32>
      %add3A_453 = arith.addi %iota3A, %add3A_452 : vector<16xi32>
      %gather3A_454 = arith.constant 1 : i32
      %gather3A_455 = arith.constant 0 : i32
      %gather3A_456 = arith.constant 0 : i32
      %gather3A_457 = tpu.memref_slice %arg12[%gather3A_454, %gather3A_455, %gather3A_456] : memref<2x32x1024xf32, #tpu.memory_space<vmem>> -> memref<1x32x1024xf32, #tpu.memory_space<vmem>>
      %gather3A_458 = tpu.memref_squeeze %gather3A_457 : memref<1x32x1024xf32, #tpu.memory_space<vmem>> -> memref<32x1024xf32, #tpu.memory_space<vmem>>
      %gather3A_459 = tpu.vector_load_idx %gather3A_458[%add3A_453, %get3A_449] : memref<32x1024xf32, #tpu.memory_space<vmem>>[vector<16xi32>, vector<16xi32>], vector<16xf32>,
      %sub3A_460 = arith.subf %gather3A_450, %gather3A_459 : vector<16xf32>
      %add3A_461 = arith.addf %add3A_441, %sub3A_460 : vector<16xf32>
      %swap3A_462 = arith.constant 0 : index
      %swap3A_463 = tpu.vector_load %arg13[%swap3A_462] {strides = array<i32>} : memref<16xf32, #tpu.memory_space<vmem>>, vector<16xf32>,
      tpu.vector_store %arg13[%swap3A_462], %add3A_461 {strides = array<i32>} : memref<16xf32, #tpu.memory_space<vmem>>, vector<16xf32>,
      %mul3A_464 = arith.constant 4096 : i32
      %mul3A_465 = arith.muli %select_n3A_389, %mul3A_464 : i32
      %add3A_466 = arith.addi %mul3A_465, %mul3A_407 : i32
      %dma_start3A_467 = arith.constant 1 : i32
      %dma_start3A_468 = arith.constant 0 : i32
      %dma_start3A_469 = arith.constant 0 : i32
      %dma_start3A_470 = tpu.memref_slice %arg12[%dma_start3A_467, %dma_start3A_468, %dma_start3A_469] : memref<2x32x1024xf32, #tpu.memory_space<vmem>> -> memref<1x32x1024xf32, #tpu.memory_space<vmem>>
      %dma_start3A_471 = tpu.memref_squeeze %dma_start3A_470 : memref<1x32x1024xf32, #tpu.memory_space<vmem>> -> memref<32x1024xf32, #tpu.memory_space<vmem>>
      %dma_start3A_472 = arith.constant 0 : i32
      %dma_start3A_473 = tpu.memref_slice %arg6[%add3A_466, %dma_start3A_472] : memref<102400x1024xf32, #tpu.memory_space<hbm>> -> memref<32x1024xf32, #tpu.memory_space<hbm>>
      %dma_start3A_474 = arith.constant 0 : i32
      %dma_start3A_475 = tpu.memref_slice %arg6[%add3A_466, %dma_start3A_474] : memref<102400x1024xf32, #tpu.memory_space<hbm>> -> memref<32x1024xf32, #tpu.memory_space<hbm>>
      %dma_start3A_476 = arith.constant 0 : i32
      %dma_start3A_477 = arith.constant 0 : i32
      %dma_start3A_478 = tpu.memref_slice %arg12[%dma_start3A_467, %dma_start3A_476, %dma_start3A_477] : memref<2x32x1024xf32, #tpu.memory_space<vmem>> -> memref<1x32x1024xf32, #tpu.memory_space<vmem>>
      %dma_start3A_479 = tpu.memref_squeeze %dma_start3A_478 : memref<1x32x1024xf32, #tpu.memory_space<vmem>> -> memref<32x1024xf32, #tpu.memory_space<vmem>>
      tpu.enqueue_dma source(%dma_start3A_479 : memref<32x1024xf32, #tpu.memory_space<vmem>>) target(%dma_start3A_475 : memref<32x1024xf32, #tpu.memory_space<hbm>>) target_semaphore(%arg17 : memref<!tpu.dma_semaphore, #tpu.memory_space<semaphore_mem>>)
      %add3A_480 = arith.constant 0 : i32
      %add3A_481 = arith.addi %add3A_249, %add3A_480 : i32
      %add3A_482 = arith.constant 2 : i32
      %add3A_483 = arith.addi %add3A_481, %add3A_482 : i32
      %jit3A_484 = arith.constant 128 : i32
      %div3A_485 = arith.divsi %add3A_481, %jit3A_484 : i32
      %sign3A_486 = arith.constant 0 : i32
      %sign3A_487 = arith.cmpi sgt, %add3A_481, %sign3A_486 : i32
      %sign3A_488 = arith.extui %sign3A_487 : i1 to i32
      %sign3A_489 = arith.constant 0 : i32
      %sign3A_490 = arith.cmpi slt, %add3A_481, %sign3A_489 : i32
      %sign3A_491 = arith.extui %sign3A_490 : i1 to i32
      %sign3A_492 = arith.subi %sign3A_488, %sign3A_491 : i32
      %sign3A_493 = arith.constant 0 : i32
      %sign3A_494 = arith.cmpi sgt, %jit3A_484, %sign3A_493 : i32
      %sign3A_495 = arith.extui %sign3A_494 : i1 to i32
      %sign3A_496 = arith.constant 0 : i32
      %sign3A_497 = arith.cmpi slt, %jit3A_484, %sign3A_496 : i32
      %sign3A_498 = arith.extui %sign3A_497 : i1 to i32
      %sign3A_499 = arith.subi %sign3A_495, %sign3A_498 : i32
      %ne3A_500 = arith.cmpi ne, %sign3A_492, %sign3A_499 : i32
      %rem3A_501 = arith.remsi %add3A_481, %jit3A_484 : i32
      %ne3A_502 = arith.constant 0 : i32
      %ne3A_503 = arith.cmpi ne, %rem3A_501, %ne3A_502 : i32
      %and3A_504 = arith.andi %ne3A_500, %ne3A_503 : i1
      %sub3A_505 = arith.constant 1 : i32
      %sub3A_506 = arith.subi %div3A_485, %sub3A_505 : i32
      %select_n3A_507 = arith.select %and3A_504, %sub3A_506, %div3A_485 : i32
      %jit3A_508 = arith.constant 128 : i32
      %eq3A_509 = arith.constant 0 : i32
      %eq3A_510 = arith.cmpi eq, %jit3A_508, %eq3A_509 : i32
      %jit3A_511 = arith.constant 1 : i32
      %select_n3A_512 = arith.select %eq3A_510, %jit3A_511, %jit3A_508 : i32
      %rem3A_513 = arith.remsi %add3A_481, %select_n3A_512 : i32
      %ne3A_514 = arith.constant 0 : i32
      %ne3A_515 = arith.cmpi ne, %rem3A_513, %ne3A_514 : i32
      %lt3A_516 = arith.constant 0 : i32
      %lt3A_517 = arith.cmpi slt, %rem3A_513, %lt3A_516 : i32
      %lt3A_518 = arith.constant 0 : i32
      %lt3A_519 = arith.cmpi slt, %select_n3A_512, %lt3A_518 : i32
      %ne3A_520 = arith.xori %lt3A_517, %lt3A_519 : i1
      %and3A_521 = arith.andi %ne3A_520, %ne3A_515 : i1
      %add3A_522 = arith.addi %rem3A_513, %select_n3A_512 : i32
      %select_n3A_523 = arith.select %and3A_521, %add3A_522, %rem3A_513 : i32
      %mul3A_524 = arith.constant 32 : i32
      %mul3A_525 = arith.muli %select_n3A_523, %mul3A_524 : i32
      %mul3A_526 = arith.constant 4096 : i32
      %mul3A_527 = arith.muli %select_n3A_507, %mul3A_526 : i32
      %add3A_528 = arith.addi %mul3A_527, %mul3A_525 : i32
      %lt3A_529 = arith.cmpi slt, %add3A_483, %add3A_8 : i32
      %convert_element_type3A_530 = arith.extui %lt3A_529 : i1 to i32
      %cond3A_531 = arith.constant 0 : i32
      %cond3A_532 = arith.cmpi ne, %convert_element_type3A_530, %cond3A_531 : i32
      scf.if %cond3A_532 {
        %dma_wait3A_586 = arith.constant 0 : i32
        %dma_wait3A_587 = arith.constant 0 : i32
        %dma_wait3A_588 = arith.constant 0 : i32
        %dma_wait3A_589 = tpu.memref_slice %arg12[%dma_wait3A_586, %dma_wait3A_587, %dma_wait3A_588] : memref<2x32x1024xf32, #tpu.memory_space<vmem>> -> memref<1x32x1024xf32, #tpu.memory_space<vmem>>
        %dma_wait3A_590 = tpu.memref_squeeze %dma_wait3A_589 : memref<1x32x1024xf32, #tpu.memory_space<vmem>> -> memref<32x1024xf32, #tpu.memory_space<vmem>>
        %dma_wait3A_591 = arith.constant 0 : i32
        %dma_wait3A_592 = tpu.memref_slice %arg6[%add3A_528, %dma_wait3A_591] : memref<102400x1024xf32, #tpu.memory_space<hbm>> -> memref<32x1024xf32, #tpu.memory_space<hbm>>
        %dma_wait3A_593 = arith.constant 0 : i32
        %dma_wait3A_594 = tpu.memref_slice %arg6[%add3A_528, %dma_wait3A_593] : memref<102400x1024xf32, #tpu.memory_space<hbm>> -> memref<32x1024xf32, #tpu.memory_space<hbm>>
        %dma_wait3A_595 = arith.constant 0 : i32
        %dma_wait3A_596 = arith.constant 0 : i32
        %dma_wait3A_597 = tpu.memref_slice %arg12[%dma_wait3A_586, %dma_wait3A_595, %dma_wait3A_596] : memref<2x32x1024xf32, #tpu.memory_space<vmem>> -> memref<1x32x1024xf32, #tpu.memory_space<vmem>>
        %dma_wait3A_598 = tpu.memref_squeeze %dma_wait3A_597 : memref<1x32x1024xf32, #tpu.memory_space<vmem>> -> memref<32x1024xf32, #tpu.memory_space<vmem>>
        tpu.wait_dma2 semaphore(%arg16 : memref<!tpu.dma_semaphore, #tpu.memory_space<semaphore_mem>>) src(%dma_wait3A_598 : memref<32x1024xf32, #tpu.memory_space<vmem>>) dst(%dma_wait3A_594 : memref<32x1024xf32, #tpu.memory_space<hbm>>)
        %jit3A_599 = arith.constant 128 : i32
        %div3A_600 = arith.divsi %add3A_483, %jit3A_599 : i32
        %sign3A_601 = arith.constant 0 : i32
        %sign3A_602 = arith.cmpi sgt, %add3A_483, %sign3A_601 : i32
        %sign3A_603 = arith.extui %sign3A_602 : i1 to i32
        %sign3A_604 = arith.constant 0 : i32
        %sign3A_605 = arith.cmpi slt, %add3A_483, %sign3A_604 : i32
        %sign3A_606 = arith.extui %sign3A_605 : i1 to i32
        %sign3A_607 = arith.subi %sign3A_603, %sign3A_606 : i32
        %sign3A_608 = arith.constant 0 : i32
        %sign3A_609 = arith.cmpi sgt, %jit3A_599, %sign3A_608 : i32
        %sign3A_610 = arith.extui %sign3A_609 : i1 to i32
        %sign3A_611 = arith.constant 0 : i32
        %sign3A_612 = arith.cmpi slt, %jit3A_599, %sign3A_611 : i32
        %sign3A_613 = arith.extui %sign3A_612 : i1 to i32
        %sign3A_614 = arith.subi %sign3A_610, %sign3A_613 : i32
        %ne3A_615 = arith.cmpi ne, %sign3A_607, %sign3A_614 : i32
        %rem3A_616 = arith.remsi %add3A_483, %jit3A_599 : i32
        %ne3A_617 = arith.constant 0 : i32
        %ne3A_618 = arith.cmpi ne, %rem3A_616, %ne3A_617 : i32
        %and3A_619 = arith.andi %ne3A_615, %ne3A_618 : i1
        %sub3A_620 = arith.constant 1 : i32
        %sub3A_621 = arith.subi %div3A_600, %sub3A_620 : i32
        %select_n3A_622 = arith.select %and3A_619, %sub3A_621, %div3A_600 : i32
        %add3A_623 = arith.constant 0 : i32
        %add3A_624 = arith.addi %add3A_623, %select_n3A_622 : i32
        %jit3A_625 = arith.constant 128 : i32
        %eq3A_626 = arith.constant 0 : i32
        %eq3A_627 = arith.cmpi eq, %jit3A_625, %eq3A_626 : i32
        %jit3A_628 = arith.constant 1 : i32
        %select_n3A_629 = arith.select %eq3A_627, %jit3A_628, %jit3A_625 : i32
        %rem3A_630 = arith.remsi %add3A_483, %select_n3A_629 : i32
        %ne3A_631 = arith.constant 0 : i32
        %ne3A_632 = arith.cmpi ne, %rem3A_630, %ne3A_631 : i32
        %lt3A_633 = arith.constant 0 : i32
        %lt3A_634 = arith.cmpi slt, %rem3A_630, %lt3A_633 : i32
        %lt3A_635 = arith.constant 0 : i32
        %lt3A_636 = arith.cmpi slt, %select_n3A_629, %lt3A_635 : i32
        %ne3A_637 = arith.xori %lt3A_634, %lt3A_636 : i1
        %and3A_638 = arith.andi %ne3A_637, %ne3A_632 : i1
        %add3A_639 = arith.addi %rem3A_630, %select_n3A_629 : i32
        %select_n3A_640 = arith.select %and3A_638, %add3A_639, %rem3A_630 : i32
        %mul3A_641 = arith.constant 32 : i32
        %mul3A_642 = arith.muli %select_n3A_640, %mul3A_641 : i32
        %run_scoped3A_643 = arith.constant 0 : i32
        "tpu.region"() ({
          %run_scoped3A_657 = tpu.sem_alloc : memref<!tpu.dma_semaphore, #tpu.memory_space<semaphore_mem>>
          %dma_start3A_658 = arith.constant 0 : i32
          %dma_start3A_659 = tpu.memref_slice %arg9[%run_scoped3A_643, %dma_start3A_658] : memref<2x32xi32, #tpu.memory_space<vmem>> -> memref<1x32xi32, #tpu.memory_space<vmem>>
          %dma_start3A_660 = tpu.memref_squeeze %dma_start3A_659 : memref<1x32xi32, #tpu.memory_space<vmem>> -> memref<32xi32, #tpu.memory_space<vmem>>
          %dma_start3A_661 = tpu.memref_slice %arg3[%add3A_624, %mul3A_642] : memref<50x4096xi32, #tpu.memory_space<hbm>> -> memref<1x32xi32, #tpu.memory_space<hbm>>
          %dma_start3A_662 = tpu.memref_squeeze %dma_start3A_661 : memref<1x32xi32, #tpu.memory_space<hbm>> -> memref<32xi32, #tpu.memory_space<hbm>>
          %dma_start3A_663 = arith.constant 0 : i32
          %dma_start3A_664 = tpu.memref_slice %arg9[%run_scoped3A_643, %dma_start3A_663] : memref<2x32xi32, #tpu.memory_space<vmem>> -> memref<1x32xi32, #tpu.memory_space<vmem>>
          %dma_start3A_665 = tpu.memref_squeeze %dma_start3A_664 : memref<1x32xi32, #tpu.memory_space<vmem>> -> memref<32xi32, #tpu.memory_space<vmem>>
          %dma_start3A_666 = tpu.memref_slice %arg3[%add3A_624, %mul3A_642] : memref<50x4096xi32, #tpu.memory_space<hbm>> -> memref<1x32xi32, #tpu.memory_space<hbm>>
          %dma_start3A_667 = tpu.memref_squeeze %dma_start3A_666 : memref<1x32xi32, #tpu.memory_space<hbm>> -> memref<32xi32, #tpu.memory_space<hbm>>
          tpu.enqueue_dma source(%dma_start3A_667 : memref<32xi32, #tpu.memory_space<hbm>>) target(%dma_start3A_665 : memref<32xi32, #tpu.memory_space<vmem>>) target_semaphore(%run_scoped3A_657 : memref<!tpu.dma_semaphore, #tpu.memory_space<semaphore_mem>>)
          %dma_wait3A_668 = arith.constant 0 : i32
          %dma_wait3A_669 = tpu.memref_slice %arg9[%run_scoped3A_643, %dma_wait3A_668] : memref<2x32xi32, #tpu.memory_space<vmem>> -> memref<1x32xi32, #tpu.memory_space<vmem>>
          %dma_wait3A_670 = tpu.memref_squeeze %dma_wait3A_669 : memref<1x32xi32, #tpu.memory_space<vmem>> -> memref<32xi32, #tpu.memory_space<vmem>>
          %dma_wait3A_671 = tpu.memref_slice %arg3[%add3A_624, %mul3A_642] : memref<50x4096xi32, #tpu.memory_space<hbm>> -> memref<1x32xi32, #tpu.memory_space<hbm>>
          %dma_wait3A_672 = tpu.memref_squeeze %dma_wait3A_671 : memref<1x32xi32, #tpu.memory_space<hbm>> -> memref<32xi32, #tpu.memory_space<hbm>>
          %dma_wait3A_673 = arith.constant 0 : i32
          %dma_wait3A_674 = tpu.memref_slice %arg9[%run_scoped3A_643, %dma_wait3A_673] : memref<2x32xi32, #tpu.memory_space<vmem>> -> memref<1x32xi32, #tpu.memory_space<vmem>>
          %dma_wait3A_675 = tpu.memref_squeeze %dma_wait3A_674 : memref<1x32xi32, #tpu.memory_space<vmem>> -> memref<32xi32, #tpu.memory_space<vmem>>
          %dma_wait3A_676 = tpu.memref_slice %arg3[%add3A_624, %mul3A_642] : memref<50x4096xi32, #tpu.memory_space<hbm>> -> memref<1x32xi32, #tpu.memory_space<hbm>>
          %dma_wait3A_677 = tpu.memref_squeeze %dma_wait3A_676 : memref<1x32xi32, #tpu.memory_space<hbm>> -> memref<32xi32, #tpu.memory_space<hbm>>
          tpu.wait_dma2 semaphore(%run_scoped3A_657 : memref<!tpu.dma_semaphore, #tpu.memory_space<semaphore_mem>>) src(%dma_wait3A_677 : memref<32xi32, #tpu.memory_space<hbm>>) dst(%dma_wait3A_675 : memref<32xi32, #tpu.memory_space<vmem>>)
          tpu.yield
        }) : () -> ()
        %run_scoped3A_644 = arith.constant 0 : i32
        "tpu.region"() ({
          %run_scoped3A_657 = tpu.sem_alloc : memref<!tpu.dma_semaphore, #tpu.memory_space<semaphore_mem>>
          %dma_start3A_658 = arith.constant 0 : i32
          %dma_start3A_659 = tpu.memref_slice %arg10[%run_scoped3A_644, %dma_start3A_658] : memref<2x32xi32, #tpu.memory_space<vmem>> -> memref<1x32xi32, #tpu.memory_space<vmem>>
          %dma_start3A_660 = tpu.memref_squeeze %dma_start3A_659 : memref<1x32xi32, #tpu.memory_space<vmem>> -> memref<32xi32, #tpu.memory_space<vmem>>
          %dma_start3A_661 = tpu.memref_slice %arg4[%add3A_624, %mul3A_642] : memref<50x4096xi32, #tpu.memory_space<hbm>> -> memref<1x32xi32, #tpu.memory_space<hbm>>
          %dma_start3A_662 = tpu.memref_squeeze %dma_start3A_661 : memref<1x32xi32, #tpu.memory_space<hbm>> -> memref<32xi32, #tpu.memory_space<hbm>>
          %dma_start3A_663 = arith.constant 0 : i32
          %dma_start3A_664 = tpu.memref_slice %arg10[%run_scoped3A_644, %dma_start3A_663] : memref<2x32xi32, #tpu.memory_space<vmem>> -> memref<1x32xi32, #tpu.memory_space<vmem>>
          %dma_start3A_665 = tpu.memref_squeeze %dma_start3A_664 : memref<1x32xi32, #tpu.memory_space<vmem>> -> memref<32xi32, #tpu.memory_space<vmem>>
          %dma_start3A_666 = tpu.memref_slice %arg4[%add3A_624, %mul3A_642] : memref<50x4096xi32, #tpu.memory_space<hbm>> -> memref<1x32xi32, #tpu.memory_space<hbm>>
          %dma_start3A_667 = tpu.memref_squeeze %dma_start3A_666 : memref<1x32xi32, #tpu.memory_space<hbm>> -> memref<32xi32, #tpu.memory_space<hbm>>
          tpu.enqueue_dma source(%dma_start3A_667 : memref<32xi32, #tpu.memory_space<hbm>>) target(%dma_start3A_665 : memref<32xi32, #tpu.memory_space<vmem>>) target_semaphore(%run_scoped3A_657 : memref<!tpu.dma_semaphore, #tpu.memory_space<semaphore_mem>>)
          %dma_wait3A_668 = arith.constant 0 : i32
          %dma_wait3A_669 = tpu.memref_slice %arg10[%run_scoped3A_644, %dma_wait3A_668] : memref<2x32xi32, #tpu.memory_space<vmem>> -> memref<1x32xi32, #tpu.memory_space<vmem>>
          %dma_wait3A_670 = tpu.memref_squeeze %dma_wait3A_669 : memref<1x32xi32, #tpu.memory_space<vmem>> -> memref<32xi32, #tpu.memory_space<vmem>>
          %dma_wait3A_671 = tpu.memref_slice %arg4[%add3A_624, %mul3A_642] : memref<50x4096xi32, #tpu.memory_space<hbm>> -> memref<1x32xi32, #tpu.memory_space<hbm>>
          %dma_wait3A_672 = tpu.memref_squeeze %dma_wait3A_671 : memref<1x32xi32, #tpu.memory_space<hbm>> -> memref<32xi32, #tpu.memory_space<hbm>>
          %dma_wait3A_673 = arith.constant 0 : i32
          %dma_wait3A_674 = tpu.memref_slice %arg10[%run_scoped3A_644, %dma_wait3A_673] : memref<2x32xi32, #tpu.memory_space<vmem>> -> memref<1x32xi32, #tpu.memory_space<vmem>>
          %dma_wait3A_675 = tpu.memref_squeeze %dma_wait3A_674 : memref<1x32xi32, #tpu.memory_space<vmem>> -> memref<32xi32, #tpu.memory_space<vmem>>
          %dma_wait3A_676 = tpu.memref_slice %arg4[%add3A_624, %mul3A_642] : memref<50x4096xi32, #tpu.memory_space<hbm>> -> memref<1x32xi32, #tpu.memory_space<hbm>>
          %dma_wait3A_677 = tpu.memref_squeeze %dma_wait3A_676 : memref<1x32xi32, #tpu.memory_space<hbm>> -> memref<32xi32, #tpu.memory_space<hbm>>
          tpu.wait_dma2 semaphore(%run_scoped3A_657 : memref<!tpu.dma_semaphore, #tpu.memory_space<semaphore_mem>>) src(%dma_wait3A_677 : memref<32xi32, #tpu.memory_space<hbm>>) dst(%dma_wait3A_675 : memref<32xi32, #tpu.memory_space<vmem>>)
          tpu.yield
        }) : () -> ()
        %dma_start3A_645 = arith.constant 0 : i32
        %dma_start3A_646 = arith.constant 0 : i32
        %dma_start3A_647 = arith.constant 0 : i32
        %dma_start3A_648 = arith.constant 0 : i32
        %dma_start3A_649 = tpu.memref_slice %arg12[%dma_start3A_646, %dma_start3A_647, %dma_start3A_648] : memref<2x32x1024xf32, #tpu.memory_space<vmem>> -> memref<1x32x1024xf32, #tpu.memory_space<vmem>>
        %dma_start3A_650 = tpu.memref_squeeze %dma_start3A_649 : memref<1x32x1024xf32, #tpu.memory_space<vmem>> -> memref<32x1024xf32, #tpu.memory_space<vmem>>
        %dma_start3A_651 = arith.constant 0 : i32
        %dma_start3A_652 = tpu.memref_slice %arg9[%dma_start3A_645, %dma_start3A_651] : memref<2x32xi32, #tpu.memory_space<vmem>> -> memref<1x32xi32, #tpu.memory_space<vmem>>
        %dma_start3A_653 = tpu.memref_squeeze %dma_start3A_652 : memref<1x32xi32, #tpu.memory_space<vmem>> -> memref<32xi32, #tpu.memory_space<vmem>>
        %dma_start3A_654 = arith.constant 0 : i32
        %dma_start3A_655 = arith.constant 0 : i32
        %dma_start3A_656 = tpu.memref_slice %arg8[%dma_start3A_654, %dma_start3A_655] : memref<1000x1024xf32, #tpu.memory_space<vmem_shared>> -> memref<1000x1024xf32, #tpu.memory_space<vmem_shared>>
        tpu.enqueue_indirect_dma source(%dma_start3A_656 : memref<1000x1024xf32, #tpu.memory_space<vmem_shared>>) target(%dma_start3A_650 : memref<32x1024xf32, #tpu.memory_space<vmem>>) offsets(%dma_start3A_653 : memref<32xi32, #tpu.memory_space<vmem>>) semaphore(%arg14 : memref<!tpu.dma_semaphore, #tpu.memory_space<semaphore_mem>>)
      } else {
      }
      %add3A_533 = arith.constant 1 : i32
      %add3A_534 = arith.addi %add3A_249, %add3A_533 : i32
      %add3A_535 = arith.constant 2 : i32
      %add3A_536 = arith.addi %add3A_534, %add3A_535 : i32
      %jit3A_537 = arith.constant 128 : i32
      %div3A_538 = arith.divsi %add3A_534, %jit3A_537 : i32
      %sign3A_539 = arith.constant 0 : i32
      %sign3A_540 = arith.cmpi sgt, %add3A_534, %sign3A_539 : i32
      %sign3A_541 = arith.extui %sign3A_540 : i1 to i32
      %sign3A_542 = arith.constant 0 : i32
      %sign3A_543 = arith.cmpi slt, %add3A_534, %sign3A_542 : i32
      %sign3A_544 = arith.extui %sign3A_543 : i1 to i32
      %sign3A_545 = arith.subi %sign3A_541, %sign3A_544 : i32
      %sign3A_546 = arith.constant 0 : i32
      %sign3A_547 = arith.cmpi sgt, %jit3A_537, %sign3A_546 : i32
      %sign3A_548 = arith.extui %sign3A_547 : i1 to i32
      %sign3A_549 = arith.constant 0 : i32
      %sign3A_550 = arith.cmpi slt, %jit3A_537, %sign3A_549 : i32
      %sign3A_551 = arith.extui %sign3A_550 : i1 to i32
      %sign3A_552 = arith.subi %sign3A_548, %sign3A_551 : i32
      %ne3A_553 = arith.cmpi ne, %sign3A_545, %sign3A_552 : i32
      %rem3A_554 = arith.remsi %add3A_534, %jit3A_537 : i32
      %ne3A_555 = arith.constant 0 : i32
      %ne3A_556 = arith.cmpi ne, %rem3A_554, %ne3A_555 : i32
      %and3A_557 = arith.andi %ne3A_553, %ne3A_556 : i1
      %sub3A_558 = arith.constant 1 : i32
      %sub3A_559 = arith.subi %div3A_538, %sub3A_558 : i32
      %select_n3A_560 = arith.select %and3A_557, %sub3A_559, %div3A_538 : i32
      %jit3A_561 = arith.constant 128 : i32
      %eq3A_562 = arith.constant 0 : i32
      %eq3A_563 = arith.cmpi eq, %jit3A_561, %eq3A_562 : i32
      %jit3A_564 = arith.constant 1 : i32
      %select_n3A_565 = arith.select %eq3A_563, %jit3A_564, %jit3A_561 : i32
      %rem3A_566 = arith.remsi %add3A_534, %select_n3A_565 : i32
      %ne3A_567 = arith.constant 0 : i32
      %ne3A_568 = arith.cmpi ne, %rem3A_566, %ne3A_567 : i32
      %lt3A_569 = arith.constant 0 : i32
      %lt3A_570 = arith.cmpi slt, %rem3A_566, %lt3A_569 : i32
      %lt3A_571 = arith.constant 0 : i32
      %lt3A_572 = arith.cmpi slt, %select_n3A_565, %lt3A_571 : i32
      %ne3A_573 = arith.xori %lt3A_570, %lt3A_572 : i1
      %and3A_574 = arith.andi %ne3A_573, %ne3A_568 : i1
      %add3A_575 = arith.addi %rem3A_566, %select_n3A_565 : i32
      %select_n3A_576 = arith.select %and3A_574, %add3A_575, %rem3A_566 : i32
      %mul3A_577 = arith.constant 32 : i32
      %mul3A_578 = arith.muli %select_n3A_576, %mul3A_577 : i32
      %mul3A_579 = arith.constant 4096 : i32
      %mul3A_580 = arith.muli %select_n3A_560, %mul3A_579 : i32
      %add3A_581 = arith.addi %mul3A_580, %mul3A_578 : i32
      %lt3A_582 = arith.cmpi slt, %add3A_536, %add3A_8 : i32
      %convert_element_type3A_583 = arith.extui %lt3A_582 : i1 to i32
      %cond3A_584 = arith.constant 0 : i32
      %cond3A_585 = arith.cmpi ne, %convert_element_type3A_583, %cond3A_584 : i32
      scf.if %cond3A_585 {
        %dma_wait3A_586 = arith.constant 1 : i32
        %dma_wait3A_587 = arith.constant 0 : i32
        %dma_wait3A_588 = arith.constant 0 : i32
        %dma_wait3A_589 = tpu.memref_slice %arg12[%dma_wait3A_586, %dma_wait3A_587, %dma_wait3A_588] : memref<2x32x1024xf32, #tpu.memory_space<vmem>> -> memref<1x32x1024xf32, #tpu.memory_space<vmem>>
        %dma_wait3A_590 = tpu.memref_squeeze %dma_wait3A_589 : memref<1x32x1024xf32, #tpu.memory_space<vmem>> -> memref<32x1024xf32, #tpu.memory_space<vmem>>
        %dma_wait3A_591 = arith.constant 0 : i32
        %dma_wait3A_592 = tpu.memref_slice %arg6[%add3A_581, %dma_wait3A_591] : memref<102400x1024xf32, #tpu.memory_space<hbm>> -> memref<32x1024xf32, #tpu.memory_space<hbm>>
        %dma_wait3A_593 = arith.constant 0 : i32
        %dma_wait3A_594 = tpu.memref_slice %arg6[%add3A_581, %dma_wait3A_593] : memref<102400x1024xf32, #tpu.memory_space<hbm>> -> memref<32x1024xf32, #tpu.memory_space<hbm>>
        %dma_wait3A_595 = arith.constant 0 : i32
        %dma_wait3A_596 = arith.constant 0 : i32
        %dma_wait3A_597 = tpu.memref_slice %arg12[%dma_wait3A_586, %dma_wait3A_595, %dma_wait3A_596] : memref<2x32x1024xf32, #tpu.memory_space<vmem>> -> memref<1x32x1024xf32, #tpu.memory_space<vmem>>
        %dma_wait3A_598 = tpu.memref_squeeze %dma_wait3A_597 : memref<1x32x1024xf32, #tpu.memory_space<vmem>> -> memref<32x1024xf32, #tpu.memory_space<vmem>>
        tpu.wait_dma2 semaphore(%arg17 : memref<!tpu.dma_semaphore, #tpu.memory_space<semaphore_mem>>) src(%dma_wait3A_598 : memref<32x1024xf32, #tpu.memory_space<vmem>>) dst(%dma_wait3A_594 : memref<32x1024xf32, #tpu.memory_space<hbm>>)
        %jit3A_599 = arith.constant 128 : i32
        %div3A_600 = arith.divsi %add3A_536, %jit3A_599 : i32
        %sign3A_601 = arith.constant 0 : i32
        %sign3A_602 = arith.cmpi sgt, %add3A_536, %sign3A_601 : i32
        %sign3A_603 = arith.extui %sign3A_602 : i1 to i32
        %sign3A_604 = arith.constant 0 : i32
        %sign3A_605 = arith.cmpi slt, %add3A_536, %sign3A_604 : i32
        %sign3A_606 = arith.extui %sign3A_605 : i1 to i32
        %sign3A_607 = arith.subi %sign3A_603, %sign3A_606 : i32
        %sign3A_608 = arith.constant 0 : i32
        %sign3A_609 = arith.cmpi sgt, %jit3A_599, %sign3A_608 : i32
        %sign3A_610 = arith.extui %sign3A_609 : i1 to i32
        %sign3A_611 = arith.constant 0 : i32
        %sign3A_612 = arith.cmpi slt, %jit3A_599, %sign3A_611 : i32
        %sign3A_613 = arith.extui %sign3A_612 : i1 to i32
        %sign3A_614 = arith.subi %sign3A_610, %sign3A_613 : i32
        %ne3A_615 = arith.cmpi ne, %sign3A_607, %sign3A_614 : i32
        %rem3A_616 = arith.remsi %add3A_536, %jit3A_599 : i32
        %ne3A_617 = arith.constant 0 : i32
        %ne3A_618 = arith.cmpi ne, %rem3A_616, %ne3A_617 : i32
        %and3A_619 = arith.andi %ne3A_615, %ne3A_618 : i1
        %sub3A_620 = arith.constant 1 : i32
        %sub3A_621 = arith.subi %div3A_600, %sub3A_620 : i32
        %select_n3A_622 = arith.select %and3A_619, %sub3A_621, %div3A_600 : i32
        %add3A_623 = arith.constant 0 : i32
        %add3A_624 = arith.addi %add3A_623, %select_n3A_622 : i32
        %jit3A_625 = arith.constant 128 : i32
        %eq3A_626 = arith.constant 0 : i32
        %eq3A_627 = arith.cmpi eq, %jit3A_625, %eq3A_626 : i32
        %jit3A_628 = arith.constant 1 : i32
        %select_n3A_629 = arith.select %eq3A_627, %jit3A_628, %jit3A_625 : i32
        %rem3A_630 = arith.remsi %add3A_536, %select_n3A_629 : i32
        %ne3A_631 = arith.constant 0 : i32
        %ne3A_632 = arith.cmpi ne, %rem3A_630, %ne3A_631 : i32
        %lt3A_633 = arith.constant 0 : i32
        %lt3A_634 = arith.cmpi slt, %rem3A_630, %lt3A_633 : i32
        %lt3A_635 = arith.constant 0 : i32
        %lt3A_636 = arith.cmpi slt, %select_n3A_629, %lt3A_635 : i32
        %ne3A_637 = arith.xori %lt3A_634, %lt3A_636 : i1
        %and3A_638 = arith.andi %ne3A_637, %ne3A_632 : i1
        %add3A_639 = arith.addi %rem3A_630, %select_n3A_629 : i32
        %select_n3A_640 = arith.select %and3A_638, %add3A_639, %rem3A_630 : i32
        %mul3A_641 = arith.constant 32 : i32
        %mul3A_642 = arith.muli %select_n3A_640, %mul3A_641 : i32
        %run_scoped3A_643 = arith.constant 1 : i32
        "tpu.region"() ({
          %run_scoped3A_657 = tpu.sem_alloc : memref<!tpu.dma_semaphore, #tpu.memory_space<semaphore_mem>>
          %dma_start3A_658 = arith.constant 0 : i32
          %dma_start3A_659 = tpu.memref_slice %arg9[%run_scoped3A_643, %dma_start3A_658] : memref<2x32xi32, #tpu.memory_space<vmem>> -> memref<1x32xi32, #tpu.memory_space<vmem>>
          %dma_start3A_660 = tpu.memref_squeeze %dma_start3A_659 : memref<1x32xi32, #tpu.memory_space<vmem>> -> memref<32xi32, #tpu.memory_space<vmem>>
          %dma_start3A_661 = tpu.memref_slice %arg3[%add3A_624, %mul3A_642] : memref<50x4096xi32, #tpu.memory_space<hbm>> -> memref<1x32xi32, #tpu.memory_space<hbm>>
          %dma_start3A_662 = tpu.memref_squeeze %dma_start3A_661 : memref<1x32xi32, #tpu.memory_space<hbm>> -> memref<32xi32, #tpu.memory_space<hbm>>
          %dma_start3A_663 = arith.constant 0 : i32
          %dma_start3A_664 = tpu.memref_slice %arg9[%run_scoped3A_643, %dma_start3A_663] : memref<2x32xi32, #tpu.memory_space<vmem>> -> memref<1x32xi32, #tpu.memory_space<vmem>>
          %dma_start3A_665 = tpu.memref_squeeze %dma_start3A_664 : memref<1x32xi32, #tpu.memory_space<vmem>> -> memref<32xi32, #tpu.memory_space<vmem>>
          %dma_start3A_666 = tpu.memref_slice %arg3[%add3A_624, %mul3A_642] : memref<50x4096xi32, #tpu.memory_space<hbm>> -> memref<1x32xi32, #tpu.memory_space<hbm>>
          %dma_start3A_667 = tpu.memref_squeeze %dma_start3A_666 : memref<1x32xi32, #tpu.memory_space<hbm>> -> memref<32xi32, #tpu.memory_space<hbm>>
          tpu.enqueue_dma source(%dma_start3A_667 : memref<32xi32, #tpu.memory_space<hbm>>) target(%dma_start3A_665 : memref<32xi32, #tpu.memory_space<vmem>>) target_semaphore(%run_scoped3A_657 : memref<!tpu.dma_semaphore, #tpu.memory_space<semaphore_mem>>)
          %dma_wait3A_668 = arith.constant 0 : i32
          %dma_wait3A_669 = tpu.memref_slice %arg9[%run_scoped3A_643, %dma_wait3A_668] : memref<2x32xi32, #tpu.memory_space<vmem>> -> memref<1x32xi32, #tpu.memory_space<vmem>>
          %dma_wait3A_670 = tpu.memref_squeeze %dma_wait3A_669 : memref<1x32xi32, #tpu.memory_space<vmem>> -> memref<32xi32, #tpu.memory_space<vmem>>
          %dma_wait3A_671 = tpu.memref_slice %arg3[%add3A_624, %mul3A_642] : memref<50x4096xi32, #tpu.memory_space<hbm>> -> memref<1x32xi32, #tpu.memory_space<hbm>>
          %dma_wait3A_672 = tpu.memref_squeeze %dma_wait3A_671 : memref<1x32xi32, #tpu.memory_space<hbm>> -> memref<32xi32, #tpu.memory_space<hbm>>
          %dma_wait3A_673 = arith.constant 0 : i32
          %dma_wait3A_674 = tpu.memref_slice %arg9[%run_scoped3A_643, %dma_wait3A_673] : memref<2x32xi32, #tpu.memory_space<vmem>> -> memref<1x32xi32, #tpu.memory_space<vmem>>
          %dma_wait3A_675 = tpu.memref_squeeze %dma_wait3A_674 : memref<1x32xi32, #tpu.memory_space<vmem>> -> memref<32xi32, #tpu.memory_space<vmem>>
          %dma_wait3A_676 = tpu.memref_slice %arg3[%add3A_624, %mul3A_642] : memref<50x4096xi32, #tpu.memory_space<hbm>> -> memref<1x32xi32, #tpu.memory_space<hbm>>
          %dma_wait3A_677 = tpu.memref_squeeze %dma_wait3A_676 : memref<1x32xi32, #tpu.memory_space<hbm>> -> memref<32xi32, #tpu.memory_space<hbm>>
          tpu.wait_dma2 semaphore(%run_scoped3A_657 : memref<!tpu.dma_semaphore, #tpu.memory_space<semaphore_mem>>) src(%dma_wait3A_677 : memref<32xi32, #tpu.memory_space<hbm>>) dst(%dma_wait3A_675 : memref<32xi32, #tpu.memory_space<vmem>>)
          tpu.yield
        }) : () -> ()
        %run_scoped3A_644 = arith.constant 1 : i32
        "tpu.region"() ({
          %run_scoped3A_657 = tpu.sem_alloc : memref<!tpu.dma_semaphore, #tpu.memory_space<semaphore_mem>>
          %dma_start3A_658 = arith.constant 0 : i32
          %dma_start3A_659 = tpu.memref_slice %arg10[%run_scoped3A_644, %dma_start3A_658] : memref<2x32xi32, #tpu.memory_space<vmem>> -> memref<1x32xi32, #tpu.memory_space<vmem>>
          %dma_start3A_660 = tpu.memref_squeeze %dma_start3A_659 : memref<1x32xi32, #tpu.memory_space<vmem>> -> memref<32xi32, #tpu.memory_space<vmem>>
          %dma_start3A_661 = tpu.memref_slice %arg4[%add3A_624, %mul3A_642] : memref<50x4096xi32, #tpu.memory_space<hbm>> -> memref<1x32xi32, #tpu.memory_space<hbm>>
          %dma_start3A_662 = tpu.memref_squeeze %dma_start3A_661 : memref<1x32xi32, #tpu.memory_space<hbm>> -> memref<32xi32, #tpu.memory_space<hbm>>
          %dma_start3A_663 = arith.constant 0 : i32
          %dma_start3A_664 = tpu.memref_slice %arg10[%run_scoped3A_644, %dma_start3A_663] : memref<2x32xi32, #tpu.memory_space<vmem>> -> memref<1x32xi32, #tpu.memory_space<vmem>>
          %dma_start3A_665 = tpu.memref_squeeze %dma_start3A_664 : memref<1x32xi32, #tpu.memory_space<vmem>> -> memref<32xi32, #tpu.memory_space<vmem>>
          %dma_start3A_666 = tpu.memref_slice %arg4[%add3A_624, %mul3A_642] : memref<50x4096xi32, #tpu.memory_space<hbm>> -> memref<1x32xi32, #tpu.memory_space<hbm>>
          %dma_start3A_667 = tpu.memref_squeeze %dma_start3A_666 : memref<1x32xi32, #tpu.memory_space<hbm>> -> memref<32xi32, #tpu.memory_space<hbm>>
          tpu.enqueue_dma source(%dma_start3A_667 : memref<32xi32, #tpu.memory_space<hbm>>) target(%dma_start3A_665 : memref<32xi32, #tpu.memory_space<vmem>>) target_semaphore(%run_scoped3A_657 : memref<!tpu.dma_semaphore, #tpu.memory_space<semaphore_mem>>)
          %dma_wait3A_668 = arith.constant 0 : i32
          %dma_wait3A_669 = tpu.memref_slice %arg10[%run_scoped3A_644, %dma_wait3A_668] : memref<2x32xi32, #tpu.memory_space<vmem>> -> memref<1x32xi32, #tpu.memory_space<vmem>>
          %dma_wait3A_670 = tpu.memref_squeeze %dma_wait3A_669 : memref<1x32xi32, #tpu.memory_space<vmem>> -> memref<32xi32, #tpu.memory_space<vmem>>
          %dma_wait3A_671 = tpu.memref_slice %arg4[%add3A_624, %mul3A_642] : memref<50x4096xi32, #tpu.memory_space<hbm>> -> memref<1x32xi32, #tpu.memory_space<hbm>>
          %dma_wait3A_672 = tpu.memref_squeeze %dma_wait3A_671 : memref<1x32xi32, #tpu.memory_space<hbm>> -> memref<32xi32, #tpu.memory_space<hbm>>
          %dma_wait3A_673 = arith.constant 0 : i32
          %dma_wait3A_674 = tpu.memref_slice %arg10[%run_scoped3A_644, %dma_wait3A_673] : memref<2x32xi32, #tpu.memory_space<vmem>> -> memref<1x32xi32, #tpu.memory_space<vmem>>
          %dma_wait3A_675 = tpu.memref_squeeze %dma_wait3A_674 : memref<1x32xi32, #tpu.memory_space<vmem>> -> memref<32xi32, #tpu.memory_space<vmem>>
          %dma_wait3A_676 = tpu.memref_slice %arg4[%add3A_624, %mul3A_642] : memref<50x4096xi32, #tpu.memory_space<hbm>> -> memref<1x32xi32, #tpu.memory_space<hbm>>
          %dma_wait3A_677 = tpu.memref_squeeze %dma_wait3A_676 : memref<1x32xi32, #tpu.memory_space<hbm>> -> memref<32xi32, #tpu.memory_space<hbm>>
          tpu.wait_dma2 semaphore(%run_scoped3A_657 : memref<!tpu.dma_semaphore, #tpu.memory_space<semaphore_mem>>) src(%dma_wait3A_677 : memref<32xi32, #tpu.memory_space<hbm>>) dst(%dma_wait3A_675 : memref<32xi32, #tpu.memory_space<vmem>>)
          tpu.yield
        }) : () -> ()
        %dma_start3A_645 = arith.constant 1 : i32
        %dma_start3A_646 = arith.constant 1 : i32
        %dma_start3A_647 = arith.constant 0 : i32
        %dma_start3A_648 = arith.constant 0 : i32
        %dma_start3A_649 = tpu.memref_slice %arg12[%dma_start3A_646, %dma_start3A_647, %dma_start3A_648] : memref<2x32x1024xf32, #tpu.memory_space<vmem>> -> memref<1x32x1024xf32, #tpu.memory_space<vmem>>
        %dma_start3A_650 = tpu.memref_squeeze %dma_start3A_649 : memref<1x32x1024xf32, #tpu.memory_space<vmem>> -> memref<32x1024xf32, #tpu.memory_space<vmem>>
        %dma_start3A_651 = arith.constant 0 : i32
        %dma_start3A_652 = tpu.memref_slice %arg9[%dma_start3A_645, %dma_start3A_651] : memref<2x32xi32, #tpu.memory_space<vmem>> -> memref<1x32xi32, #tpu.memory_space<vmem>>
        %dma_start3A_653 = tpu.memref_squeeze %dma_start3A_652 : memref<1x32xi32, #tpu.memory_space<vmem>> -> memref<32xi32, #tpu.memory_space<vmem>>
        %dma_start3A_654 = arith.constant 0 : i32
        %dma_start3A_655 = arith.constant 0 : i32
        %dma_start3A_656 = tpu.memref_slice %arg8[%dma_start3A_654, %dma_start3A_655] : memref<1000x1024xf32, #tpu.memory_space<vmem_shared>> -> memref<1000x1024xf32, #tpu.memory_space<vmem_shared>>
        tpu.enqueue_indirect_dma source(%dma_start3A_656 : memref<1000x1024xf32, #tpu.memory_space<vmem_shared>>) target(%dma_start3A_650 : memref<32x1024xf32, #tpu.memory_space<vmem>>) offsets(%dma_start3A_653 : memref<32xi32, #tpu.memory_space<vmem>>) semaphore(%arg15 : memref<!tpu.dma_semaphore, #tpu.memory_space<semaphore_mem>>)
      } else {
      }
    }
    %scan3A_122 = arith.constant 50 : i32
    %sub3A_123 = arith.constant 2 : i32
    %sub3A_124 = arith.subi %add3A_8, %sub3A_123 : i32
    %add3A_125 = arith.constant 0 : i32
    %add3A_126 = arith.addi %sub3A_124, %add3A_125 : i32
    %jit3A_127 = arith.constant 128 : i32
    %div3A_128 = arith.divsi %add3A_126, %jit3A_127 : i32
    %sign3A_129 = arith.constant 0 : i32
    %sign3A_130 = arith.cmpi sgt, %add3A_126, %sign3A_129 : i32
    %sign3A_131 = arith.extui %sign3A_130 : i1 to i32
    %sign3A_132 = arith.constant 0 : i32
    %sign3A_133 = arith.cmpi slt, %add3A_126, %sign3A_132 : i32
    %sign3A_134 = arith.extui %sign3A_133 : i1 to i32
    %sign3A_135 = arith.subi %sign3A_131, %sign3A_134 : i32
    %sign3A_136 = arith.constant 0 : i32
    %sign3A_137 = arith.cmpi sgt, %jit3A_127, %sign3A_136 : i32
    %sign3A_138 = arith.extui %sign3A_137 : i1 to i32
    %sign3A_139 = arith.constant 0 : i32
    %sign3A_140 = arith.cmpi slt, %jit3A_127, %sign3A_139 : i32
    %sign3A_141 = arith.extui %sign3A_140 : i1 to i32
    %sign3A_142 = arith.subi %sign3A_138, %sign3A_141 : i32
    %ne3A_143 = arith.cmpi ne, %sign3A_135, %sign3A_142 : i32
    %rem3A_144 = arith.remsi %add3A_126, %jit3A_127 : i32
    %ne3A_145 = arith.constant 0 : i32
    %ne3A_146 = arith.cmpi ne, %rem3A_144, %ne3A_145 : i32
    %and3A_147 = arith.andi %ne3A_143, %ne3A_146 : i1
    %sub3A_148 = arith.constant 1 : i32
    %sub3A_149 = arith.subi %div3A_128, %sub3A_148 : i32
    %select_n3A_150 = arith.select %and3A_147, %sub3A_149, %div3A_128 : i32
    %jit3A_151 = arith.constant 128 : i32
    %eq3A_152 = arith.constant 0 : i32
    %eq3A_153 = arith.cmpi eq, %jit3A_151, %eq3A_152 : i32
    %jit3A_154 = arith.constant 1 : i32
    %select_n3A_155 = arith.select %eq3A_153, %jit3A_154, %jit3A_151 : i32
    %rem3A_156 = arith.remsi %add3A_126, %select_n3A_155 : i32
    %ne3A_157 = arith.constant 0 : i32
    %ne3A_158 = arith.cmpi ne, %rem3A_156, %ne3A_157 : i32
    %lt3A_159 = arith.constant 0 : i32
    %lt3A_160 = arith.cmpi slt, %rem3A_156, %lt3A_159 : i32
    %lt3A_161 = arith.constant 0 : i32
    %lt3A_162 = arith.cmpi slt, %select_n3A_155, %lt3A_161 : i32
    %ne3A_163 = arith.xori %lt3A_160, %lt3A_162 : i1
    %and3A_164 = arith.andi %ne3A_163, %ne3A_158 : i1
    %add3A_165 = arith.addi %rem3A_156, %select_n3A_155 : i32
    %select_n3A_166 = arith.select %and3A_164, %add3A_165, %rem3A_156 : i32
    %mul3A_167 = arith.constant 32 : i32
    %mul3A_168 = arith.muli %select_n3A_166, %mul3A_167 : i32
    %mul3A_169 = arith.constant 4096 : i32
    %mul3A_170 = arith.muli %select_n3A_150, %mul3A_169 : i32
    %add3A_171 = arith.addi %mul3A_170, %mul3A_168 : i32
    %dma_wait3A = arith.constant 0 : i32
    %dma_wait3A_172 = arith.constant 0 : i32
    %dma_wait3A_173 = arith.constant 0 : i32
    %dma_wait3A_174 = tpu.memref_slice %arg12[%dma_wait3A, %dma_wait3A_172, %dma_wait3A_173] : memref<2x32x1024xf32, #tpu.memory_space<vmem>> -> memref<1x32x1024xf32, #tpu.memory_space<vmem>>
    %dma_wait3A_175 = tpu.memref_squeeze %dma_wait3A_174 : memref<1x32x1024xf32, #tpu.memory_space<vmem>> -> memref<32x1024xf32, #tpu.memory_space<vmem>>
    %dma_wait3A_176 = arith.constant 0 : i32
    %dma_wait3A_177 = tpu.memref_slice %arg6[%add3A_171, %dma_wait3A_176] : memref<102400x1024xf32, #tpu.memory_space<hbm>> -> memref<32x1024xf32, #tpu.memory_space<hbm>>
    %dma_wait3A_178 = arith.constant 0 : i32
    %dma_wait3A_179 = tpu.memref_slice %arg6[%add3A_171, %dma_wait3A_178] : memref<102400x1024xf32, #tpu.memory_space<hbm>> -> memref<32x1024xf32, #tpu.memory_space<hbm>>
    %dma_wait3A_180 = arith.constant 0 : i32
    %dma_wait3A_181 = arith.constant 0 : i32
    %dma_wait3A_182 = tpu.memref_slice %arg12[%dma_wait3A, %dma_wait3A_180, %dma_wait3A_181] : memref<2x32x1024xf32, #tpu.memory_space<vmem>> -> memref<1x32x1024xf32, #tpu.memory_space<vmem>>
    %dma_wait3A_183 = tpu.memref_squeeze %dma_wait3A_182 : memref<1x32x1024xf32, #tpu.memory_space<vmem>> -> memref<32x1024xf32, #tpu.memory_space<vmem>>
    tpu.wait_dma2 semaphore(%arg16 : memref<!tpu.dma_semaphore, #tpu.memory_space<semaphore_mem>>) src(%dma_wait3A_183 : memref<32x1024xf32, #tpu.memory_space<vmem>>) dst(%dma_wait3A_179 : memref<32x1024xf32, #tpu.memory_space<hbm>>)
    %sub3A_184 = arith.constant 2 : i32
    %sub3A_185 = arith.subi %add3A_8, %sub3A_184 : i32
    %add3A_186 = arith.constant 1 : i32
    %add3A_187 = arith.addi %sub3A_185, %add3A_186 : i32
    %jit3A_188 = arith.constant 128 : i32
    %div3A_189 = arith.divsi %add3A_187, %jit3A_188 : i32
    %sign3A_190 = arith.constant 0 : i32
    %sign3A_191 = arith.cmpi sgt, %add3A_187, %sign3A_190 : i32
    %sign3A_192 = arith.extui %sign3A_191 : i1 to i32
    %sign3A_193 = arith.constant 0 : i32
    %sign3A_194 = arith.cmpi slt, %add3A_187, %sign3A_193 : i32
    %sign3A_195 = arith.extui %sign3A_194 : i1 to i32
    %sign3A_196 = arith.subi %sign3A_192, %sign3A_195 : i32
    %sign3A_197 = arith.constant 0 : i32
    %sign3A_198 = arith.cmpi sgt, %jit3A_188, %sign3A_197 : i32
    %sign3A_199 = arith.extui %sign3A_198 : i1 to i32
    %sign3A_200 = arith.constant 0 : i32
    %sign3A_201 = arith.cmpi slt, %jit3A_188, %sign3A_200 : i32
    %sign3A_202 = arith.extui %sign3A_201 : i1 to i32
    %sign3A_203 = arith.subi %sign3A_199, %sign3A_202 : i32
    %ne3A_204 = arith.cmpi ne, %sign3A_196, %sign3A_203 : i32
    %rem3A_205 = arith.remsi %add3A_187, %jit3A_188 : i32
    %ne3A_206 = arith.constant 0 : i32
    %ne3A_207 = arith.cmpi ne, %rem3A_205, %ne3A_206 : i32
    %and3A_208 = arith.andi %ne3A_204, %ne3A_207 : i1
    %sub3A_209 = arith.constant 1 : i32
    %sub3A_210 = arith.subi %div3A_189, %sub3A_209 : i32
    %select_n3A_211 = arith.select %and3A_208, %sub3A_210, %div3A_189 : i32
    %jit3A_212 = arith.constant 128 : i32
    %eq3A_213 = arith.constant 0 : i32
    %eq3A_214 = arith.cmpi eq, %jit3A_212, %eq3A_213 : i32
    %jit3A_215 = arith.constant 1 : i32
    %select_n3A_216 = arith.select %eq3A_214, %jit3A_215, %jit3A_212 : i32
    %rem3A_217 = arith.remsi %add3A_187, %select_n3A_216 : i32
    %ne3A_218 = arith.constant 0 : i32
    %ne3A_219 = arith.cmpi ne, %rem3A_217, %ne3A_218 : i32
    %lt3A_220 = arith.constant 0 : i32
    %lt3A_221 = arith.cmpi slt, %rem3A_217, %lt3A_220 : i32
    %lt3A_222 = arith.constant 0 : i32
    %lt3A_223 = arith.cmpi slt, %select_n3A_216, %lt3A_222 : i32
    %ne3A_224 = arith.xori %lt3A_221, %lt3A_223 : i1
    %and3A_225 = arith.andi %ne3A_224, %ne3A_219 : i1
    %add3A_226 = arith.addi %rem3A_217, %select_n3A_216 : i32
    %select_n3A_227 = arith.select %and3A_225, %add3A_226, %rem3A_217 : i32
    %mul3A_228 = arith.constant 32 : i32
    %mul3A_229 = arith.muli %select_n3A_227, %mul3A_228 : i32
    %mul3A_230 = arith.constant 4096 : i32
    %mul3A_231 = arith.muli %select_n3A_211, %mul3A_230 : i32
    %add3A_232 = arith.addi %mul3A_231, %mul3A_229 : i32
    %dma_wait3A_233 = arith.constant 1 : i32
    %dma_wait3A_234 = arith.constant 0 : i32
    %dma_wait3A_235 = arith.constant 0 : i32
    %dma_wait3A_236 = tpu.memref_slice %arg12[%dma_wait3A_233, %dma_wait3A_234, %dma_wait3A_235] : memref<2x32x1024xf32, #tpu.memory_space<vmem>> -> memref<1x32x1024xf32, #tpu.memory_space<vmem>>
    %dma_wait3A_237 = tpu.memref_squeeze %dma_wait3A_236 : memref<1x32x1024xf32, #tpu.memory_space<vmem>> -> memref<32x1024xf32, #tpu.memory_space<vmem>>
    %dma_wait3A_238 = arith.constant 0 : i32
    %dma_wait3A_239 = tpu.memref_slice %arg6[%add3A_232, %dma_wait3A_238] : memref<102400x1024xf32, #tpu.memory_space<hbm>> -> memref<32x1024xf32, #tpu.memory_space<hbm>>
    %dma_wait3A_240 = arith.constant 0 : i32
    %dma_wait3A_241 = tpu.memref_slice %arg6[%add3A_232, %dma_wait3A_240] : memref<102400x1024xf32, #tpu.memory_space<hbm>> -> memref<32x1024xf32, #tpu.memory_space<hbm>>
    %dma_wait3A_242 = arith.constant 0 : i32
    %dma_wait3A_243 = arith.constant 0 : i32
    %dma_wait3A_244 = tpu.memref_slice %arg12[%dma_wait3A_233, %dma_wait3A_242, %dma_wait3A_243] : memref<2x32x1024xf32, #tpu.memory_space<vmem>> -> memref<1x32x1024xf32, #tpu.memory_space<vmem>>
    %dma_wait3A_245 = tpu.memref_squeeze %dma_wait3A_244 : memref<1x32x1024xf32, #tpu.memory_space<vmem>> -> memref<32x1024xf32, #tpu.memory_space<vmem>>
    tpu.wait_dma2 semaphore(%arg17 : memref<!tpu.dma_semaphore, #tpu.memory_space<semaphore_mem>>) src(%dma_wait3A_245 : memref<32x1024xf32, #tpu.memory_space<vmem>>) dst(%dma_wait3A_241 : memref<32x1024xf32, #tpu.memory_space<hbm>>)
    "tpu.region"() ({
      %run_scoped3A_246 = tpu.sem_alloc : memref<!tpu.dma_semaphore, #tpu.memory_space<semaphore_mem>>
      %dma_start3A_247 = arith.constant 0 : i32
      %dma_start3A_248 = tpu.memref_slice %arg7[%add3A, %dma_start3A_247] : memref<32x16xf32, #tpu.memory_space<hbm>> -> memref<1x16xf32, #tpu.memory_space<hbm>>
      %dma_start3A_249 = tpu.memref_squeeze %dma_start3A_248 : memref<1x16xf32, #tpu.memory_space<hbm>> -> memref<16xf32, #tpu.memory_space<hbm>>
      %dma_start3A_250 = arith.constant 0 : i32
      %dma_start3A_251 = tpu.memref_slice %arg7[%add3A, %dma_start3A_250] : memref<32x16xf32, #tpu.memory_space<hbm>> -> memref<1x16xf32, #tpu.memory_space<hbm>>
      %dma_start3A_252 = tpu.memref_squeeze %dma_start3A_251 : memref<1x16xf32, #tpu.memory_space<hbm>> -> memref<16xf32, #tpu.memory_space<hbm>>
      tpu.enqueue_dma source(%arg13 : memref<16xf32, #tpu.memory_space<vmem>>) target(%dma_start3A_252 : memref<16xf32, #tpu.memory_space<hbm>>) target_semaphore(%run_scoped3A_246 : memref<!tpu.dma_semaphore, #tpu.memory_space<semaphore_mem>>)
      %dma_wait3A_253 = arith.constant 0 : i32
      %dma_wait3A_254 = tpu.memref_slice %arg7[%add3A, %dma_wait3A_253] : memref<32x16xf32, #tpu.memory_space<hbm>> -> memref<1x16xf32, #tpu.memory_space<hbm>>
      %dma_wait3A_255 = tpu.memref_squeeze %dma_wait3A_254 : memref<1x16xf32, #tpu.memory_space<hbm>> -> memref<16xf32, #tpu.memory_space<hbm>>
      %dma_wait3A_256 = arith.constant 0 : i32
      %dma_wait3A_257 = tpu.memref_slice %arg7[%add3A, %dma_wait3A_256] : memref<32x16xf32, #tpu.memory_space<hbm>> -> memref<1x16xf32, #tpu.memory_space<hbm>>
      %dma_wait3A_258 = tpu.memref_squeeze %dma_wait3A_257 : memref<1x16xf32, #tpu.memory_space<hbm>> -> memref<16xf32, #tpu.memory_space<hbm>>
      tpu.wait_dma2 semaphore(%run_scoped3A_246 : memref<!tpu.dma_semaphore, #tpu.memory_space<semaphore_mem>>) src(%arg13 : memref<16xf32, #tpu.memory_space<vmem>>) dst(%dma_wait3A_258 : memref<16xf32, #tpu.memory_space<hbm>>)
      tpu.yield
    }) : () -> ()
    return
  }
}

#map = affine_map<(d0, d1) -> (0, 0)>
#map1 = affine_map<(d0, d1) -> (0)>
module attributes {stable_mosaic.version = 14 : i64} {
  func.func @k(%arg0: i32, %arg1: i32, %arg2: memref<1000x1024xf32, #tpu.memory_space<hbm>>, %arg3: memref<50x4096xi32, #tpu.memory_space<hbm>>, %arg4: memref<50x4096xi32, #tpu.memory_space<hbm>>, %arg5: memref<1000xf32, #tpu.memory_space<hbm>>, %arg6: memref<102400x1024xf32, #tpu.memory_space<hbm>>, %arg7: memref<32x16xf32, #tpu.memory_space<hbm>>, %arg8: memref<1000x1024xf32, #tpu.memory_space<vmem_shared>>, %arg9: memref<2x32xi32, #tpu.memory_space<vmem>>, %arg10: memref<2x32xi32, #tpu.memory_space<vmem>>, %arg11: memref<1000xf32, #tpu.memory_space<vmem>>, %arg12: memref<2x32x1024xf32, #tpu.memory_space<vmem>>, %arg13: memref<16xf32, #tpu.memory_space<vmem>>, %arg14: memref<!tpu.dma_semaphore, #tpu.memory_space<semaphore_mem>>, %arg15: memref<!tpu.dma_semaphore, #tpu.memory_space<semaphore_mem>>, %arg16: memref<!tpu.dma_semaphore, #tpu.memory_space<semaphore_mem>>, %arg17: memref<!tpu.dma_semaphore, #tpu.memory_space<semaphore_mem>>) attributes {dimension_semantics = [#tpu.dimension_semantics<core_parallel>, #tpu.dimension_semantics<subcore_parallel>], iteration_bounds = array<i64: 2, 16>, scalar_prefetch = 0 : i64, scratch_operands = 10 : i64, tpu.core_type = #tpu.core_type<sc_vector_subcore>, window_params = [{transform_indices = #map}, {transform_indices = #map}, {transform_indices = #map}, {transform_indices = #map1}, {transform_indices = #map}, {transform_indices = #map}]} {
    %mul3A = arith.constant 2 : i32
    %mul3A_0 = arith.muli %arg1, %mul3A : i32
    %add3A = arith.addi %mul3A_0, %arg0 : i32
    %eq3A = arith.constant 0 : i32
    %eq3A_1 = arith.cmpi eq, %arg1, %eq3A : i32
    %convert_element_type3A = arith.extui %eq3A_1 : i1 to i32
    %cond3A = arith.constant 0 : i32
    %cond3A_2 = arith.cmpi ne, %convert_element_type3A, %cond3A : i32
    scf.if %cond3A_2 {
      "tpu.region"() ({
        %run_scoped3A_246 = tpu.sem_alloc : memref<!tpu.dma_semaphore, #tpu.memory_space<semaphore_mem>>
        tpu.enqueue_dma source(%arg2 : memref<1000x1024xf32, #tpu.memory_space<hbm>>) target(%arg8 : memref<1000x1024xf32, #tpu.memory_space<vmem_shared>>) target_semaphore(%run_scoped3A_246 : memref<!tpu.dma_semaphore, #tpu.memory_space<semaphore_mem>>)
        tpu.wait_dma2 semaphore(%run_scoped3A_246 : memref<!tpu.dma_semaphore, #tpu.memory_space<semaphore_mem>>) src(%arg2 : memref<1000x1024xf32, #tpu.memory_space<hbm>>) dst(%arg8 : memref<1000x1024xf32, #tpu.memory_space<vmem_shared>>)
        tpu.yield
      }) : () -> ()
    } else {
    }
    %barrier3A = arith.constant 0 : index
    tpu.barrier barrier_id(%barrier3A)
    "tpu.region"() ({
      %run_scoped3A_246 = tpu.sem_alloc : memref<!tpu.dma_semaphore, #tpu.memory_space<semaphore_mem>>
      tpu.enqueue_dma source(%arg5 : memref<1000xf32, #tpu.memory_space<hbm>>) target(%arg11 : memref<1000xf32, #tpu.memory_space<vmem>>) target_semaphore(%run_scoped3A_246 : memref<!tpu.dma_semaphore, #tpu.memory_space<semaphore_mem>>)
      tpu.wait_dma2 semaphore(%run_scoped3A_246 : memref<!tpu.dma_semaphore, #tpu.memory_space<semaphore_mem>>) src(%arg5 : memref<1000xf32, #tpu.memory_space<hbm>>) dst(%arg11 : memref<1000xf32, #tpu.memory_space<vmem>>)
      tpu.yield
    }) : () -> ()
    %broadcast_in_dim3A = arith.constant 0.000000e+00 : f32
    %broadcast_in_dim3A_3 = vector.broadcast %broadcast_in_dim3A : f32 to vector<16xf32>
    %swap3A = arith.constant 0 : index
    %swap3A_4 = tpu.vector_load %arg13[%swap3A] {strides = array<i32>} : memref<16xf32, #tpu.memory_space<vmem>>, vector<16xf32>,
    tpu.vector_store %arg13[%swap3A], %broadcast_in_dim3A_3 {strides = array<i32>} : memref<16xf32, #tpu.memory_space<vmem>>, vector<16xf32>,
    %iota3A = tpu.iota {dimensions = array<i32: 0>} : vector<16xi32>
    %mul3A_5 = arith.constant 100 : i32
    %mul3A_6 = arith.muli %add3A, %mul3A_5 : i32
    %add3A_7 = arith.constant 100 : i32
    %add3A_8 = arith.addi %mul3A_6, %add3A_7 : i32
    %add3A_9 = arith.constant 0 : i32
    %add3A_10 = arith.addi %mul3A_6, %add3A_9 : i32
    %jit3A = arith.constant 128 : i32
    %div3A = arith.divsi %add3A_10, %jit3A : i32
    %sign3A = arith.constant 0 : i32
    %sign3A_11 = arith.cmpi sgt, %add3A_10, %sign3A : i32
    %sign3A_12 = arith.extui %sign3A_11 : i1 to i32
    %sign3A_13 = arith.constant 0 : i32
    %sign3A_14 = arith.cmpi slt, %add3A_10, %sign3A_13 : i32
    %sign3A_15 = arith.extui %sign3A_14 : i1 to i32
    %sign3A_16 = arith.subi %sign3A_12, %sign3A_15 : i32
    %sign3A_17 = arith.constant 0 : i32
    %sign3A_18 = arith.cmpi sgt, %jit3A, %sign3A_17 : i32
    %sign3A_19 = arith.extui %sign3A_18 : i1 to i32
    %sign3A_20 = arith.constant 0 : i32
    %sign3A_21 = arith.cmpi slt, %jit3A, %sign3A_20 : i32
    %sign3A_22 = arith.extui %sign3A_21 : i1 to i32
    %sign3A_23 = arith.subi %sign3A_19, %sign3A_22 : i32
    %ne3A = arith.cmpi ne, %sign3A_16, %sign3A_23 : i32
    %rem3A = arith.remsi %add3A_10, %jit3A : i32
    %ne3A_24 = arith.constant 0 : i32
    %ne3A_25 = arith.cmpi ne, %rem3A, %ne3A_24 : i32
    %and3A = arith.andi %ne3A, %ne3A_25 : i1
    %sub3A = arith.constant 1 : i32
    %sub3A_26 = arith.subi %div3A, %sub3A : i32
    %select_n3A = arith.select %and3A, %sub3A_26, %div3A : i32
    %add3A_27 = arith.constant 25 : i32
    %add3A_28 = arith.addi %add3A_27, %select_n3A : i32
    %jit3A_29 = arith.constant 128 : i32
    %eq3A_30 = arith.constant 0 : i32
    %eq3A_31 = arith.cmpi eq, %jit3A_29, %eq3A_30 : i32
    %jit3A_32 = arith.constant 1 : i32
    %select_n3A_33 = arith.select %eq3A_31, %jit3A_32, %jit3A_29 : i32
    %rem3A_34 = arith.remsi %add3A_10, %select_n3A_33 : i32
    %ne3A_35 = arith.constant 0 : i32
    %ne3A_36 = arith.cmpi ne, %rem3A_34, %ne3A_35 : i32
    %lt3A = arith.constant 0 : i32
    %lt3A_37 = arith.cmpi slt, %rem3A_34, %lt3A : i32
    %lt3A_38 = arith.constant 0 : i32
    %lt3A_39 = arith.cmpi slt, %select_n3A_33, %lt3A_38 : i32
    %ne3A_40 = arith.xori %lt3A_37, %lt3A_39 : i1
    %and3A_41 = arith.andi %ne3A_40, %ne3A_36 : i1
    %add3A_42 = arith.addi %rem3A_34, %select_n3A_33 : i32
    %select_n3A_43 = arith.select %and3A_41, %add3A_42, %rem3A_34 : i32
    %mul3A_44 = arith.constant 32 : i32
    %mul3A_45 = arith.muli %select_n3A_43, %mul3A_44 : i32
    %run_scoped3A = arith.constant 0 : i32
    "tpu.region"() ({
      %run_scoped3A_246 = tpu.sem_alloc : memref<!tpu.dma_semaphore, #tpu.memory_space<semaphore_mem>>
      %dma_start3A_247 = arith.constant 0 : i32
      %dma_start3A_248 = tpu.memref_slice %arg9[%run_scoped3A, %dma_start3A_247] : memref<2x32xi32, #tpu.memory_space<vmem>> -> memref<1x32xi32, #tpu.memory_space<vmem>>
      %dma_start3A_249 = tpu.memref_squeeze %dma_start3A_248 : memref<1x32xi32, #tpu.memory_space<vmem>> -> memref<32xi32, #tpu.memory_space<vmem>>
      %dma_start3A_250 = tpu.memref_slice %arg3[%add3A_28, %mul3A_45] : memref<50x4096xi32, #tpu.memory_space<hbm>> -> memref<1x32xi32, #tpu.memory_space<hbm>>
      %dma_start3A_251 = tpu.memref_squeeze %dma_start3A_250 : memref<1x32xi32, #tpu.memory_space<hbm>> -> memref<32xi32, #tpu.memory_space<hbm>>
      %dma_start3A_252 = arith.constant 0 : i32
      %dma_start3A_253 = tpu.memref_slice %arg9[%run_scoped3A, %dma_start3A_252] : memref<2x32xi32, #tpu.memory_space<vmem>> -> memref<1x32xi32, #tpu.memory_space<vmem>>
      %dma_start3A_254 = tpu.memref_squeeze %dma_start3A_253 : memref<1x32xi32, #tpu.memory_space<vmem>> -> memref<32xi32, #tpu.memory_space<vmem>>
      %dma_start3A_255 = tpu.memref_slice %arg3[%add3A_28, %mul3A_45] : memref<50x4096xi32, #tpu.memory_space<hbm>> -> memref<1x32xi32, #tpu.memory_space<hbm>>
      %dma_start3A_256 = tpu.memref_squeeze %dma_start3A_255 : memref<1x32xi32, #tpu.memory_space<hbm>> -> memref<32xi32, #tpu.memory_space<hbm>>
      tpu.enqueue_dma source(%dma_start3A_256 : memref<32xi32, #tpu.memory_space<hbm>>) target(%dma_start3A_254 : memref<32xi32, #tpu.memory_space<vmem>>) target_semaphore(%run_scoped3A_246 : memref<!tpu.dma_semaphore, #tpu.memory_space<semaphore_mem>>)
      %dma_wait3A_257 = arith.constant 0 : i32
      %dma_wait3A_258 = tpu.memref_slice %arg9[%run_scoped3A, %dma_wait3A_257] : memref<2x32xi32, #tpu.memory_space<vmem>> -> memref<1x32xi32, #tpu.memory_space<vmem>>
      %dma_wait3A_259 = tpu.memref_squeeze %dma_wait3A_258 : memref<1x32xi32, #tpu.memory_space<vmem>> -> memref<32xi32, #tpu.memory_space<vmem>>
      %dma_wait3A_260 = tpu.memref_slice %arg3[%add3A_28, %mul3A_45] : memref<50x4096xi32, #tpu.memory_space<hbm>> -> memref<1x32xi32, #tpu.memory_space<hbm>>
      %dma_wait3A_261 = tpu.memref_squeeze %dma_wait3A_260 : memref<1x32xi32, #tpu.memory_space<hbm>> -> memref<32xi32, #tpu.memory_space<hbm>>
      %dma_wait3A_262 = arith.constant 0 : i32
      %dma_wait3A_263 = tpu.memref_slice %arg9[%run_scoped3A, %dma_wait3A_262] : memref<2x32xi32, #tpu.memory_space<vmem>> -> memref<1x32xi32, #tpu.memory_space<vmem>>
      %dma_wait3A_264 = tpu.memref_squeeze %dma_wait3A_263 : memref<1x32xi32, #tpu.memory_space<vmem>> -> memref<32xi32, #tpu.memory_space<vmem>>
      %dma_wait3A_265 = tpu.memref_slice %arg3[%add3A_28, %mul3A_45] : memref<50x4096xi32, #tpu.memory_space<hbm>> -> memref<1x32xi32, #tpu.memory_space<hbm>>
      %dma_wait3A_266 = tpu.memref_squeeze %dma_wait3A_265 : memref<1x32xi32, #tpu.memory_space<hbm>> -> memref<32xi32, #tpu.memory_space<hbm>>
      tpu.wait_dma2 semaphore(%run_scoped3A_246 : memref<!tpu.dma_semaphore, #tpu.memory_space<semaphore_mem>>) src(%dma_wait3A_266 : memref<32xi32, #tpu.memory_space<hbm>>) dst(%dma_wait3A_264 : memref<32xi32, #tpu.memory_space<vmem>>)
      tpu.yield
    }) : () -> ()
    %run_scoped3A_46 = arith.constant 0 : i32
    "tpu.region"() ({
      %run_scoped3A_246 = tpu.sem_alloc : memref<!tpu.dma_semaphore, #tpu.memory_space<semaphore_mem>>
      %dma_start3A_247 = arith.constant 0 : i32
      %dma_start3A_248 = tpu.memref_slice %arg10[%run_scoped3A_46, %dma_start3A_247] : memref<2x32xi32, #tpu.memory_space<vmem>> -> memref<1x32xi32, #tpu.memory_space<vmem>>
      %dma_start3A_249 = tpu.memref_squeeze %dma_start3A_248 : memref<1x32xi32, #tpu.memory_space<vmem>> -> memref<32xi32, #tpu.memory_space<vmem>>
      %dma_start3A_250 = tpu.memref_slice %arg4[%add3A_28, %mul3A_45] : memref<50x4096xi32, #tpu.memory_space<hbm>> -> memref<1x32xi32, #tpu.memory_space<hbm>>
      %dma_start3A_251 = tpu.memref_squeeze %dma_start3A_250 : memref<1x32xi32, #tpu.memory_space<hbm>> -> memref<32xi32, #tpu.memory_space<hbm>>
      %dma_start3A_252 = arith.constant 0 : i32
      %dma_start3A_253 = tpu.memref_slice %arg10[%run_scoped3A_46, %dma_start3A_252] : memref<2x32xi32, #tpu.memory_space<vmem>> -> memref<1x32xi32, #tpu.memory_space<vmem>>
      %dma_start3A_254 = tpu.memref_squeeze %dma_start3A_253 : memref<1x32xi32, #tpu.memory_space<vmem>> -> memref<32xi32, #tpu.memory_space<vmem>>
      %dma_start3A_255 = tpu.memref_slice %arg4[%add3A_28, %mul3A_45] : memref<50x4096xi32, #tpu.memory_space<hbm>> -> memref<1x32xi32, #tpu.memory_space<hbm>>
      %dma_start3A_256 = tpu.memref_squeeze %dma_start3A_255 : memref<1x32xi32, #tpu.memory_space<hbm>> -> memref<32xi32, #tpu.memory_space<hbm>>
      tpu.enqueue_dma source(%dma_start3A_256 : memref<32xi32, #tpu.memory_space<hbm>>) target(%dma_start3A_254 : memref<32xi32, #tpu.memory_space<vmem>>) target_semaphore(%run_scoped3A_246 : memref<!tpu.dma_semaphore, #tpu.memory_space<semaphore_mem>>)
      %dma_wait3A_257 = arith.constant 0 : i32
      %dma_wait3A_258 = tpu.memref_slice %arg10[%run_scoped3A_46, %dma_wait3A_257] : memref<2x32xi32, #tpu.memory_space<vmem>> -> memref<1x32xi32, #tpu.memory_space<vmem>>
      %dma_wait3A_259 = tpu.memref_squeeze %dma_wait3A_258 : memref<1x32xi32, #tpu.memory_space<vmem>> -> memref<32xi32, #tpu.memory_space<vmem>>
      %dma_wait3A_260 = tpu.memref_slice %arg4[%add3A_28, %mul3A_45] : memref<50x4096xi32, #tpu.memory_space<hbm>> -> memref<1x32xi32, #tpu.memory_space<hbm>>
      %dma_wait3A_261 = tpu.memref_squeeze %dma_wait3A_260 : memref<1x32xi32, #tpu.memory_space<hbm>> -> memref<32xi32, #tpu.memory_space<hbm>>
      %dma_wait3A_262 = arith.constant 0 : i32
      %dma_wait3A_263 = tpu.memref_slice %arg10[%run_scoped3A_46, %dma_wait3A_262] : memref<2x32xi32, #tpu.memory_space<vmem>> -> memref<1x32xi32, #tpu.memory_space<vmem>>
      %dma_wait3A_264 = tpu.memref_squeeze %dma_wait3A_263 : memref<1x32xi32, #tpu.memory_space<vmem>> -> memref<32xi32, #tpu.memory_space<vmem>>
      %dma_wait3A_265 = tpu.memref_slice %arg4[%add3A_28, %mul3A_45] : memref<50x4096xi32, #tpu.memory_space<hbm>> -> memref<1x32xi32, #tpu.memory_space<hbm>>
      %dma_wait3A_266 = tpu.memref_squeeze %dma_wait3A_265 : memref<1x32xi32, #tpu.memory_space<hbm>> -> memref<32xi32, #tpu.memory_space<hbm>>
      tpu.wait_dma2 semaphore(%run_scoped3A_246 : memref<!tpu.dma_semaphore, #tpu.memory_space<semaphore_mem>>) src(%dma_wait3A_266 : memref<32xi32, #tpu.memory_space<hbm>>) dst(%dma_wait3A_264 : memref<32xi32, #tpu.memory_space<vmem>>)
      tpu.yield
    }) : () -> ()
    %dma_start3A = arith.constant 0 : i32
    %dma_start3A_47 = arith.constant 0 : i32
    %dma_start3A_48 = arith.constant 0 : i32
    %dma_start3A_49 = arith.constant 0 : i32
    %dma_start3A_50 = tpu.memref_slice %arg12[%dma_start3A_47, %dma_start3A_48, %dma_start3A_49] : memref<2x32x1024xf32, #tpu.memory_space<vmem>> -> memref<1x32x1024xf32, #tpu.memory_space<vmem>>
    %dma_start3A_51 = tpu.memref_squeeze %dma_start3A_50 : memref<1x32x1024xf32, #tpu.memory_space<vmem>> -> memref<32x1024xf32, #tpu.memory_space<vmem>>
    %dma_start3A_52 = arith.constant 0 : i32
    %dma_start3A_53 = tpu.memref_slice %arg9[%dma_start3A, %dma_start3A_52] : memref<2x32xi32, #tpu.memory_space<vmem>> -> memref<1x32xi32, #tpu.memory_space<vmem>>
    %dma_start3A_54 = tpu.memref_squeeze %dma_start3A_53 : memref<1x32xi32, #tpu.memory_space<vmem>> -> memref<32xi32, #tpu.memory_space<vmem>>
    %dma_start3A_55 = arith.constant 0 : i32
    %dma_start3A_56 = arith.constant 0 : i32
    %dma_start3A_57 = tpu.memref_slice %arg8[%dma_start3A_55, %dma_start3A_56] : memref<1000x1024xf32, #tpu.memory_space<vmem_shared>> -> memref<1000x1024xf32, #tpu.memory_space<vmem_shared>>
    tpu.enqueue_indirect_dma source(%dma_start3A_57 : memref<1000x1024xf32, #tpu.memory_space<vmem_shared>>) target(%dma_start3A_51 : memref<32x1024xf32, #tpu.memory_space<vmem>>) offsets(%dma_start3A_54 : memref<32xi32, #tpu.memory_space<vmem>>) semaphore(%arg14 : memref<!tpu.dma_semaphore, #tpu.memory_space<semaphore_mem>>)
    %add3A_58 = arith.constant 1 : i32
    %add3A_59 = arith.addi %mul3A_6, %add3A_58 : i32
    %jit3A_60 = arith.constant 128 : i32
    %div3A_61 = arith.divsi %add3A_59, %jit3A_60 : i32
    %sign3A_62 = arith.constant 0 : i32
    %sign3A_63 = arith.cmpi sgt, %add3A_59, %sign3A_62 : i32
    %sign3A_64 = arith.extui %sign3A_63 : i1 to i32
    %sign3A_65 = arith.constant 0 : i32
    %sign3A_66 = arith.cmpi slt, %add3A_59, %sign3A_65 : i32
    %sign3A_67 = arith.extui %sign3A_66 : i1 to i32
    %sign3A_68 = arith.subi %sign3A_64, %sign3A_67 : i32
    %sign3A_69 = arith.constant 0 : i32
    %sign3A_70 = arith.cmpi sgt, %jit3A_60, %sign3A_69 : i32
    %sign3A_71 = arith.extui %sign3A_70 : i1 to i32
    %sign3A_72 = arith.constant 0 : i32
    %sign3A_73 = arith.cmpi slt, %jit3A_60, %sign3A_72 : i32
    %sign3A_74 = arith.extui %sign3A_73 : i1 to i32
    %sign3A_75 = arith.subi %sign3A_71, %sign3A_74 : i32
    %ne3A_76 = arith.cmpi ne, %sign3A_68, %sign3A_75 : i32
    %rem3A_77 = arith.remsi %add3A_59, %jit3A_60 : i32
    %ne3A_78 = arith.constant 0 : i32
    %ne3A_79 = arith.cmpi ne, %rem3A_77, %ne3A_78 : i32
    %and3A_80 = arith.andi %ne3A_76, %ne3A_79 : i1
    %sub3A_81 = arith.constant 1 : i32
    %sub3A_82 = arith.subi %div3A_61, %sub3A_81 : i32
    %select_n3A_83 = arith.select %and3A_80, %sub3A_82, %div3A_61 : i32
    %add3A_84 = arith.constant 25 : i32
    %add3A_85 = arith.addi %add3A_84, %select_n3A_83 : i32
    %jit3A_86 = arith.constant 128 : i32
    %eq3A_87 = arith.constant 0 : i32
    %eq3A_88 = arith.cmpi eq, %jit3A_86, %eq3A_87 : i32
    %jit3A_89 = arith.constant 1 : i32
    %select_n3A_90 = arith.select %eq3A_88, %jit3A_89, %jit3A_86 : i32
    %rem3A_91 = arith.remsi %add3A_59, %select_n3A_90 : i32
    %ne3A_92 = arith.constant 0 : i32
    %ne3A_93 = arith.cmpi ne, %rem3A_91, %ne3A_92 : i32
    %lt3A_94 = arith.constant 0 : i32
    %lt3A_95 = arith.cmpi slt, %rem3A_91, %lt3A_94 : i32
    %lt3A_96 = arith.constant 0 : i32
    %lt3A_97 = arith.cmpi slt, %select_n3A_90, %lt3A_96 : i32
    %ne3A_98 = arith.xori %lt3A_95, %lt3A_97 : i1
    %and3A_99 = arith.andi %ne3A_98, %ne3A_93 : i1
    %add3A_100 = arith.addi %rem3A_91, %select_n3A_90 : i32
    %select_n3A_101 = arith.select %and3A_99, %add3A_100, %rem3A_91 : i32
    %mul3A_102 = arith.constant 32 : i32
    %mul3A_103 = arith.muli %select_n3A_101, %mul3A_102 : i32
    %run_scoped3A_104 = arith.constant 1 : i32
    "tpu.region"() ({
      %run_scoped3A_246 = tpu.sem_alloc : memref<!tpu.dma_semaphore, #tpu.memory_space<semaphore_mem>>
      %dma_start3A_247 = arith.constant 0 : i32
      %dma_start3A_248 = tpu.memref_slice %arg9[%run_scoped3A_104, %dma_start3A_247] : memref<2x32xi32, #tpu.memory_space<vmem>> -> memref<1x32xi32, #tpu.memory_space<vmem>>
      %dma_start3A_249 = tpu.memref_squeeze %dma_start3A_248 : memref<1x32xi32, #tpu.memory_space<vmem>> -> memref<32xi32, #tpu.memory_space<vmem>>
      %dma_start3A_250 = tpu.memref_slice %arg3[%add3A_85, %mul3A_103] : memref<50x4096xi32, #tpu.memory_space<hbm>> -> memref<1x32xi32, #tpu.memory_space<hbm>>
      %dma_start3A_251 = tpu.memref_squeeze %dma_start3A_250 : memref<1x32xi32, #tpu.memory_space<hbm>> -> memref<32xi32, #tpu.memory_space<hbm>>
      %dma_start3A_252 = arith.constant 0 : i32
      %dma_start3A_253 = tpu.memref_slice %arg9[%run_scoped3A_104, %dma_start3A_252] : memref<2x32xi32, #tpu.memory_space<vmem>> -> memref<1x32xi32, #tpu.memory_space<vmem>>
      %dma_start3A_254 = tpu.memref_squeeze %dma_start3A_253 : memref<1x32xi32, #tpu.memory_space<vmem>> -> memref<32xi32, #tpu.memory_space<vmem>>
      %dma_start3A_255 = tpu.memref_slice %arg3[%add3A_85, %mul3A_103] : memref<50x4096xi32, #tpu.memory_space<hbm>> -> memref<1x32xi32, #tpu.memory_space<hbm>>
      %dma_start3A_256 = tpu.memref_squeeze %dma_start3A_255 : memref<1x32xi32, #tpu.memory_space<hbm>> -> memref<32xi32, #tpu.memory_space<hbm>>
      tpu.enqueue_dma source(%dma_start3A_256 : memref<32xi32, #tpu.memory_space<hbm>>) target(%dma_start3A_254 : memref<32xi32, #tpu.memory_space<vmem>>) target_semaphore(%run_scoped3A_246 : memref<!tpu.dma_semaphore, #tpu.memory_space<semaphore_mem>>)
      %dma_wait3A_257 = arith.constant 0 : i32
      %dma_wait3A_258 = tpu.memref_slice %arg9[%run_scoped3A_104, %dma_wait3A_257] : memref<2x32xi32, #tpu.memory_space<vmem>> -> memref<1x32xi32, #tpu.memory_space<vmem>>
      %dma_wait3A_259 = tpu.memref_squeeze %dma_wait3A_258 : memref<1x32xi32, #tpu.memory_space<vmem>> -> memref<32xi32, #tpu.memory_space<vmem>>
      %dma_wait3A_260 = tpu.memref_slice %arg3[%add3A_85, %mul3A_103] : memref<50x4096xi32, #tpu.memory_space<hbm>> -> memref<1x32xi32, #tpu.memory_space<hbm>>
      %dma_wait3A_261 = tpu.memref_squeeze %dma_wait3A_260 : memref<1x32xi32, #tpu.memory_space<hbm>> -> memref<32xi32, #tpu.memory_space<hbm>>
      %dma_wait3A_262 = arith.constant 0 : i32
      %dma_wait3A_263 = tpu.memref_slice %arg9[%run_scoped3A_104, %dma_wait3A_262] : memref<2x32xi32, #tpu.memory_space<vmem>> -> memref<1x32xi32, #tpu.memory_space<vmem>>
      %dma_wait3A_264 = tpu.memref_squeeze %dma_wait3A_263 : memref<1x32xi32, #tpu.memory_space<vmem>> -> memref<32xi32, #tpu.memory_space<vmem>>
      %dma_wait3A_265 = tpu.memref_slice %arg3[%add3A_85, %mul3A_103] : memref<50x4096xi32, #tpu.memory_space<hbm>> -> memref<1x32xi32, #tpu.memory_space<hbm>>
      %dma_wait3A_266 = tpu.memref_squeeze %dma_wait3A_265 : memref<1x32xi32, #tpu.memory_space<hbm>> -> memref<32xi32, #tpu.memory_space<hbm>>
      tpu.wait_dma2 semaphore(%run_scoped3A_246 : memref<!tpu.dma_semaphore, #tpu.memory_space<semaphore_mem>>) src(%dma_wait3A_266 : memref<32xi32, #tpu.memory_space<hbm>>) dst(%dma_wait3A_264 : memref<32xi32, #tpu.memory_space<vmem>>)
      tpu.yield
    }) : () -> ()
    %run_scoped3A_105 = arith.constant 1 : i32
    "tpu.region"() ({
      %run_scoped3A_246 = tpu.sem_alloc : memref<!tpu.dma_semaphore, #tpu.memory_space<semaphore_mem>>
      %dma_start3A_247 = arith.constant 0 : i32
      %dma_start3A_248 = tpu.memref_slice %arg10[%run_scoped3A_105, %dma_start3A_247] : memref<2x32xi32, #tpu.memory_space<vmem>> -> memref<1x32xi32, #tpu.memory_space<vmem>>
      %dma_start3A_249 = tpu.memref_squeeze %dma_start3A_248 : memref<1x32xi32, #tpu.memory_space<vmem>> -> memref<32xi32, #tpu.memory_space<vmem>>
      %dma_start3A_250 = tpu.memref_slice %arg4[%add3A_85, %mul3A_103] : memref<50x4096xi32, #tpu.memory_space<hbm>> -> memref<1x32xi32, #tpu.memory_space<hbm>>
      %dma_start3A_251 = tpu.memref_squeeze %dma_start3A_250 : memref<1x32xi32, #tpu.memory_space<hbm>> -> memref<32xi32, #tpu.memory_space<hbm>>
      %dma_start3A_252 = arith.constant 0 : i32
      %dma_start3A_253 = tpu.memref_slice %arg10[%run_scoped3A_105, %dma_start3A_252] : memref<2x32xi32, #tpu.memory_space<vmem>> -> memref<1x32xi32, #tpu.memory_space<vmem>>
      %dma_start3A_254 = tpu.memref_squeeze %dma_start3A_253 : memref<1x32xi32, #tpu.memory_space<vmem>> -> memref<32xi32, #tpu.memory_space<vmem>>
      %dma_start3A_255 = tpu.memref_slice %arg4[%add3A_85, %mul3A_103] : memref<50x4096xi32, #tpu.memory_space<hbm>> -> memref<1x32xi32, #tpu.memory_space<hbm>>
      %dma_start3A_256 = tpu.memref_squeeze %dma_start3A_255 : memref<1x32xi32, #tpu.memory_space<hbm>> -> memref<32xi32, #tpu.memory_space<hbm>>
      tpu.enqueue_dma source(%dma_start3A_256 : memref<32xi32, #tpu.memory_space<hbm>>) target(%dma_start3A_254 : memref<32xi32, #tpu.memory_space<vmem>>) target_semaphore(%run_scoped3A_246 : memref<!tpu.dma_semaphore, #tpu.memory_space<semaphore_mem>>)
      %dma_wait3A_257 = arith.constant 0 : i32
      %dma_wait3A_258 = tpu.memref_slice %arg10[%run_scoped3A_105, %dma_wait3A_257] : memref<2x32xi32, #tpu.memory_space<vmem>> -> memref<1x32xi32, #tpu.memory_space<vmem>>
      %dma_wait3A_259 = tpu.memref_squeeze %dma_wait3A_258 : memref<1x32xi32, #tpu.memory_space<vmem>> -> memref<32xi32, #tpu.memory_space<vmem>>
      %dma_wait3A_260 = tpu.memref_slice %arg4[%add3A_85, %mul3A_103] : memref<50x4096xi32, #tpu.memory_space<hbm>> -> memref<1x32xi32, #tpu.memory_space<hbm>>
      %dma_wait3A_261 = tpu.memref_squeeze %dma_wait3A_260 : memref<1x32xi32, #tpu.memory_space<hbm>> -> memref<32xi32, #tpu.memory_space<hbm>>
      %dma_wait3A_262 = arith.constant 0 : i32
      %dma_wait3A_263 = tpu.memref_slice %arg10[%run_scoped3A_105, %dma_wait3A_262] : memref<2x32xi32, #tpu.memory_space<vmem>> -> memref<1x32xi32, #tpu.memory_space<vmem>>
      %dma_wait3A_264 = tpu.memref_squeeze %dma_wait3A_263 : memref<1x32xi32, #tpu.memory_space<vmem>> -> memref<32xi32, #tpu.memory_space<vmem>>
      %dma_wait3A_265 = tpu.memref_slice %arg4[%add3A_85, %mul3A_103] : memref<50x4096xi32, #tpu.memory_space<hbm>> -> memref<1x32xi32, #tpu.memory_space<hbm>>
      %dma_wait3A_266 = tpu.memref_squeeze %dma_wait3A_265 : memref<1x32xi32, #tpu.memory_space<hbm>> -> memref<32xi32, #tpu.memory_space<hbm>>
      tpu.wait_dma2 semaphore(%run_scoped3A_246 : memref<!tpu.dma_semaphore, #tpu.memory_space<semaphore_mem>>) src(%dma_wait3A_266 : memref<32xi32, #tpu.memory_space<hbm>>) dst(%dma_wait3A_264 : memref<32xi32, #tpu.memory_space<vmem>>)
      tpu.yield
    }) : () -> ()
    %dma_start3A_106 = arith.constant 1 : i32
    %dma_start3A_107 = arith.constant 1 : i32
    %dma_start3A_108 = arith.constant 0 : i32
    %dma_start3A_109 = arith.constant 0 : i32
    %dma_start3A_110 = tpu.memref_slice %arg12[%dma_start3A_107, %dma_start3A_108, %dma_start3A_109] : memref<2x32x1024xf32, #tpu.memory_space<vmem>> -> memref<1x32x1024xf32, #tpu.memory_space<vmem>>
    %dma_start3A_111 = tpu.memref_squeeze %dma_start3A_110 : memref<1x32x1024xf32, #tpu.memory_space<vmem>> -> memref<32x1024xf32, #tpu.memory_space<vmem>>
    %dma_start3A_112 = arith.constant 0 : i32
    %dma_start3A_113 = tpu.memref_slice %arg9[%dma_start3A_106, %dma_start3A_112] : memref<2x32xi32, #tpu.memory_space<vmem>> -> memref<1x32xi32, #tpu.memory_space<vmem>>
    %dma_start3A_114 = tpu.memref_squeeze %dma_start3A_113 : memref<1x32xi32, #tpu.memory_space<vmem>> -> memref<32xi32, #tpu.memory_space<vmem>>
    %dma_start3A_115 = arith.constant 0 : i32
    %dma_start3A_116 = arith.constant 0 : i32
    %dma_start3A_117 = tpu.memref_slice %arg8[%dma_start3A_115, %dma_start3A_116] : memref<1000x1024xf32, #tpu.memory_space<vmem_shared>> -> memref<1000x1024xf32, #tpu.memory_space<vmem_shared>>
    tpu.enqueue_indirect_dma source(%dma_start3A_117 : memref<1000x1024xf32, #tpu.memory_space<vmem_shared>>) target(%dma_start3A_111 : memref<32x1024xf32, #tpu.memory_space<vmem>>) offsets(%dma_start3A_114 : memref<32xi32, #tpu.memory_space<vmem>>) semaphore(%arg15 : memref<!tpu.dma_semaphore, #tpu.memory_space<semaphore_mem>>)
    %scan3A = arith.constant 0 : i32
    %scan3A_118 = arith.constant 0 : i32
    %scan3A_119 = arith.constant 50 : i32
    %scan3A_120 = arith.addi %scan3A_118, %scan3A_119 : i32
    %scan3A_121 = arith.constant 1 : i32
    scf.for %scan3A_246 = %scan3A_118 to %scan3A_120 step %scan3A_121  : i32 {
      %mul3A_247 = arith.constant 2 : i32
      %mul3A_248 = arith.muli %scan3A_246, %mul3A_247 : i32
      %add3A_249 = arith.addi %mul3A_6, %mul3A_248 : i32
      %add3A_250 = arith.constant 0 : i32
      %add3A_251 = arith.addi %add3A_249, %add3A_250 : i32
      %jit3A_252 = arith.constant 128 : i32
      %div3A_253 = arith.divsi %add3A_251, %jit3A_252 : i32
      %sign3A_254 = arith.constant 0 : i32
      %sign3A_255 = arith.cmpi sgt, %add3A_251, %sign3A_254 : i32
      %sign3A_256 = arith.extui %sign3A_255 : i1 to i32
      %sign3A_257 = arith.constant 0 : i32
      %sign3A_258 = arith.cmpi slt, %add3A_251, %sign3A_257 : i32
      %sign3A_259 = arith.extui %sign3A_258 : i1 to i32
      %sign3A_260 = arith.subi %sign3A_256, %sign3A_259 : i32
      %sign3A_261 = arith.constant 0 : i32
      %sign3A_262 = arith.cmpi sgt, %jit3A_252, %sign3A_261 : i32
      %sign3A_263 = arith.extui %sign3A_262 : i1 to i32
      %sign3A_264 = arith.constant 0 : i32
      %sign3A_265 = arith.cmpi slt, %jit3A_252, %sign3A_264 : i32
      %sign3A_266 = arith.extui %sign3A_265 : i1 to i32
      %sign3A_267 = arith.subi %sign3A_263, %sign3A_266 : i32
      %ne3A_268 = arith.cmpi ne, %sign3A_260, %sign3A_267 : i32
      %rem3A_269 = arith.remsi %add3A_251, %jit3A_252 : i32
      %ne3A_270 = arith.constant 0 : i32
      %ne3A_271 = arith.cmpi ne, %rem3A_269, %ne3A_270 : i32
      %and3A_272 = arith.andi %ne3A_268, %ne3A_271 : i1
      %sub3A_273 = arith.constant 1 : i32
      %sub3A_274 = arith.subi %div3A_253, %sub3A_273 : i32
      %select_n3A_275 = arith.select %and3A_272, %sub3A_274, %div3A_253 : i32
      %jit3A_276 = arith.constant 128 : i32
      %eq3A_277 = arith.constant 0 : i32
      %eq3A_278 = arith.cmpi eq, %jit3A_276, %eq3A_277 : i32
      %jit3A_279 = arith.constant 1 : i32
      %select_n3A_280 = arith.select %eq3A_278, %jit3A_279, %jit3A_276 : i32
      %rem3A_281 = arith.remsi %add3A_251, %select_n3A_280 : i32
      %ne3A_282 = arith.constant 0 : i32
      %ne3A_283 = arith.cmpi ne, %rem3A_281, %ne3A_282 : i32
      %lt3A_284 = arith.constant 0 : i32
      %lt3A_285 = arith.cmpi slt, %rem3A_281, %lt3A_284 : i32
      %lt3A_286 = arith.constant 0 : i32
      %lt3A_287 = arith.cmpi slt, %select_n3A_280, %lt3A_286 : i32
      %ne3A_288 = arith.xori %lt3A_285, %lt3A_287 : i1
      %and3A_289 = arith.andi %ne3A_288, %ne3A_283 : i1
      %add3A_290 = arith.addi %rem3A_281, %select_n3A_280 : i32
      %select_n3A_291 = arith.select %and3A_289, %add3A_290, %rem3A_281 : i32
      %mul3A_292 = arith.constant 32 : i32
      %mul3A_293 = arith.muli %select_n3A_291, %mul3A_292 : i32
      %dma_wait3A_294 = arith.constant 0 : i32
      %dma_wait3A_295 = arith.constant 0 : i32
      %dma_wait3A_296 = arith.constant 0 : i32
      %dma_wait3A_297 = arith.constant 0 : i32
      %dma_wait3A_298 = tpu.memref_slice %arg12[%dma_wait3A_295, %dma_wait3A_296, %dma_wait3A_297] : memref<2x32x1024xf32, #tpu.memory_space<vmem>> -> memref<1x32x1024xf32, #tpu.memory_space<vmem>>
      %dma_wait3A_299 = tpu.memref_squeeze %dma_wait3A_298 : memref<1x32x1024xf32, #tpu.memory_space<vmem>> -> memref<32x1024xf32, #tpu.memory_space<vmem>>
      %dma_wait3A_300 = arith.constant 0 : i32
      %dma_wait3A_301 = tpu.memref_slice %arg9[%dma_wait3A_294, %dma_wait3A_300] : memref<2x32xi32, #tpu.memory_space<vmem>> -> memref<1x32xi32, #tpu.memory_space<vmem>>
      %dma_wait3A_302 = tpu.memref_squeeze %dma_wait3A_301 : memref<1x32xi32, #tpu.memory_space<vmem>> -> memref<32xi32, #tpu.memory_space<vmem>>
      %dma_wait3A_303 = arith.constant 0 : i32
      %dma_wait3A_304 = arith.constant 0 : i32
      %dma_wait3A_305 = tpu.memref_slice %arg8[%dma_wait3A_303, %dma_wait3A_304] : memref<1000x1024xf32, #tpu.memory_space<vmem_shared>> -> memref<1000x1024xf32, #tpu.memory_space<vmem_shared>>
      tpu.wait_indirect_dma semaphore(%arg14 : memref<!tpu.dma_semaphore, #tpu.memory_space<semaphore_mem>>) src(%dma_wait3A_305 : memref<1000x1024xf32, #tpu.memory_space<vmem_shared>>) dst(%dma_wait3A_299 : memref<32x1024xf32, #tpu.memory_space<vmem>>)
      %get3A = arith.constant 0 : index
      %get3A_306 = tpu.vector_load %arg13[%get3A] {strides = array<i32>} : memref<16xf32, #tpu.memory_space<vmem>>, vector<16xf32>,
      %get3A_307 = arith.constant 0 : i32
      %get3A_308 = arith.index_cast %get3A_307 : i32 to index
      %get3A_309 = arith.constant 0 : index
      %get3A_310 = tpu.vector_load %arg9[%get3A_308, %get3A_309] {strides = array<i32>} : memref<2x32xi32, #tpu.memory_space<vmem>>, vector<16xi32>,
      %get3A_311 = arith.constant 0 : i32
      %get3A_312 = arith.index_cast %get3A_311 : i32 to index
      %get3A_313 = arith.constant 0 : index
      %get3A_314 = tpu.vector_load %arg10[%get3A_312, %get3A_313] {strides = array<i32>} : memref<2x32xi32, #tpu.memory_space<vmem>>, vector<16xi32>,
      %gather3A = tpu.vector_load_idx %arg11[%get3A_310] : memref<1000xf32, #tpu.memory_space<vmem>>[vector<16xi32>], vector<16xf32>,
      %add3A_315 = arith.constant 0 : i32
      %add3A_316 = vector.broadcast %add3A_315 : i32 to vector<16xi32>
      %add3A_317 = arith.addi %iota3A, %add3A_316 : vector<16xi32>
      %gather3A_318 = arith.constant 0 : i32
      %gather3A_319 = arith.constant 0 : i32
      %gather3A_320 = arith.constant 0 : i32
      %gather3A_321 = tpu.memref_slice %arg12[%gather3A_318, %gather3A_319, %gather3A_320] : memref<2x32x1024xf32, #tpu.memory_space<vmem>> -> memref<1x32x1024xf32, #tpu.memory_space<vmem>>
      %gather3A_322 = tpu.memref_squeeze %gather3A_321 : memref<1x32x1024xf32, #tpu.memory_space<vmem>> -> memref<32x1024xf32, #tpu.memory_space<vmem>>
      %gather3A_323 = tpu.vector_load_idx %gather3A_322[%add3A_317, %get3A_314] : memref<32x1024xf32, #tpu.memory_space<vmem>>[vector<16xi32>, vector<16xi32>], vector<16xf32>,
      %sub3A_324 = arith.subf %gather3A, %gather3A_323 : vector<16xf32>
      %add3A_325 = arith.addf %get3A_306, %sub3A_324 : vector<16xf32>
      %get3A_326 = arith.constant 0 : i32
      %get3A_327 = arith.index_cast %get3A_326 : i32 to index
      %get3A_328 = arith.constant 16 : index
      %get3A_329 = tpu.vector_load %arg9[%get3A_327, %get3A_328] {strides = array<i32>} : memref<2x32xi32, #tpu.memory_space<vmem>>, vector<16xi32>,
      %get3A_330 = arith.constant 0 : i32
      %get3A_331 = arith.index_cast %get3A_330 : i32 to index
      %get3A_332 = arith.constant 16 : index
      %get3A_333 = tpu.vector_load %arg10[%get3A_331, %get3A_332] {strides = array<i32>} : memref<2x32xi32, #tpu.memory_space<vmem>>, vector<16xi32>,
      %gather3A_334 = tpu.vector_load_idx %arg11[%get3A_329] : memref<1000xf32, #tpu.memory_space<vmem>>[vector<16xi32>], vector<16xf32>,
      %add3A_335 = arith.constant 16 : i32
      %add3A_336 = vector.broadcast %add3A_335 : i32 to vector<16xi32>
      %add3A_337 = arith.addi %iota3A, %add3A_336 : vector<16xi32>
      %gather3A_338 = arith.constant 0 : i32
      %gather3A_339 = arith.constant 0 : i32
      %gather3A_340 = arith.constant 0 : i32
      %gather3A_341 = tpu.memref_slice %arg12[%gather3A_338, %gather3A_339, %gather3A_340] : memref<2x32x1024xf32, #tpu.memory_space<vmem>> -> memref<1x32x1024xf32, #tpu.memory_space<vmem>>
      %gather3A_342 = tpu.memref_squeeze %gather3A_341 : memref<1x32x1024xf32, #tpu.memory_space<vmem>> -> memref<32x1024xf32, #tpu.memory_space<vmem>>
      %gather3A_343 = tpu.vector_load_idx %gather3A_342[%add3A_337, %get3A_333] : memref<32x1024xf32, #tpu.memory_space<vmem>>[vector<16xi32>, vector<16xi32>], vector<16xf32>,
      %sub3A_344 = arith.subf %gather3A_334, %gather3A_343 : vector<16xf32>
      %add3A_345 = arith.addf %add3A_325, %sub3A_344 : vector<16xf32>
      %swap3A_346 = arith.constant 0 : index
      %swap3A_347 = tpu.vector_load %arg13[%swap3A_346] {strides = array<i32>} : memref<16xf32, #tpu.memory_space<vmem>>, vector<16xf32>,
      tpu.vector_store %arg13[%swap3A_346], %add3A_345 {strides = array<i32>} : memref<16xf32, #tpu.memory_space<vmem>>, vector<16xf32>,
      %mul3A_348 = arith.constant 4096 : i32
      %mul3A_349 = arith.muli %select_n3A_275, %mul3A_348 : i32
      %add3A_350 = arith.addi %mul3A_349, %mul3A_293 : i32
      %dma_start3A_351 = arith.constant 0 : i32
      %dma_start3A_352 = arith.constant 0 : i32
      %dma_start3A_353 = arith.constant 0 : i32
      %dma_start3A_354 = tpu.memref_slice %arg12[%dma_start3A_351, %dma_start3A_352, %dma_start3A_353] : memref<2x32x1024xf32, #tpu.memory_space<vmem>> -> memref<1x32x1024xf32, #tpu.memory_space<vmem>>
      %dma_start3A_355 = tpu.memref_squeeze %dma_start3A_354 : memref<1x32x1024xf32, #tpu.memory_space<vmem>> -> memref<32x1024xf32, #tpu.memory_space<vmem>>
      %dma_start3A_356 = arith.constant 0 : i32
      %dma_start3A_357 = tpu.memref_slice %arg6[%add3A_350, %dma_start3A_356] : memref<102400x1024xf32, #tpu.memory_space<hbm>> -> memref<32x1024xf32, #tpu.memory_space<hbm>>
      %dma_start3A_358 = arith.constant 0 : i32
      %dma_start3A_359 = tpu.memref_slice %arg6[%add3A_350, %dma_start3A_358] : memref<102400x1024xf32, #tpu.memory_space<hbm>> -> memref<32x1024xf32, #tpu.memory_space<hbm>>
      %dma_start3A_360 = arith.constant 0 : i32
      %dma_start3A_361 = arith.constant 0 : i32
      %dma_start3A_362 = tpu.memref_slice %arg12[%dma_start3A_351, %dma_start3A_360, %dma_start3A_361] : memref<2x32x1024xf32, #tpu.memory_space<vmem>> -> memref<1x32x1024xf32, #tpu.memory_space<vmem>>
      %dma_start3A_363 = tpu.memref_squeeze %dma_start3A_362 : memref<1x32x1024xf32, #tpu.memory_space<vmem>> -> memref<32x1024xf32, #tpu.memory_space<vmem>>
      tpu.enqueue_dma source(%dma_start3A_363 : memref<32x1024xf32, #tpu.memory_space<vmem>>) target(%dma_start3A_359 : memref<32x1024xf32, #tpu.memory_space<hbm>>) target_semaphore(%arg16 : memref<!tpu.dma_semaphore, #tpu.memory_space<semaphore_mem>>)
      %add3A_364 = arith.constant 1 : i32
      %add3A_365 = arith.addi %add3A_249, %add3A_364 : i32
      %jit3A_366 = arith.constant 128 : i32
      %div3A_367 = arith.divsi %add3A_365, %jit3A_366 : i32
      %sign3A_368 = arith.constant 0 : i32
      %sign3A_369 = arith.cmpi sgt, %add3A_365, %sign3A_368 : i32
      %sign3A_370 = arith.extui %sign3A_369 : i1 to i32
      %sign3A_371 = arith.constant 0 : i32
      %sign3A_372 = arith.cmpi slt, %add3A_365, %sign3A_371 : i32
      %sign3A_373 = arith.extui %sign3A_372 : i1 to i32
      %sign3A_374 = arith.subi %sign3A_370, %sign3A_373 : i32
      %sign3A_375 = arith.constant 0 : i32
      %sign3A_376 = arith.cmpi sgt, %jit3A_366, %sign3A_375 : i32
      %sign3A_377 = arith.extui %sign3A_376 : i1 to i32
      %sign3A_378 = arith.constant 0 : i32
      %sign3A_379 = arith.cmpi slt, %jit3A_366, %sign3A_378 : i32
      %sign3A_380 = arith.extui %sign3A_379 : i1 to i32
      %sign3A_381 = arith.subi %sign3A_377, %sign3A_380 : i32
      %ne3A_382 = arith.cmpi ne, %sign3A_374, %sign3A_381 : i32
      %rem3A_383 = arith.remsi %add3A_365, %jit3A_366 : i32
      %ne3A_384 = arith.constant 0 : i32
      %ne3A_385 = arith.cmpi ne, %rem3A_383, %ne3A_384 : i32
      %and3A_386 = arith.andi %ne3A_382, %ne3A_385 : i1
      %sub3A_387 = arith.constant 1 : i32
      %sub3A_388 = arith.subi %div3A_367, %sub3A_387 : i32
      %select_n3A_389 = arith.select %and3A_386, %sub3A_388, %div3A_367 : i32
      %jit3A_390 = arith.constant 128 : i32
      %eq3A_391 = arith.constant 0 : i32
      %eq3A_392 = arith.cmpi eq, %jit3A_390, %eq3A_391 : i32
      %jit3A_393 = arith.constant 1 : i32
      %select_n3A_394 = arith.select %eq3A_392, %jit3A_393, %jit3A_390 : i32
      %rem3A_395 = arith.remsi %add3A_365, %select_n3A_394 : i32
      %ne3A_396 = arith.constant 0 : i32
      %ne3A_397 = arith.cmpi ne, %rem3A_395, %ne3A_396 : i32
      %lt3A_398 = arith.constant 0 : i32
      %lt3A_399 = arith.cmpi slt, %rem3A_395, %lt3A_398 : i32
      %lt3A_400 = arith.constant 0 : i32
      %lt3A_401 = arith.cmpi slt, %select_n3A_394, %lt3A_400 : i32
      %ne3A_402 = arith.xori %lt3A_399, %lt3A_401 : i1
      %and3A_403 = arith.andi %ne3A_402, %ne3A_397 : i1
      %add3A_404 = arith.addi %rem3A_395, %select_n3A_394 : i32
      %select_n3A_405 = arith.select %and3A_403, %add3A_404, %rem3A_395 : i32
      %mul3A_406 = arith.constant 32 : i32
      %mul3A_407 = arith.muli %select_n3A_405, %mul3A_406 : i32
      %dma_wait3A_408 = arith.constant 1 : i32
      %dma_wait3A_409 = arith.constant 1 : i32
      %dma_wait3A_410 = arith.constant 0 : i32
      %dma_wait3A_411 = arith.constant 0 : i32
      %dma_wait3A_412 = tpu.memref_slice %arg12[%dma_wait3A_409, %dma_wait3A_410, %dma_wait3A_411] : memref<2x32x1024xf32, #tpu.memory_space<vmem>> -> memref<1x32x1024xf32, #tpu.memory_space<vmem>>
      %dma_wait3A_413 = tpu.memref_squeeze %dma_wait3A_412 : memref<1x32x1024xf32, #tpu.memory_space<vmem>> -> memref<32x1024xf32, #tpu.memory_space<vmem>>
      %dma_wait3A_414 = arith.constant 0 : i32
      %dma_wait3A_415 = tpu.memref_slice %arg9[%dma_wait3A_408, %dma_wait3A_414] : memref<2x32xi32, #tpu.memory_space<vmem>> -> memref<1x32xi32, #tpu.memory_space<vmem>>
      %dma_wait3A_416 = tpu.memref_squeeze %dma_wait3A_415 : memref<1x32xi32, #tpu.memory_space<vmem>> -> memref<32xi32, #tpu.memory_space<vmem>>
      %dma_wait3A_417 = arith.constant 0 : i32
      %dma_wait3A_418 = arith.constant 0 : i32
      %dma_wait3A_419 = tpu.memref_slice %arg8[%dma_wait3A_417, %dma_wait3A_418] : memref<1000x1024xf32, #tpu.memory_space<vmem_shared>> -> memref<1000x1024xf32, #tpu.memory_space<vmem_shared>>
      tpu.wait_indirect_dma semaphore(%arg15 : memref<!tpu.dma_semaphore, #tpu.memory_space<semaphore_mem>>) src(%dma_wait3A_419 : memref<1000x1024xf32, #tpu.memory_space<vmem_shared>>) dst(%dma_wait3A_413 : memref<32x1024xf32, #tpu.memory_space<vmem>>)
      %get3A_420 = arith.constant 0 : index
      %get3A_421 = tpu.vector_load %arg13[%get3A_420] {strides = array<i32>} : memref<16xf32, #tpu.memory_space<vmem>>, vector<16xf32>,
      %get3A_422 = arith.constant 1 : i32
      %get3A_423 = arith.index_cast %get3A_422 : i32 to index
      %get3A_424 = arith.constant 0 : index
      %get3A_425 = tpu.vector_load %arg9[%get3A_423, %get3A_424] {strides = array<i32>} : memref<2x32xi32, #tpu.memory_space<vmem>>, vector<16xi32>,
      %get3A_426 = arith.constant 1 : i32
      %get3A_427 = arith.index_cast %get3A_426 : i32 to index
      %get3A_428 = arith.constant 0 : index
      %get3A_429 = tpu.vector_load %arg10[%get3A_427, %get3A_428] {strides = array<i32>} : memref<2x32xi32, #tpu.memory_space<vmem>>, vector<16xi32>,
      %gather3A_430 = tpu.vector_load_idx %arg11[%get3A_425] : memref<1000xf32, #tpu.memory_space<vmem>>[vector<16xi32>], vector<16xf32>,
      %add3A_431 = arith.constant 0 : i32
      %add3A_432 = vector.broadcast %add3A_431 : i32 to vector<16xi32>
      %add3A_433 = arith.addi %iota3A, %add3A_432 : vector<16xi32>
      %gather3A_434 = arith.constant 1 : i32
      %gather3A_435 = arith.constant 0 : i32
      %gather3A_436 = arith.constant 0 : i32
      %gather3A_437 = tpu.memref_slice %arg12[%gather3A_434, %gather3A_435, %gather3A_436] : memref<2x32x1024xf32, #tpu.memory_space<vmem>> -> memref<1x32x1024xf32, #tpu.memory_space<vmem>>
      %gather3A_438 = tpu.memref_squeeze %gather3A_437 : memref<1x32x1024xf32, #tpu.memory_space<vmem>> -> memref<32x1024xf32, #tpu.memory_space<vmem>>
      %gather3A_439 = tpu.vector_load_idx %gather3A_438[%add3A_433, %get3A_429] : memref<32x1024xf32, #tpu.memory_space<vmem>>[vector<16xi32>, vector<16xi32>], vector<16xf32>,
      %sub3A_440 = arith.subf %gather3A_430, %gather3A_439 : vector<16xf32>
      %add3A_441 = arith.addf %get3A_421, %sub3A_440 : vector<16xf32>
      %get3A_442 = arith.constant 1 : i32
      %get3A_443 = arith.index_cast %get3A_442 : i32 to index
      %get3A_444 = arith.constant 16 : index
      %get3A_445 = tpu.vector_load %arg9[%get3A_443, %get3A_444] {strides = array<i32>} : memref<2x32xi32, #tpu.memory_space<vmem>>, vector<16xi32>,
      %get3A_446 = arith.constant 1 : i32
      %get3A_447 = arith.index_cast %get3A_446 : i32 to index
      %get3A_448 = arith.constant 16 : index
      %get3A_449 = tpu.vector_load %arg10[%get3A_447, %get3A_448] {strides = array<i32>} : memref<2x32xi32, #tpu.memory_space<vmem>>, vector<16xi32>,
      %gather3A_450 = tpu.vector_load_idx %arg11[%get3A_445] : memref<1000xf32, #tpu.memory_space<vmem>>[vector<16xi32>], vector<16xf32>,
      %add3A_451 = arith.constant 16 : i32
      %add3A_452 = vector.broadcast %add3A_451 : i32 to vector<16xi32>
      %add3A_453 = arith.addi %iota3A, %add3A_452 : vector<16xi32>
      %gather3A_454 = arith.constant 1 : i32
      %gather3A_455 = arith.constant 0 : i32
      %gather3A_456 = arith.constant 0 : i32
      %gather3A_457 = tpu.memref_slice %arg12[%gather3A_454, %gather3A_455, %gather3A_456] : memref<2x32x1024xf32, #tpu.memory_space<vmem>> -> memref<1x32x1024xf32, #tpu.memory_space<vmem>>
      %gather3A_458 = tpu.memref_squeeze %gather3A_457 : memref<1x32x1024xf32, #tpu.memory_space<vmem>> -> memref<32x1024xf32, #tpu.memory_space<vmem>>
      %gather3A_459 = tpu.vector_load_idx %gather3A_458[%add3A_453, %get3A_449] : memref<32x1024xf32, #tpu.memory_space<vmem>>[vector<16xi32>, vector<16xi32>], vector<16xf32>,
      %sub3A_460 = arith.subf %gather3A_450, %gather3A_459 : vector<16xf32>
      %add3A_461 = arith.addf %add3A_441, %sub3A_460 : vector<16xf32>
      %swap3A_462 = arith.constant 0 : index
      %swap3A_463 = tpu.vector_load %arg13[%swap3A_462] {strides = array<i32>} : memref<16xf32, #tpu.memory_space<vmem>>, vector<16xf32>,
      tpu.vector_store %arg13[%swap3A_462], %add3A_461 {strides = array<i32>} : memref<16xf32, #tpu.memory_space<vmem>>, vector<16xf32>,
      %mul3A_464 = arith.constant 4096 : i32
      %mul3A_465 = arith.muli %select_n3A_389, %mul3A_464 : i32
      %add3A_466 = arith.addi %mul3A_465, %mul3A_407 : i32
      %dma_start3A_467 = arith.constant 1 : i32
      %dma_start3A_468 = arith.constant 0 : i32
      %dma_start3A_469 = arith.constant 0 : i32
      %dma_start3A_470 = tpu.memref_slice %arg12[%dma_start3A_467, %dma_start3A_468, %dma_start3A_469] : memref<2x32x1024xf32, #tpu.memory_space<vmem>> -> memref<1x32x1024xf32, #tpu.memory_space<vmem>>
      %dma_start3A_471 = tpu.memref_squeeze %dma_start3A_470 : memref<1x32x1024xf32, #tpu.memory_space<vmem>> -> memref<32x1024xf32, #tpu.memory_space<vmem>>
      %dma_start3A_472 = arith.constant 0 : i32
      %dma_start3A_473 = tpu.memref_slice %arg6[%add3A_466, %dma_start3A_472] : memref<102400x1024xf32, #tpu.memory_space<hbm>> -> memref<32x1024xf32, #tpu.memory_space<hbm>>
      %dma_start3A_474 = arith.constant 0 : i32
      %dma_start3A_475 = tpu.memref_slice %arg6[%add3A_466, %dma_start3A_474] : memref<102400x1024xf32, #tpu.memory_space<hbm>> -> memref<32x1024xf32, #tpu.memory_space<hbm>>
      %dma_start3A_476 = arith.constant 0 : i32
      %dma_start3A_477 = arith.constant 0 : i32
      %dma_start3A_478 = tpu.memref_slice %arg12[%dma_start3A_467, %dma_start3A_476, %dma_start3A_477] : memref<2x32x1024xf32, #tpu.memory_space<vmem>> -> memref<1x32x1024xf32, #tpu.memory_space<vmem>>
      %dma_start3A_479 = tpu.memref_squeeze %dma_start3A_478 : memref<1x32x1024xf32, #tpu.memory_space<vmem>> -> memref<32x1024xf32, #tpu.memory_space<vmem>>
      tpu.enqueue_dma source(%dma_start3A_479 : memref<32x1024xf32, #tpu.memory_space<vmem>>) target(%dma_start3A_475 : memref<32x1024xf32, #tpu.memory_space<hbm>>) target_semaphore(%arg17 : memref<!tpu.dma_semaphore, #tpu.memory_space<semaphore_mem>>)
      %add3A_480 = arith.constant 0 : i32
      %add3A_481 = arith.addi %add3A_249, %add3A_480 : i32
      %add3A_482 = arith.constant 2 : i32
      %add3A_483 = arith.addi %add3A_481, %add3A_482 : i32
      %jit3A_484 = arith.constant 128 : i32
      %div3A_485 = arith.divsi %add3A_481, %jit3A_484 : i32
      %sign3A_486 = arith.constant 0 : i32
      %sign3A_487 = arith.cmpi sgt, %add3A_481, %sign3A_486 : i32
      %sign3A_488 = arith.extui %sign3A_487 : i1 to i32
      %sign3A_489 = arith.constant 0 : i32
      %sign3A_490 = arith.cmpi slt, %add3A_481, %sign3A_489 : i32
      %sign3A_491 = arith.extui %sign3A_490 : i1 to i32
      %sign3A_492 = arith.subi %sign3A_488, %sign3A_491 : i32
      %sign3A_493 = arith.constant 0 : i32
      %sign3A_494 = arith.cmpi sgt, %jit3A_484, %sign3A_493 : i32
      %sign3A_495 = arith.extui %sign3A_494 : i1 to i32
      %sign3A_496 = arith.constant 0 : i32
      %sign3A_497 = arith.cmpi slt, %jit3A_484, %sign3A_496 : i32
      %sign3A_498 = arith.extui %sign3A_497 : i1 to i32
      %sign3A_499 = arith.subi %sign3A_495, %sign3A_498 : i32
      %ne3A_500 = arith.cmpi ne, %sign3A_492, %sign3A_499 : i32
      %rem3A_501 = arith.remsi %add3A_481, %jit3A_484 : i32
      %ne3A_502 = arith.constant 0 : i32
      %ne3A_503 = arith.cmpi ne, %rem3A_501, %ne3A_502 : i32
      %and3A_504 = arith.andi %ne3A_500, %ne3A_503 : i1
      %sub3A_505 = arith.constant 1 : i32
      %sub3A_506 = arith.subi %div3A_485, %sub3A_505 : i32
      %select_n3A_507 = arith.select %and3A_504, %sub3A_506, %div3A_485 : i32
      %jit3A_508 = arith.constant 128 : i32
      %eq3A_509 = arith.constant 0 : i32
      %eq3A_510 = arith.cmpi eq, %jit3A_508, %eq3A_509 : i32
      %jit3A_511 = arith.constant 1 : i32
      %select_n3A_512 = arith.select %eq3A_510, %jit3A_511, %jit3A_508 : i32
      %rem3A_513 = arith.remsi %add3A_481, %select_n3A_512 : i32
      %ne3A_514 = arith.constant 0 : i32
      %ne3A_515 = arith.cmpi ne, %rem3A_513, %ne3A_514 : i32
      %lt3A_516 = arith.constant 0 : i32
      %lt3A_517 = arith.cmpi slt, %rem3A_513, %lt3A_516 : i32
      %lt3A_518 = arith.constant 0 : i32
      %lt3A_519 = arith.cmpi slt, %select_n3A_512, %lt3A_518 : i32
      %ne3A_520 = arith.xori %lt3A_517, %lt3A_519 : i1
      %and3A_521 = arith.andi %ne3A_520, %ne3A_515 : i1
      %add3A_522 = arith.addi %rem3A_513, %select_n3A_512 : i32
      %select_n3A_523 = arith.select %and3A_521, %add3A_522, %rem3A_513 : i32
      %mul3A_524 = arith.constant 32 : i32
      %mul3A_525 = arith.muli %select_n3A_523, %mul3A_524 : i32
      %mul3A_526 = arith.constant 4096 : i32
      %mul3A_527 = arith.muli %select_n3A_507, %mul3A_526 : i32
      %add3A_528 = arith.addi %mul3A_527, %mul3A_525 : i32
      %lt3A_529 = arith.cmpi slt, %add3A_483, %add3A_8 : i32
      %convert_element_type3A_530 = arith.extui %lt3A_529 : i1 to i32
      %cond3A_531 = arith.constant 0 : i32
      %cond3A_532 = arith.cmpi ne, %convert_element_type3A_530, %cond3A_531 : i32
      scf.if %cond3A_532 {
        %dma_wait3A_586 = arith.constant 0 : i32
        %dma_wait3A_587 = arith.constant 0 : i32
        %dma_wait3A_588 = arith.constant 0 : i32
        %dma_wait3A_589 = tpu.memref_slice %arg12[%dma_wait3A_586, %dma_wait3A_587, %dma_wait3A_588] : memref<2x32x1024xf32, #tpu.memory_space<vmem>> -> memref<1x32x1024xf32, #tpu.memory_space<vmem>>
        %dma_wait3A_590 = tpu.memref_squeeze %dma_wait3A_589 : memref<1x32x1024xf32, #tpu.memory_space<vmem>> -> memref<32x1024xf32, #tpu.memory_space<vmem>>
        %dma_wait3A_591 = arith.constant 0 : i32
        %dma_wait3A_592 = tpu.memref_slice %arg6[%add3A_528, %dma_wait3A_591] : memref<102400x1024xf32, #tpu.memory_space<hbm>> -> memref<32x1024xf32, #tpu.memory_space<hbm>>
        %dma_wait3A_593 = arith.constant 0 : i32
        %dma_wait3A_594 = tpu.memref_slice %arg6[%add3A_528, %dma_wait3A_593] : memref<102400x1024xf32, #tpu.memory_space<hbm>> -> memref<32x1024xf32, #tpu.memory_space<hbm>>
        %dma_wait3A_595 = arith.constant 0 : i32
        %dma_wait3A_596 = arith.constant 0 : i32
        %dma_wait3A_597 = tpu.memref_slice %arg12[%dma_wait3A_586, %dma_wait3A_595, %dma_wait3A_596] : memref<2x32x1024xf32, #tpu.memory_space<vmem>> -> memref<1x32x1024xf32, #tpu.memory_space<vmem>>
        %dma_wait3A_598 = tpu.memref_squeeze %dma_wait3A_597 : memref<1x32x1024xf32, #tpu.memory_space<vmem>> -> memref<32x1024xf32, #tpu.memory_space<vmem>>
        tpu.wait_dma2 semaphore(%arg16 : memref<!tpu.dma_semaphore, #tpu.memory_space<semaphore_mem>>) src(%dma_wait3A_598 : memref<32x1024xf32, #tpu.memory_space<vmem>>) dst(%dma_wait3A_594 : memref<32x1024xf32, #tpu.memory_space<hbm>>)
        %jit3A_599 = arith.constant 128 : i32
        %div3A_600 = arith.divsi %add3A_483, %jit3A_599 : i32
        %sign3A_601 = arith.constant 0 : i32
        %sign3A_602 = arith.cmpi sgt, %add3A_483, %sign3A_601 : i32
        %sign3A_603 = arith.extui %sign3A_602 : i1 to i32
        %sign3A_604 = arith.constant 0 : i32
        %sign3A_605 = arith.cmpi slt, %add3A_483, %sign3A_604 : i32
        %sign3A_606 = arith.extui %sign3A_605 : i1 to i32
        %sign3A_607 = arith.subi %sign3A_603, %sign3A_606 : i32
        %sign3A_608 = arith.constant 0 : i32
        %sign3A_609 = arith.cmpi sgt, %jit3A_599, %sign3A_608 : i32
        %sign3A_610 = arith.extui %sign3A_609 : i1 to i32
        %sign3A_611 = arith.constant 0 : i32
        %sign3A_612 = arith.cmpi slt, %jit3A_599, %sign3A_611 : i32
        %sign3A_613 = arith.extui %sign3A_612 : i1 to i32
        %sign3A_614 = arith.subi %sign3A_610, %sign3A_613 : i32
        %ne3A_615 = arith.cmpi ne, %sign3A_607, %sign3A_614 : i32
        %rem3A_616 = arith.remsi %add3A_483, %jit3A_599 : i32
        %ne3A_617 = arith.constant 0 : i32
        %ne3A_618 = arith.cmpi ne, %rem3A_616, %ne3A_617 : i32
        %and3A_619 = arith.andi %ne3A_615, %ne3A_618 : i1
        %sub3A_620 = arith.constant 1 : i32
        %sub3A_621 = arith.subi %div3A_600, %sub3A_620 : i32
        %select_n3A_622 = arith.select %and3A_619, %sub3A_621, %div3A_600 : i32
        %add3A_623 = arith.constant 25 : i32
        %add3A_624 = arith.addi %add3A_623, %select_n3A_622 : i32
        %jit3A_625 = arith.constant 128 : i32
        %eq3A_626 = arith.constant 0 : i32
        %eq3A_627 = arith.cmpi eq, %jit3A_625, %eq3A_626 : i32
        %jit3A_628 = arith.constant 1 : i32
        %select_n3A_629 = arith.select %eq3A_627, %jit3A_628, %jit3A_625 : i32
        %rem3A_630 = arith.remsi %add3A_483, %select_n3A_629 : i32
        %ne3A_631 = arith.constant 0 : i32
        %ne3A_632 = arith.cmpi ne, %rem3A_630, %ne3A_631 : i32
        %lt3A_633 = arith.constant 0 : i32
        %lt3A_634 = arith.cmpi slt, %rem3A_630, %lt3A_633 : i32
        %lt3A_635 = arith.constant 0 : i32
        %lt3A_636 = arith.cmpi slt, %select_n3A_629, %lt3A_635 : i32
        %ne3A_637 = arith.xori %lt3A_634, %lt3A_636 : i1
        %and3A_638 = arith.andi %ne3A_637, %ne3A_632 : i1
        %add3A_639 = arith.addi %rem3A_630, %select_n3A_629 : i32
        %select_n3A_640 = arith.select %and3A_638, %add3A_639, %rem3A_630 : i32
        %mul3A_641 = arith.constant 32 : i32
        %mul3A_642 = arith.muli %select_n3A_640, %mul3A_641 : i32
        %run_scoped3A_643 = arith.constant 0 : i32
        "tpu.region"() ({
          %run_scoped3A_657 = tpu.sem_alloc : memref<!tpu.dma_semaphore, #tpu.memory_space<semaphore_mem>>
          %dma_start3A_658 = arith.constant 0 : i32
          %dma_start3A_659 = tpu.memref_slice %arg9[%run_scoped3A_643, %dma_start3A_658] : memref<2x32xi32, #tpu.memory_space<vmem>> -> memref<1x32xi32, #tpu.memory_space<vmem>>
          %dma_start3A_660 = tpu.memref_squeeze %dma_start3A_659 : memref<1x32xi32, #tpu.memory_space<vmem>> -> memref<32xi32, #tpu.memory_space<vmem>>
          %dma_start3A_661 = tpu.memref_slice %arg3[%add3A_624, %mul3A_642] : memref<50x4096xi32, #tpu.memory_space<hbm>> -> memref<1x32xi32, #tpu.memory_space<hbm>>
          %dma_start3A_662 = tpu.memref_squeeze %dma_start3A_661 : memref<1x32xi32, #tpu.memory_space<hbm>> -> memref<32xi32, #tpu.memory_space<hbm>>
          %dma_start3A_663 = arith.constant 0 : i32
          %dma_start3A_664 = tpu.memref_slice %arg9[%run_scoped3A_643, %dma_start3A_663] : memref<2x32xi32, #tpu.memory_space<vmem>> -> memref<1x32xi32, #tpu.memory_space<vmem>>
          %dma_start3A_665 = tpu.memref_squeeze %dma_start3A_664 : memref<1x32xi32, #tpu.memory_space<vmem>> -> memref<32xi32, #tpu.memory_space<vmem>>
          %dma_start3A_666 = tpu.memref_slice %arg3[%add3A_624, %mul3A_642] : memref<50x4096xi32, #tpu.memory_space<hbm>> -> memref<1x32xi32, #tpu.memory_space<hbm>>
          %dma_start3A_667 = tpu.memref_squeeze %dma_start3A_666 : memref<1x32xi32, #tpu.memory_space<hbm>> -> memref<32xi32, #tpu.memory_space<hbm>>
          tpu.enqueue_dma source(%dma_start3A_667 : memref<32xi32, #tpu.memory_space<hbm>>) target(%dma_start3A_665 : memref<32xi32, #tpu.memory_space<vmem>>) target_semaphore(%run_scoped3A_657 : memref<!tpu.dma_semaphore, #tpu.memory_space<semaphore_mem>>)
          %dma_wait3A_668 = arith.constant 0 : i32
          %dma_wait3A_669 = tpu.memref_slice %arg9[%run_scoped3A_643, %dma_wait3A_668] : memref<2x32xi32, #tpu.memory_space<vmem>> -> memref<1x32xi32, #tpu.memory_space<vmem>>
          %dma_wait3A_670 = tpu.memref_squeeze %dma_wait3A_669 : memref<1x32xi32, #tpu.memory_space<vmem>> -> memref<32xi32, #tpu.memory_space<vmem>>
          %dma_wait3A_671 = tpu.memref_slice %arg3[%add3A_624, %mul3A_642] : memref<50x4096xi32, #tpu.memory_space<hbm>> -> memref<1x32xi32, #tpu.memory_space<hbm>>
          %dma_wait3A_672 = tpu.memref_squeeze %dma_wait3A_671 : memref<1x32xi32, #tpu.memory_space<hbm>> -> memref<32xi32, #tpu.memory_space<hbm>>
          %dma_wait3A_673 = arith.constant 0 : i32
          %dma_wait3A_674 = tpu.memref_slice %arg9[%run_scoped3A_643, %dma_wait3A_673] : memref<2x32xi32, #tpu.memory_space<vmem>> -> memref<1x32xi32, #tpu.memory_space<vmem>>
          %dma_wait3A_675 = tpu.memref_squeeze %dma_wait3A_674 : memref<1x32xi32, #tpu.memory_space<vmem>> -> memref<32xi32, #tpu.memory_space<vmem>>
          %dma_wait3A_676 = tpu.memref_slice %arg3[%add3A_624, %mul3A_642] : memref<50x4096xi32, #tpu.memory_space<hbm>> -> memref<1x32xi32, #tpu.memory_space<hbm>>
          %dma_wait3A_677 = tpu.memref_squeeze %dma_wait3A_676 : memref<1x32xi32, #tpu.memory_space<hbm>> -> memref<32xi32, #tpu.memory_space<hbm>>
          tpu.wait_dma2 semaphore(%run_scoped3A_657 : memref<!tpu.dma_semaphore, #tpu.memory_space<semaphore_mem>>) src(%dma_wait3A_677 : memref<32xi32, #tpu.memory_space<hbm>>) dst(%dma_wait3A_675 : memref<32xi32, #tpu.memory_space<vmem>>)
          tpu.yield
        }) : () -> ()
        %run_scoped3A_644 = arith.constant 0 : i32
        "tpu.region"() ({
          %run_scoped3A_657 = tpu.sem_alloc : memref<!tpu.dma_semaphore, #tpu.memory_space<semaphore_mem>>
          %dma_start3A_658 = arith.constant 0 : i32
          %dma_start3A_659 = tpu.memref_slice %arg10[%run_scoped3A_644, %dma_start3A_658] : memref<2x32xi32, #tpu.memory_space<vmem>> -> memref<1x32xi32, #tpu.memory_space<vmem>>
          %dma_start3A_660 = tpu.memref_squeeze %dma_start3A_659 : memref<1x32xi32, #tpu.memory_space<vmem>> -> memref<32xi32, #tpu.memory_space<vmem>>
          %dma_start3A_661 = tpu.memref_slice %arg4[%add3A_624, %mul3A_642] : memref<50x4096xi32, #tpu.memory_space<hbm>> -> memref<1x32xi32, #tpu.memory_space<hbm>>
          %dma_start3A_662 = tpu.memref_squeeze %dma_start3A_661 : memref<1x32xi32, #tpu.memory_space<hbm>> -> memref<32xi32, #tpu.memory_space<hbm>>
          %dma_start3A_663 = arith.constant 0 : i32
          %dma_start3A_664 = tpu.memref_slice %arg10[%run_scoped3A_644, %dma_start3A_663] : memref<2x32xi32, #tpu.memory_space<vmem>> -> memref<1x32xi32, #tpu.memory_space<vmem>>
          %dma_start3A_665 = tpu.memref_squeeze %dma_start3A_664 : memref<1x32xi32, #tpu.memory_space<vmem>> -> memref<32xi32, #tpu.memory_space<vmem>>
          %dma_start3A_666 = tpu.memref_slice %arg4[%add3A_624, %mul3A_642] : memref<50x4096xi32, #tpu.memory_space<hbm>> -> memref<1x32xi32, #tpu.memory_space<hbm>>
          %dma_start3A_667 = tpu.memref_squeeze %dma_start3A_666 : memref<1x32xi32, #tpu.memory_space<hbm>> -> memref<32xi32, #tpu.memory_space<hbm>>
          tpu.enqueue_dma source(%dma_start3A_667 : memref<32xi32, #tpu.memory_space<hbm>>) target(%dma_start3A_665 : memref<32xi32, #tpu.memory_space<vmem>>) target_semaphore(%run_scoped3A_657 : memref<!tpu.dma_semaphore, #tpu.memory_space<semaphore_mem>>)
          %dma_wait3A_668 = arith.constant 0 : i32
          %dma_wait3A_669 = tpu.memref_slice %arg10[%run_scoped3A_644, %dma_wait3A_668] : memref<2x32xi32, #tpu.memory_space<vmem>> -> memref<1x32xi32, #tpu.memory_space<vmem>>
          %dma_wait3A_670 = tpu.memref_squeeze %dma_wait3A_669 : memref<1x32xi32, #tpu.memory_space<vmem>> -> memref<32xi32, #tpu.memory_space<vmem>>
          %dma_wait3A_671 = tpu.memref_slice %arg4[%add3A_624, %mul3A_642] : memref<50x4096xi32, #tpu.memory_space<hbm>> -> memref<1x32xi32, #tpu.memory_space<hbm>>
          %dma_wait3A_672 = tpu.memref_squeeze %dma_wait3A_671 : memref<1x32xi32, #tpu.memory_space<hbm>> -> memref<32xi32, #tpu.memory_space<hbm>>
          %dma_wait3A_673 = arith.constant 0 : i32
          %dma_wait3A_674 = tpu.memref_slice %arg10[%run_scoped3A_644, %dma_wait3A_673] : memref<2x32xi32, #tpu.memory_space<vmem>> -> memref<1x32xi32, #tpu.memory_space<vmem>>
          %dma_wait3A_675 = tpu.memref_squeeze %dma_wait3A_674 : memref<1x32xi32, #tpu.memory_space<vmem>> -> memref<32xi32, #tpu.memory_space<vmem>>
          %dma_wait3A_676 = tpu.memref_slice %arg4[%add3A_624, %mul3A_642] : memref<50x4096xi32, #tpu.memory_space<hbm>> -> memref<1x32xi32, #tpu.memory_space<hbm>>
          %dma_wait3A_677 = tpu.memref_squeeze %dma_wait3A_676 : memref<1x32xi32, #tpu.memory_space<hbm>> -> memref<32xi32, #tpu.memory_space<hbm>>
          tpu.wait_dma2 semaphore(%run_scoped3A_657 : memref<!tpu.dma_semaphore, #tpu.memory_space<semaphore_mem>>) src(%dma_wait3A_677 : memref<32xi32, #tpu.memory_space<hbm>>) dst(%dma_wait3A_675 : memref<32xi32, #tpu.memory_space<vmem>>)
          tpu.yield
        }) : () -> ()
        %dma_start3A_645 = arith.constant 0 : i32
        %dma_start3A_646 = arith.constant 0 : i32
        %dma_start3A_647 = arith.constant 0 : i32
        %dma_start3A_648 = arith.constant 0 : i32
        %dma_start3A_649 = tpu.memref_slice %arg12[%dma_start3A_646, %dma_start3A_647, %dma_start3A_648] : memref<2x32x1024xf32, #tpu.memory_space<vmem>> -> memref<1x32x1024xf32, #tpu.memory_space<vmem>>
        %dma_start3A_650 = tpu.memref_squeeze %dma_start3A_649 : memref<1x32x1024xf32, #tpu.memory_space<vmem>> -> memref<32x1024xf32, #tpu.memory_space<vmem>>
        %dma_start3A_651 = arith.constant 0 : i32
        %dma_start3A_652 = tpu.memref_slice %arg9[%dma_start3A_645, %dma_start3A_651] : memref<2x32xi32, #tpu.memory_space<vmem>> -> memref<1x32xi32, #tpu.memory_space<vmem>>
        %dma_start3A_653 = tpu.memref_squeeze %dma_start3A_652 : memref<1x32xi32, #tpu.memory_space<vmem>> -> memref<32xi32, #tpu.memory_space<vmem>>
        %dma_start3A_654 = arith.constant 0 : i32
        %dma_start3A_655 = arith.constant 0 : i32
        %dma_start3A_656 = tpu.memref_slice %arg8[%dma_start3A_654, %dma_start3A_655] : memref<1000x1024xf32, #tpu.memory_space<vmem_shared>> -> memref<1000x1024xf32, #tpu.memory_space<vmem_shared>>
        tpu.enqueue_indirect_dma source(%dma_start3A_656 : memref<1000x1024xf32, #tpu.memory_space<vmem_shared>>) target(%dma_start3A_650 : memref<32x1024xf32, #tpu.memory_space<vmem>>) offsets(%dma_start3A_653 : memref<32xi32, #tpu.memory_space<vmem>>) semaphore(%arg14 : memref<!tpu.dma_semaphore, #tpu.memory_space<semaphore_mem>>)
      } else {
      }
      %add3A_533 = arith.constant 1 : i32
      %add3A_534 = arith.addi %add3A_249, %add3A_533 : i32
      %add3A_535 = arith.constant 2 : i32
      %add3A_536 = arith.addi %add3A_534, %add3A_535 : i32
      %jit3A_537 = arith.constant 128 : i32
      %div3A_538 = arith.divsi %add3A_534, %jit3A_537 : i32
      %sign3A_539 = arith.constant 0 : i32
      %sign3A_540 = arith.cmpi sgt, %add3A_534, %sign3A_539 : i32
      %sign3A_541 = arith.extui %sign3A_540 : i1 to i32
      %sign3A_542 = arith.constant 0 : i32
      %sign3A_543 = arith.cmpi slt, %add3A_534, %sign3A_542 : i32
      %sign3A_544 = arith.extui %sign3A_543 : i1 to i32
      %sign3A_545 = arith.subi %sign3A_541, %sign3A_544 : i32
      %sign3A_546 = arith.constant 0 : i32
      %sign3A_547 = arith.cmpi sgt, %jit3A_537, %sign3A_546 : i32
      %sign3A_548 = arith.extui %sign3A_547 : i1 to i32
      %sign3A_549 = arith.constant 0 : i32
      %sign3A_550 = arith.cmpi slt, %jit3A_537, %sign3A_549 : i32
      %sign3A_551 = arith.extui %sign3A_550 : i1 to i32
      %sign3A_552 = arith.subi %sign3A_548, %sign3A_551 : i32
      %ne3A_553 = arith.cmpi ne, %sign3A_545, %sign3A_552 : i32
      %rem3A_554 = arith.remsi %add3A_534, %jit3A_537 : i32
      %ne3A_555 = arith.constant 0 : i32
      %ne3A_556 = arith.cmpi ne, %rem3A_554, %ne3A_555 : i32
      %and3A_557 = arith.andi %ne3A_553, %ne3A_556 : i1
      %sub3A_558 = arith.constant 1 : i32
      %sub3A_559 = arith.subi %div3A_538, %sub3A_558 : i32
      %select_n3A_560 = arith.select %and3A_557, %sub3A_559, %div3A_538 : i32
      %jit3A_561 = arith.constant 128 : i32
      %eq3A_562 = arith.constant 0 : i32
      %eq3A_563 = arith.cmpi eq, %jit3A_561, %eq3A_562 : i32
      %jit3A_564 = arith.constant 1 : i32
      %select_n3A_565 = arith.select %eq3A_563, %jit3A_564, %jit3A_561 : i32
      %rem3A_566 = arith.remsi %add3A_534, %select_n3A_565 : i32
      %ne3A_567 = arith.constant 0 : i32
      %ne3A_568 = arith.cmpi ne, %rem3A_566, %ne3A_567 : i32
      %lt3A_569 = arith.constant 0 : i32
      %lt3A_570 = arith.cmpi slt, %rem3A_566, %lt3A_569 : i32
      %lt3A_571 = arith.constant 0 : i32
      %lt3A_572 = arith.cmpi slt, %select_n3A_565, %lt3A_571 : i32
      %ne3A_573 = arith.xori %lt3A_570, %lt3A_572 : i1
      %and3A_574 = arith.andi %ne3A_573, %ne3A_568 : i1
      %add3A_575 = arith.addi %rem3A_566, %select_n3A_565 : i32
      %select_n3A_576 = arith.select %and3A_574, %add3A_575, %rem3A_566 : i32
      %mul3A_577 = arith.constant 32 : i32
      %mul3A_578 = arith.muli %select_n3A_576, %mul3A_577 : i32
      %mul3A_579 = arith.constant 4096 : i32
      %mul3A_580 = arith.muli %select_n3A_560, %mul3A_579 : i32
      %add3A_581 = arith.addi %mul3A_580, %mul3A_578 : i32
      %lt3A_582 = arith.cmpi slt, %add3A_536, %add3A_8 : i32
      %convert_element_type3A_583 = arith.extui %lt3A_582 : i1 to i32
      %cond3A_584 = arith.constant 0 : i32
      %cond3A_585 = arith.cmpi ne, %convert_element_type3A_583, %cond3A_584 : i32
      scf.if %cond3A_585 {
        %dma_wait3A_586 = arith.constant 1 : i32
        %dma_wait3A_587 = arith.constant 0 : i32
        %dma_wait3A_588 = arith.constant 0 : i32
        %dma_wait3A_589 = tpu.memref_slice %arg12[%dma_wait3A_586, %dma_wait3A_587, %dma_wait3A_588] : memref<2x32x1024xf32, #tpu.memory_space<vmem>> -> memref<1x32x1024xf32, #tpu.memory_space<vmem>>
        %dma_wait3A_590 = tpu.memref_squeeze %dma_wait3A_589 : memref<1x32x1024xf32, #tpu.memory_space<vmem>> -> memref<32x1024xf32, #tpu.memory_space<vmem>>
        %dma_wait3A_591 = arith.constant 0 : i32
        %dma_wait3A_592 = tpu.memref_slice %arg6[%add3A_581, %dma_wait3A_591] : memref<102400x1024xf32, #tpu.memory_space<hbm>> -> memref<32x1024xf32, #tpu.memory_space<hbm>>
        %dma_wait3A_593 = arith.constant 0 : i32
        %dma_wait3A_594 = tpu.memref_slice %arg6[%add3A_581, %dma_wait3A_593] : memref<102400x1024xf32, #tpu.memory_space<hbm>> -> memref<32x1024xf32, #tpu.memory_space<hbm>>
        %dma_wait3A_595 = arith.constant 0 : i32
        %dma_wait3A_596 = arith.constant 0 : i32
        %dma_wait3A_597 = tpu.memref_slice %arg12[%dma_wait3A_586, %dma_wait3A_595, %dma_wait3A_596] : memref<2x32x1024xf32, #tpu.memory_space<vmem>> -> memref<1x32x1024xf32, #tpu.memory_space<vmem>>
        %dma_wait3A_598 = tpu.memref_squeeze %dma_wait3A_597 : memref<1x32x1024xf32, #tpu.memory_space<vmem>> -> memref<32x1024xf32, #tpu.memory_space<vmem>>
        tpu.wait_dma2 semaphore(%arg17 : memref<!tpu.dma_semaphore, #tpu.memory_space<semaphore_mem>>) src(%dma_wait3A_598 : memref<32x1024xf32, #tpu.memory_space<vmem>>) dst(%dma_wait3A_594 : memref<32x1024xf32, #tpu.memory_space<hbm>>)
        %jit3A_599 = arith.constant 128 : i32
        %div3A_600 = arith.divsi %add3A_536, %jit3A_599 : i32
        %sign3A_601 = arith.constant 0 : i32
        %sign3A_602 = arith.cmpi sgt, %add3A_536, %sign3A_601 : i32
        %sign3A_603 = arith.extui %sign3A_602 : i1 to i32
        %sign3A_604 = arith.constant 0 : i32
        %sign3A_605 = arith.cmpi slt, %add3A_536, %sign3A_604 : i32
        %sign3A_606 = arith.extui %sign3A_605 : i1 to i32
        %sign3A_607 = arith.subi %sign3A_603, %sign3A_606 : i32
        %sign3A_608 = arith.constant 0 : i32
        %sign3A_609 = arith.cmpi sgt, %jit3A_599, %sign3A_608 : i32
        %sign3A_610 = arith.extui %sign3A_609 : i1 to i32
        %sign3A_611 = arith.constant 0 : i32
        %sign3A_612 = arith.cmpi slt, %jit3A_599, %sign3A_611 : i32
        %sign3A_613 = arith.extui %sign3A_612 : i1 to i32
        %sign3A_614 = arith.subi %sign3A_610, %sign3A_613 : i32
        %ne3A_615 = arith.cmpi ne, %sign3A_607, %sign3A_614 : i32
        %rem3A_616 = arith.remsi %add3A_536, %jit3A_599 : i32
        %ne3A_617 = arith.constant 0 : i32
        %ne3A_618 = arith.cmpi ne, %rem3A_616, %ne3A_617 : i32
        %and3A_619 = arith.andi %ne3A_615, %ne3A_618 : i1
        %sub3A_620 = arith.constant 1 : i32
        %sub3A_621 = arith.subi %div3A_600, %sub3A_620 : i32
        %select_n3A_622 = arith.select %and3A_619, %sub3A_621, %div3A_600 : i32
        %add3A_623 = arith.constant 25 : i32
        %add3A_624 = arith.addi %add3A_623, %select_n3A_622 : i32
        %jit3A_625 = arith.constant 128 : i32
        %eq3A_626 = arith.constant 0 : i32
        %eq3A_627 = arith.cmpi eq, %jit3A_625, %eq3A_626 : i32
        %jit3A_628 = arith.constant 1 : i32
        %select_n3A_629 = arith.select %eq3A_627, %jit3A_628, %jit3A_625 : i32
        %rem3A_630 = arith.remsi %add3A_536, %select_n3A_629 : i32
        %ne3A_631 = arith.constant 0 : i32
        %ne3A_632 = arith.cmpi ne, %rem3A_630, %ne3A_631 : i32
        %lt3A_633 = arith.constant 0 : i32
        %lt3A_634 = arith.cmpi slt, %rem3A_630, %lt3A_633 : i32
        %lt3A_635 = arith.constant 0 : i32
        %lt3A_636 = arith.cmpi slt, %select_n3A_629, %lt3A_635 : i32
        %ne3A_637 = arith.xori %lt3A_634, %lt3A_636 : i1
        %and3A_638 = arith.andi %ne3A_637, %ne3A_632 : i1
        %add3A_639 = arith.addi %rem3A_630, %select_n3A_629 : i32
        %select_n3A_640 = arith.select %and3A_638, %add3A_639, %rem3A_630 : i32
        %mul3A_641 = arith.constant 32 : i32
        %mul3A_642 = arith.muli %select_n3A_640, %mul3A_641 : i32
        %run_scoped3A_643 = arith.constant 1 : i32
        "tpu.region"() ({
          %run_scoped3A_657 = tpu.sem_alloc : memref<!tpu.dma_semaphore, #tpu.memory_space<semaphore_mem>>
          %dma_start3A_658 = arith.constant 0 : i32
          %dma_start3A_659 = tpu.memref_slice %arg9[%run_scoped3A_643, %dma_start3A_658] : memref<2x32xi32, #tpu.memory_space<vmem>> -> memref<1x32xi32, #tpu.memory_space<vmem>>
          %dma_start3A_660 = tpu.memref_squeeze %dma_start3A_659 : memref<1x32xi32, #tpu.memory_space<vmem>> -> memref<32xi32, #tpu.memory_space<vmem>>
          %dma_start3A_661 = tpu.memref_slice %arg3[%add3A_624, %mul3A_642] : memref<50x4096xi32, #tpu.memory_space<hbm>> -> memref<1x32xi32, #tpu.memory_space<hbm>>
          %dma_start3A_662 = tpu.memref_squeeze %dma_start3A_661 : memref<1x32xi32, #tpu.memory_space<hbm>> -> memref<32xi32, #tpu.memory_space<hbm>>
          %dma_start3A_663 = arith.constant 0 : i32
          %dma_start3A_664 = tpu.memref_slice %arg9[%run_scoped3A_643, %dma_start3A_663] : memref<2x32xi32, #tpu.memory_space<vmem>> -> memref<1x32xi32, #tpu.memory_space<vmem>>
          %dma_start3A_665 = tpu.memref_squeeze %dma_start3A_664 : memref<1x32xi32, #tpu.memory_space<vmem>> -> memref<32xi32, #tpu.memory_space<vmem>>
          %dma_start3A_666 = tpu.memref_slice %arg3[%add3A_624, %mul3A_642] : memref<50x4096xi32, #tpu.memory_space<hbm>> -> memref<1x32xi32, #tpu.memory_space<hbm>>
          %dma_start3A_667 = tpu.memref_squeeze %dma_start3A_666 : memref<1x32xi32, #tpu.memory_space<hbm>> -> memref<32xi32, #tpu.memory_space<hbm>>
          tpu.enqueue_dma source(%dma_start3A_667 : memref<32xi32, #tpu.memory_space<hbm>>) target(%dma_start3A_665 : memref<32xi32, #tpu.memory_space<vmem>>) target_semaphore(%run_scoped3A_657 : memref<!tpu.dma_semaphore, #tpu.memory_space<semaphore_mem>>)
          %dma_wait3A_668 = arith.constant 0 : i32
          %dma_wait3A_669 = tpu.memref_slice %arg9[%run_scoped3A_643, %dma_wait3A_668] : memref<2x32xi32, #tpu.memory_space<vmem>> -> memref<1x32xi32, #tpu.memory_space<vmem>>
          %dma_wait3A_670 = tpu.memref_squeeze %dma_wait3A_669 : memref<1x32xi32, #tpu.memory_space<vmem>> -> memref<32xi32, #tpu.memory_space<vmem>>
          %dma_wait3A_671 = tpu.memref_slice %arg3[%add3A_624, %mul3A_642] : memref<50x4096xi32, #tpu.memory_space<hbm>> -> memref<1x32xi32, #tpu.memory_space<hbm>>
          %dma_wait3A_672 = tpu.memref_squeeze %dma_wait3A_671 : memref<1x32xi32, #tpu.memory_space<hbm>> -> memref<32xi32, #tpu.memory_space<hbm>>
          %dma_wait3A_673 = arith.constant 0 : i32
          %dma_wait3A_674 = tpu.memref_slice %arg9[%run_scoped3A_643, %dma_wait3A_673] : memref<2x32xi32, #tpu.memory_space<vmem>> -> memref<1x32xi32, #tpu.memory_space<vmem>>
          %dma_wait3A_675 = tpu.memref_squeeze %dma_wait3A_674 : memref<1x32xi32, #tpu.memory_space<vmem>> -> memref<32xi32, #tpu.memory_space<vmem>>
          %dma_wait3A_676 = tpu.memref_slice %arg3[%add3A_624, %mul3A_642] : memref<50x4096xi32, #tpu.memory_space<hbm>> -> memref<1x32xi32, #tpu.memory_space<hbm>>
          %dma_wait3A_677 = tpu.memref_squeeze %dma_wait3A_676 : memref<1x32xi32, #tpu.memory_space<hbm>> -> memref<32xi32, #tpu.memory_space<hbm>>
          tpu.wait_dma2 semaphore(%run_scoped3A_657 : memref<!tpu.dma_semaphore, #tpu.memory_space<semaphore_mem>>) src(%dma_wait3A_677 : memref<32xi32, #tpu.memory_space<hbm>>) dst(%dma_wait3A_675 : memref<32xi32, #tpu.memory_space<vmem>>)
          tpu.yield
        }) : () -> ()
        %run_scoped3A_644 = arith.constant 1 : i32
        "tpu.region"() ({
          %run_scoped3A_657 = tpu.sem_alloc : memref<!tpu.dma_semaphore, #tpu.memory_space<semaphore_mem>>
          %dma_start3A_658 = arith.constant 0 : i32
          %dma_start3A_659 = tpu.memref_slice %arg10[%run_scoped3A_644, %dma_start3A_658] : memref<2x32xi32, #tpu.memory_space<vmem>> -> memref<1x32xi32, #tpu.memory_space<vmem>>
          %dma_start3A_660 = tpu.memref_squeeze %dma_start3A_659 : memref<1x32xi32, #tpu.memory_space<vmem>> -> memref<32xi32, #tpu.memory_space<vmem>>
          %dma_start3A_661 = tpu.memref_slice %arg4[%add3A_624, %mul3A_642] : memref<50x4096xi32, #tpu.memory_space<hbm>> -> memref<1x32xi32, #tpu.memory_space<hbm>>
          %dma_start3A_662 = tpu.memref_squeeze %dma_start3A_661 : memref<1x32xi32, #tpu.memory_space<hbm>> -> memref<32xi32, #tpu.memory_space<hbm>>
          %dma_start3A_663 = arith.constant 0 : i32
          %dma_start3A_664 = tpu.memref_slice %arg10[%run_scoped3A_644, %dma_start3A_663] : memref<2x32xi32, #tpu.memory_space<vmem>> -> memref<1x32xi32, #tpu.memory_space<vmem>>
          %dma_start3A_665 = tpu.memref_squeeze %dma_start3A_664 : memref<1x32xi32, #tpu.memory_space<vmem>> -> memref<32xi32, #tpu.memory_space<vmem>>
          %dma_start3A_666 = tpu.memref_slice %arg4[%add3A_624, %mul3A_642] : memref<50x4096xi32, #tpu.memory_space<hbm>> -> memref<1x32xi32, #tpu.memory_space<hbm>>
          %dma_start3A_667 = tpu.memref_squeeze %dma_start3A_666 : memref<1x32xi32, #tpu.memory_space<hbm>> -> memref<32xi32, #tpu.memory_space<hbm>>
          tpu.enqueue_dma source(%dma_start3A_667 : memref<32xi32, #tpu.memory_space<hbm>>) target(%dma_start3A_665 : memref<32xi32, #tpu.memory_space<vmem>>) target_semaphore(%run_scoped3A_657 : memref<!tpu.dma_semaphore, #tpu.memory_space<semaphore_mem>>)
          %dma_wait3A_668 = arith.constant 0 : i32
          %dma_wait3A_669 = tpu.memref_slice %arg10[%run_scoped3A_644, %dma_wait3A_668] : memref<2x32xi32, #tpu.memory_space<vmem>> -> memref<1x32xi32, #tpu.memory_space<vmem>>
          %dma_wait3A_670 = tpu.memref_squeeze %dma_wait3A_669 : memref<1x32xi32, #tpu.memory_space<vmem>> -> memref<32xi32, #tpu.memory_space<vmem>>
          %dma_wait3A_671 = tpu.memref_slice %arg4[%add3A_624, %mul3A_642] : memref<50x4096xi32, #tpu.memory_space<hbm>> -> memref<1x32xi32, #tpu.memory_space<hbm>>
          %dma_wait3A_672 = tpu.memref_squeeze %dma_wait3A_671 : memref<1x32xi32, #tpu.memory_space<hbm>> -> memref<32xi32, #tpu.memory_space<hbm>>
          %dma_wait3A_673 = arith.constant 0 : i32
          %dma_wait3A_674 = tpu.memref_slice %arg10[%run_scoped3A_644, %dma_wait3A_673] : memref<2x32xi32, #tpu.memory_space<vmem>> -> memref<1x32xi32, #tpu.memory_space<vmem>>
          %dma_wait3A_675 = tpu.memref_squeeze %dma_wait3A_674 : memref<1x32xi32, #tpu.memory_space<vmem>> -> memref<32xi32, #tpu.memory_space<vmem>>
          %dma_wait3A_676 = tpu.memref_slice %arg4[%add3A_624, %mul3A_642] : memref<50x4096xi32, #tpu.memory_space<hbm>> -> memref<1x32xi32, #tpu.memory_space<hbm>>
          %dma_wait3A_677 = tpu.memref_squeeze %dma_wait3A_676 : memref<1x32xi32, #tpu.memory_space<hbm>> -> memref<32xi32, #tpu.memory_space<hbm>>
          tpu.wait_dma2 semaphore(%run_scoped3A_657 : memref<!tpu.dma_semaphore, #tpu.memory_space<semaphore_mem>>) src(%dma_wait3A_677 : memref<32xi32, #tpu.memory_space<hbm>>) dst(%dma_wait3A_675 : memref<32xi32, #tpu.memory_space<vmem>>)
          tpu.yield
        }) : () -> ()
        %dma_start3A_645 = arith.constant 1 : i32
        %dma_start3A_646 = arith.constant 1 : i32
        %dma_start3A_647 = arith.constant 0 : i32
        %dma_start3A_648 = arith.constant 0 : i32
        %dma_start3A_649 = tpu.memref_slice %arg12[%dma_start3A_646, %dma_start3A_647, %dma_start3A_648] : memref<2x32x1024xf32, #tpu.memory_space<vmem>> -> memref<1x32x1024xf32, #tpu.memory_space<vmem>>
        %dma_start3A_650 = tpu.memref_squeeze %dma_start3A_649 : memref<1x32x1024xf32, #tpu.memory_space<vmem>> -> memref<32x1024xf32, #tpu.memory_space<vmem>>
        %dma_start3A_651 = arith.constant 0 : i32
        %dma_start3A_652 = tpu.memref_slice %arg9[%dma_start3A_645, %dma_start3A_651] : memref<2x32xi32, #tpu.memory_space<vmem>> -> memref<1x32xi32, #tpu.memory_space<vmem>>
        %dma_start3A_653 = tpu.memref_squeeze %dma_start3A_652 : memref<1x32xi32, #tpu.memory_space<vmem>> -> memref<32xi32, #tpu.memory_space<vmem>>
        %dma_start3A_654 = arith.constant 0 : i32
        %dma_start3A_655 = arith.constant 0 : i32
        %dma_start3A_656 = tpu.memref_slice %arg8[%dma_start3A_654, %dma_start3A_655] : memref<1000x1024xf32, #tpu.memory_space<vmem_shared>> -> memref<1000x1024xf32, #tpu.memory_space<vmem_shared>>
        tpu.enqueue_indirect_dma source(%dma_start3A_656 : memref<1000x1024xf32, #tpu.memory_space<vmem_shared>>) target(%dma_start3A_650 : memref<32x1024xf32, #tpu.memory_space<vmem>>) offsets(%dma_start3A_653 : memref<32xi32, #tpu.memory_space<vmem>>) semaphore(%arg15 : memref<!tpu.dma_semaphore, #tpu.memory_space<semaphore_mem>>)
      } else {
      }
    }
    %scan3A_122 = arith.constant 50 : i32
    %sub3A_123 = arith.constant 2 : i32
    %sub3A_124 = arith.subi %add3A_8, %sub3A_123 : i32
    %add3A_125 = arith.constant 0 : i32
    %add3A_126 = arith.addi %sub3A_124, %add3A_125 : i32
    %jit3A_127 = arith.constant 128 : i32
    %div3A_128 = arith.divsi %add3A_126, %jit3A_127 : i32
    %sign3A_129 = arith.constant 0 : i32
    %sign3A_130 = arith.cmpi sgt, %add3A_126, %sign3A_129 : i32
    %sign3A_131 = arith.extui %sign3A_130 : i1 to i32
    %sign3A_132 = arith.constant 0 : i32
    %sign3A_133 = arith.cmpi slt, %add3A_126, %sign3A_132 : i32
    %sign3A_134 = arith.extui %sign3A_133 : i1 to i32
    %sign3A_135 = arith.subi %sign3A_131, %sign3A_134 : i32
    %sign3A_136 = arith.constant 0 : i32
    %sign3A_137 = arith.cmpi sgt, %jit3A_127, %sign3A_136 : i32
    %sign3A_138 = arith.extui %sign3A_137 : i1 to i32
    %sign3A_139 = arith.constant 0 : i32
    %sign3A_140 = arith.cmpi slt, %jit3A_127, %sign3A_139 : i32
    %sign3A_141 = arith.extui %sign3A_140 : i1 to i32
    %sign3A_142 = arith.subi %sign3A_138, %sign3A_141 : i32
    %ne3A_143 = arith.cmpi ne, %sign3A_135, %sign3A_142 : i32
    %rem3A_144 = arith.remsi %add3A_126, %jit3A_127 : i32
    %ne3A_145 = arith.constant 0 : i32
    %ne3A_146 = arith.cmpi ne, %rem3A_144, %ne3A_145 : i32
    %and3A_147 = arith.andi %ne3A_143, %ne3A_146 : i1
    %sub3A_148 = arith.constant 1 : i32
    %sub3A_149 = arith.subi %div3A_128, %sub3A_148 : i32
    %select_n3A_150 = arith.select %and3A_147, %sub3A_149, %div3A_128 : i32
    %jit3A_151 = arith.constant 128 : i32
    %eq3A_152 = arith.constant 0 : i32
    %eq3A_153 = arith.cmpi eq, %jit3A_151, %eq3A_152 : i32
    %jit3A_154 = arith.constant 1 : i32
    %select_n3A_155 = arith.select %eq3A_153, %jit3A_154, %jit3A_151 : i32
    %rem3A_156 = arith.remsi %add3A_126, %select_n3A_155 : i32
    %ne3A_157 = arith.constant 0 : i32
    %ne3A_158 = arith.cmpi ne, %rem3A_156, %ne3A_157 : i32
    %lt3A_159 = arith.constant 0 : i32
    %lt3A_160 = arith.cmpi slt, %rem3A_156, %lt3A_159 : i32
    %lt3A_161 = arith.constant 0 : i32
    %lt3A_162 = arith.cmpi slt, %select_n3A_155, %lt3A_161 : i32
    %ne3A_163 = arith.xori %lt3A_160, %lt3A_162 : i1
    %and3A_164 = arith.andi %ne3A_163, %ne3A_158 : i1
    %add3A_165 = arith.addi %rem3A_156, %select_n3A_155 : i32
    %select_n3A_166 = arith.select %and3A_164, %add3A_165, %rem3A_156 : i32
    %mul3A_167 = arith.constant 32 : i32
    %mul3A_168 = arith.muli %select_n3A_166, %mul3A_167 : i32
    %mul3A_169 = arith.constant 4096 : i32
    %mul3A_170 = arith.muli %select_n3A_150, %mul3A_169 : i32
    %add3A_171 = arith.addi %mul3A_170, %mul3A_168 : i32
    %dma_wait3A = arith.constant 0 : i32
    %dma_wait3A_172 = arith.constant 0 : i32
    %dma_wait3A_173 = arith.constant 0 : i32
    %dma_wait3A_174 = tpu.memref_slice %arg12[%dma_wait3A, %dma_wait3A_172, %dma_wait3A_173] : memref<2x32x1024xf32, #tpu.memory_space<vmem>> -> memref<1x32x1024xf32, #tpu.memory_space<vmem>>
    %dma_wait3A_175 = tpu.memref_squeeze %dma_wait3A_174 : memref<1x32x1024xf32, #tpu.memory_space<vmem>> -> memref<32x1024xf32, #tpu.memory_space<vmem>>
    %dma_wait3A_176 = arith.constant 0 : i32
    %dma_wait3A_177 = tpu.memref_slice %arg6[%add3A_171, %dma_wait3A_176] : memref<102400x1024xf32, #tpu.memory_space<hbm>> -> memref<32x1024xf32, #tpu.memory_space<hbm>>
    %dma_wait3A_178 = arith.constant 0 : i32
    %dma_wait3A_179 = tpu.memref_slice %arg6[%add3A_171, %dma_wait3A_178] : memref<102400x1024xf32, #tpu.memory_space<hbm>> -> memref<32x1024xf32, #tpu.memory_space<hbm>>
    %dma_wait3A_180 = arith.constant 0 : i32
    %dma_wait3A_181 = arith.constant 0 : i32
    %dma_wait3A_182 = tpu.memref_slice %arg12[%dma_wait3A, %dma_wait3A_180, %dma_wait3A_181] : memref<2x32x1024xf32, #tpu.memory_space<vmem>> -> memref<1x32x1024xf32, #tpu.memory_space<vmem>>
    %dma_wait3A_183 = tpu.memref_squeeze %dma_wait3A_182 : memref<1x32x1024xf32, #tpu.memory_space<vmem>> -> memref<32x1024xf32, #tpu.memory_space<vmem>>
    tpu.wait_dma2 semaphore(%arg16 : memref<!tpu.dma_semaphore, #tpu.memory_space<semaphore_mem>>) src(%dma_wait3A_183 : memref<32x1024xf32, #tpu.memory_space<vmem>>) dst(%dma_wait3A_179 : memref<32x1024xf32, #tpu.memory_space<hbm>>)
    %sub3A_184 = arith.constant 2 : i32
    %sub3A_185 = arith.subi %add3A_8, %sub3A_184 : i32
    %add3A_186 = arith.constant 1 : i32
    %add3A_187 = arith.addi %sub3A_185, %add3A_186 : i32
    %jit3A_188 = arith.constant 128 : i32
    %div3A_189 = arith.divsi %add3A_187, %jit3A_188 : i32
    %sign3A_190 = arith.constant 0 : i32
    %sign3A_191 = arith.cmpi sgt, %add3A_187, %sign3A_190 : i32
    %sign3A_192 = arith.extui %sign3A_191 : i1 to i32
    %sign3A_193 = arith.constant 0 : i32
    %sign3A_194 = arith.cmpi slt, %add3A_187, %sign3A_193 : i32
    %sign3A_195 = arith.extui %sign3A_194 : i1 to i32
    %sign3A_196 = arith.subi %sign3A_192, %sign3A_195 : i32
    %sign3A_197 = arith.constant 0 : i32
    %sign3A_198 = arith.cmpi sgt, %jit3A_188, %sign3A_197 : i32
    %sign3A_199 = arith.extui %sign3A_198 : i1 to i32
    %sign3A_200 = arith.constant 0 : i32
    %sign3A_201 = arith.cmpi slt, %jit3A_188, %sign3A_200 : i32
    %sign3A_202 = arith.extui %sign3A_201 : i1 to i32
    %sign3A_203 = arith.subi %sign3A_199, %sign3A_202 : i32
    %ne3A_204 = arith.cmpi ne, %sign3A_196, %sign3A_203 : i32
    %rem3A_205 = arith.remsi %add3A_187, %jit3A_188 : i32
    %ne3A_206 = arith.constant 0 : i32
    %ne3A_207 = arith.cmpi ne, %rem3A_205, %ne3A_206 : i32
    %and3A_208 = arith.andi %ne3A_204, %ne3A_207 : i1
    %sub3A_209 = arith.constant 1 : i32
    %sub3A_210 = arith.subi %div3A_189, %sub3A_209 : i32
    %select_n3A_211 = arith.select %and3A_208, %sub3A_210, %div3A_189 : i32
    %jit3A_212 = arith.constant 128 : i32
    %eq3A_213 = arith.constant 0 : i32
    %eq3A_214 = arith.cmpi eq, %jit3A_212, %eq3A_213 : i32
    %jit3A_215 = arith.constant 1 : i32
    %select_n3A_216 = arith.select %eq3A_214, %jit3A_215, %jit3A_212 : i32
    %rem3A_217 = arith.remsi %add3A_187, %select_n3A_216 : i32
    %ne3A_218 = arith.constant 0 : i32
    %ne3A_219 = arith.cmpi ne, %rem3A_217, %ne3A_218 : i32
    %lt3A_220 = arith.constant 0 : i32
    %lt3A_221 = arith.cmpi slt, %rem3A_217, %lt3A_220 : i32
    %lt3A_222 = arith.constant 0 : i32
    %lt3A_223 = arith.cmpi slt, %select_n3A_216, %lt3A_222 : i32
    %ne3A_224 = arith.xori %lt3A_221, %lt3A_223 : i1
    %and3A_225 = arith.andi %ne3A_224, %ne3A_219 : i1
    %add3A_226 = arith.addi %rem3A_217, %select_n3A_216 : i32
    %select_n3A_227 = arith.select %and3A_225, %add3A_226, %rem3A_217 : i32
    %mul3A_228 = arith.constant 32 : i32
    %mul3A_229 = arith.muli %select_n3A_227, %mul3A_228 : i32
    %mul3A_230 = arith.constant 4096 : i32
    %mul3A_231 = arith.muli %select_n3A_211, %mul3A_230 : i32
    %add3A_232 = arith.addi %mul3A_231, %mul3A_229 : i32
    %dma_wait3A_233 = arith.constant 1 : i32
    %dma_wait3A_234 = arith.constant 0 : i32
    %dma_wait3A_235 = arith.constant 0 : i32
    %dma_wait3A_236 = tpu.memref_slice %arg12[%dma_wait3A_233, %dma_wait3A_234, %dma_wait3A_235] : memref<2x32x1024xf32, #tpu.memory_space<vmem>> -> memref<1x32x1024xf32, #tpu.memory_space<vmem>>
    %dma_wait3A_237 = tpu.memref_squeeze %dma_wait3A_236 : memref<1x32x1024xf32, #tpu.memory_space<vmem>> -> memref<32x1024xf32, #tpu.memory_space<vmem>>
    %dma_wait3A_238 = arith.constant 0 : i32
    %dma_wait3A_239 = tpu.memref_slice %arg6[%add3A_232, %dma_wait3A_238] : memref<102400x1024xf32, #tpu.memory_space<hbm>> -> memref<32x1024xf32, #tpu.memory_space<hbm>>
    %dma_wait3A_240 = arith.constant 0 : i32
    %dma_wait3A_241 = tpu.memref_slice %arg6[%add3A_232, %dma_wait3A_240] : memref<102400x1024xf32, #tpu.memory_space<hbm>> -> memref<32x1024xf32, #tpu.memory_space<hbm>>
    %dma_wait3A_242 = arith.constant 0 : i32
    %dma_wait3A_243 = arith.constant 0 : i32
    %dma_wait3A_244 = tpu.memref_slice %arg12[%dma_wait3A_233, %dma_wait3A_242, %dma_wait3A_243] : memref<2x32x1024xf32, #tpu.memory_space<vmem>> -> memref<1x32x1024xf32, #tpu.memory_space<vmem>>
    %dma_wait3A_245 = tpu.memref_squeeze %dma_wait3A_244 : memref<1x32x1024xf32, #tpu.memory_space<vmem>> -> memref<32x1024xf32, #tpu.memory_space<vmem>>
    tpu.wait_dma2 semaphore(%arg17 : memref<!tpu.dma_semaphore, #tpu.memory_space<semaphore_mem>>) src(%dma_wait3A_245 : memref<32x1024xf32, #tpu.memory_space<vmem>>) dst(%dma_wait3A_241 : memref<32x1024xf32, #tpu.memory_space<hbm>>)
    "tpu.region"() ({
      %run_scoped3A_246 = tpu.sem_alloc : memref<!tpu.dma_semaphore, #tpu.memory_space<semaphore_mem>>
      %dma_start3A_247 = arith.constant 0 : i32
      %dma_start3A_248 = tpu.memref_slice %arg7[%add3A, %dma_start3A_247] : memref<32x16xf32, #tpu.memory_space<hbm>> -> memref<1x16xf32, #tpu.memory_space<hbm>>
      %dma_start3A_249 = tpu.memref_squeeze %dma_start3A_248 : memref<1x16xf32, #tpu.memory_space<hbm>> -> memref<16xf32, #tpu.memory_space<hbm>>
      %dma_start3A_250 = arith.constant 0 : i32
      %dma_start3A_251 = tpu.memref_slice %arg7[%add3A, %dma_start3A_250] : memref<32x16xf32, #tpu.memory_space<hbm>> -> memref<1x16xf32, #tpu.memory_space<hbm>>
      %dma_start3A_252 = tpu.memref_squeeze %dma_start3A_251 : memref<1x16xf32, #tpu.memory_space<hbm>> -> memref<16xf32, #tpu.memory_space<hbm>>
      tpu.enqueue_dma source(%arg13 : memref<16xf32, #tpu.memory_space<vmem>>) target(%dma_start3A_252 : memref<16xf32, #tpu.memory_space<hbm>>) target_semaphore(%run_scoped3A_246 : memref<!tpu.dma_semaphore, #tpu.memory_space<semaphore_mem>>)
      %dma_wait3A_253 = arith.constant 0 : i32
      %dma_wait3A_254 = tpu.memref_slice %arg7[%add3A, %dma_wait3A_253] : memref<32x16xf32, #tpu.memory_space<hbm>> -> memref<1x16xf32, #tpu.memory_space<hbm>>
      %dma_wait3A_255 = tpu.memref_squeeze %dma_wait3A_254 : memref<1x16xf32, #tpu.memory_space<hbm>> -> memref<16xf32, #tpu.memory_space<hbm>>
      %dma_wait3A_256 = arith.constant 0 : i32
      %dma_wait3A_257 = tpu.memref_slice %arg7[%add3A, %dma_wait3A_256] : memref<32x16xf32, #tpu.memory_space<hbm>> -> memref<1x16xf32, #tpu.memory_space<hbm>>
      %dma_wait3A_258 = tpu.memref_squeeze %dma_wait3A_257 : memref<1x16xf32, #tpu.memory_space<hbm>> -> memref<16xf32, #tpu.memory_space<hbm>>
      tpu.wait_dma2 semaphore(%run_scoped3A_246 : memref<!tpu.dma_semaphore, #tpu.memory_space<semaphore_mem>>) src(%arg13 : memref<16xf32, #tpu.memory_space<vmem>>) dst(%dma_wait3A_258 : memref<16xf32, #tpu.memory_space<hbm>>)
      tpu.yield
    }) : () -> ()
    return
  }
}

module attributes {stable_mosaic.version = 14 : i64} {
  func.func @_lse_body(%arg0: memref<1000x1000xf32, #tpu.memory_space<vmem>>, %arg1: memref<1000x1xf32, #tpu.memory_space<vmem>>) attributes {dimension_semantics = [], scalar_prefetch = 0 : i64, scratch_operands = 0 : i64, tpu.core_type = #tpu.core_type<tc>} {
    %get3A = arith.constant 0 : index
    %get3A_0 = arith.constant 0 : index
    %get3A_1 = vector.load %arg0[%get3A, %get3A_0] : memref<1000x1000xf32, #tpu.memory_space<vmem>>, vector<1000x1000xf32>
    %reduce_max3A = arith.constant dense<0xFF800000> : vector<1000xf32>
    %reduce_max3A_2 = vector.multi_reduction <maximumf>, %get3A_1, %reduce_max3A [1] : vector<1000x1000xf32> to vector<1000xf32>
    %broadcast_in_dim3A = vector.shape_cast %reduce_max3A_2 : vector<1000xf32> to vector<1000x1xf32>
    %sub3A = vector.broadcast %broadcast_in_dim3A : vector<1000x1xf32> to vector<1000x1000xf32>
    %sub3A_3 = arith.subf %get3A_1, %sub3A : vector<1000x1000xf32>
    %exp3A = math.exp %sub3A_3 : vector<1000x1000xf32>
    %reduce_sum3A = arith.constant dense<0.000000e+00> : vector<1000xf32>
    %reduce_sum3A_4 = vector.multi_reduction <add>, %exp3A, %reduce_sum3A [1] : vector<1000x1000xf32> to vector<1000xf32>
    %broadcast_in_dim3A_5 = vector.shape_cast %reduce_sum3A_4 : vector<1000xf32> to vector<1000x1xf32>
    %log3A = math.log %broadcast_in_dim3A_5 : vector<1000x1xf32>
    %add3A = arith.addf %broadcast_in_dim3A, %log3A : vector<1000x1xf32>
    %swap3A = arith.constant 0 : index
    %swap3A_6 = arith.constant 0 : index
    %swap3A_7 = vector.load %arg1[%swap3A, %swap3A_6] : memref<1000x1xf32, #tpu.memory_space<vmem>>, vector<1000x1xf32>
    tpu.vector_store %arg1[%swap3A, %swap3A_6], %add3A {strides = array<i32>} : memref<1000x1xf32, #tpu.memory_space<vmem>>, vector<1000x1xf32>,
    return
  }
}

module attributes {stable_mosaic.version = 14 : i64} {
  func.func @_tr_body2(%arg0: i32, %arg1: i32, %arg2: memref<16384x128xf32, #tpu.memory_space<vmem>>, %arg3: memref<1x1000x2048xf32, #tpu.memory_space<vmem>>) attributes {dimension_semantics = [#tpu.dimension_semantics<arbitrary>, #tpu.dimension_semantics<arbitrary>], iteration_bounds = array<i64: 25, 2>, scalar_prefetch = 0 : i64, scratch_operands = 0 : i64, tpu.core_type = #tpu.core_type<tc>, window_params = [{transform_indices = @transform_0, window_bounds = array<i64: 16384, 128>}, {transform_indices = @transform_1, window_bounds = array<i64: 1, 1000, 2048>}]} {
    %get3A = arith.constant 0 : index
    %get3A_0 = arith.constant 0 : index
    %get3A_1 = vector.load %arg2[%get3A, %get3A_0] : memref<16384x128xf32, #tpu.memory_space<vmem>>, vector<16384x128xf32>
    %reshape3A = vector.shape_cast %get3A_1 : vector<16384x128xf32> to vector<2048x1024xf32>
    %slice3A = vector.extract_strided_slice %reshape3A {offsets = [0, 0], sizes = [2048, 1000], strides = [1, 1]} : vector<2048x1024xf32> to vector<2048x1000xf32>
    %transpose3A = tpu.transpose %slice3A, [1, 0] : vector<2048x1000xf32> -> vector<1000x2048xf32>
    %swap3A = arith.constant 0 : index
    %swap3A_2 = arith.constant 0 : index
    %swap3A_3 = arith.constant 0 : index
    %swap3A_4 = vector.load %arg3[%swap3A, %swap3A_2, %swap3A_3] : memref<1x1000x2048xf32, #tpu.memory_space<vmem>>, vector<1x1000x2048xf32>
    %swap3A_5 = vector.shape_cast %swap3A_4 : vector<1x1000x2048xf32> to vector<1000x2048xf32>
    %swap3A_6 = vector.shape_cast %transpose3A : vector<1000x2048xf32> to vector<1x1000x2048xf32>
    tpu.vector_store %arg3[%swap3A, %swap3A_2, %swap3A_3], %swap3A_6 {strides = array<i32>} : memref<1x1000x2048xf32, #tpu.memory_space<vmem>>, vector<1x1000x2048xf32>,
    return
  }
  func.func @transform_0(%arg0: i32, %arg1: i32) -> (i32, i32) {
    %mul3A = arith.constant 2 : i32
    %mul3A_0 = arith.muli %arg0, %mul3A : i32
    %add3A = arith.addi %mul3A_0, %arg1 : i32
    %c0_i32 = arith.constant 0 : i32
    %c0_i32_1 = arith.constant 0 : i32
    return %add3A, %c0_i32 : i32, i32
  }
  func.func @transform_1(%arg0: i32, %arg1: i32) -> (i32, i32, i32) {
    %add3A = arith.constant 0 : i32
    %add3A_0 = arith.addi %arg0, %add3A : i32
    %c0_i32 = arith.constant 0 : i32
    %c0_i32_1 = arith.constant 0 : i32
    return %add3A_0, %c0_i32, %arg1 : i32, i32, i32
  }
}

module attributes {stable_mosaic.version = 14 : i64} {
  func.func @_tr_body_alias(%arg0: i32, %arg1: i32, %arg2: memref<16384x128xf32, #tpu.memory_space<vmem>>, %arg3: memref<50x1000x4096xf32, #tpu.memory_space<any>>, %arg4: memref<1x1000x2048xf32, #tpu.memory_space<vmem>>) attributes {dimension_semantics = [#tpu.dimension_semantics<arbitrary>, #tpu.dimension_semantics<arbitrary>], iteration_bounds = array<i64: 25, 2>, scalar_prefetch = 0 : i64, scratch_operands = 0 : i64, tpu.core_type = #tpu.core_type<tc>, window_params = [{transform_indices = @transform_0, window_bounds = array<i64: 16384, 128>}, {}, {transform_indices = @transform_2, window_bounds = array<i64: 1, 1000, 2048>}]} {
    %get3A = arith.constant 0 : index
    %get3A_0 = arith.constant 0 : index
    %get3A_1 = vector.load %arg2[%get3A, %get3A_0] : memref<16384x128xf32, #tpu.memory_space<vmem>>, vector<16384x128xf32>
    %reshape3A = vector.shape_cast %get3A_1 : vector<16384x128xf32> to vector<2048x1024xf32>
    %slice3A = vector.extract_strided_slice %reshape3A {offsets = [0, 0], sizes = [2048, 1000], strides = [1, 1]} : vector<2048x1024xf32> to vector<2048x1000xf32>
    %transpose3A = tpu.transpose %slice3A, [1, 0] : vector<2048x1000xf32> -> vector<1000x2048xf32>
    %swap3A = arith.constant 0 : index
    %swap3A_2 = arith.constant 0 : index
    %swap3A_3 = arith.constant 0 : index
    %swap3A_4 = vector.load %arg4[%swap3A, %swap3A_2, %swap3A_3] : memref<1x1000x2048xf32, #tpu.memory_space<vmem>>, vector<1x1000x2048xf32>
    %swap3A_5 = vector.shape_cast %swap3A_4 : vector<1x1000x2048xf32> to vector<1000x2048xf32>
    %swap3A_6 = vector.shape_cast %transpose3A : vector<1000x2048xf32> to vector<1x1000x2048xf32>
    tpu.vector_store %arg4[%swap3A, %swap3A_2, %swap3A_3], %swap3A_6 {strides = array<i32>} : memref<1x1000x2048xf32, #tpu.memory_space<vmem>>, vector<1x1000x2048xf32>,
    return
  }
  func.func @transform_0(%arg0: i32, %arg1: i32) -> (i32, i32) {
    %mul3A = arith.constant 2 : i32
    %mul3A_0 = arith.muli %arg0, %mul3A : i32
    %add3A = arith.addi %mul3A_0, %arg1 : i32
    %c0_i32 = arith.constant 0 : i32
    %c0_i32_1 = arith.constant 0 : i32
    return %add3A, %c0_i32 : i32, i32
  }
  func.func @transform_2(%arg0: i32, %arg1: i32) -> (i32, i32, i32) {
    %add3A = arith.constant 25 : i32
    %add3A_0 = arith.addi %arg0, %add3A : i32
    %c0_i32 = arith.constant 0 : i32
    %c0_i32_1 = arith.constant 0 : i32
    return %add3A_0, %c0_i32, %arg1 : i32, i32, i32
  }
}

module attributes {stable_mosaic.version = 14 : i64} {
  func.func @_loss_body(%arg0: memref<32x16xf32, #tpu.memory_space<vmem>>, %arg1: memref<32x16xf32, #tpu.memory_space<vmem>>, %arg2: memref<1x1xf32, #tpu.memory_space<vmem>>) attributes {dimension_semantics = [], scalar_prefetch = 0 : i64, scratch_operands = 0 : i64, tpu.core_type = #tpu.core_type<tc>} {
    %get3A = arith.constant 0 : index
    %get3A_0 = arith.constant 0 : index
    %get3A_1 = vector.load %arg0[%get3A, %get3A_0] : memref<32x16xf32, #tpu.memory_space<vmem>>, vector<32x16xf32>
    %reduce_sum3A = vector.shape_cast %get3A_1 : vector<32x16xf32> to vector<1x32x16xf32>
    %reduce_sum3A_2 = arith.constant dense<0.000000e+00> : vector<1xf32>
    %reduce_sum3A_3 = vector.multi_reduction <add>, %reduce_sum3A, %reduce_sum3A_2 [1, 2] : vector<1x32x16xf32> to vector<1xf32>
    %reduce_sum3A_4 = vector.shape_cast %reduce_sum3A_3 : vector<1xf32> to vector<1x1x1xf32>
    %reduce_sum3A_5 = vector.extract %reduce_sum3A_4[0, 0, 0] : f32 from vector<1x1x1xf32>
    %add3A = arith.constant 0.000000e+00 : f32
    %add3A_6 = arith.addf %add3A, %reduce_sum3A_5 : f32
    %get3A_7 = arith.constant 0 : index
    %get3A_8 = arith.constant 0 : index
    %get3A_9 = vector.load %arg1[%get3A_7, %get3A_8] : memref<32x16xf32, #tpu.memory_space<vmem>>, vector<32x16xf32>
    %reduce_sum3A_10 = vector.shape_cast %get3A_9 : vector<32x16xf32> to vector<1x32x16xf32>
    %reduce_sum3A_11 = arith.constant dense<0.000000e+00> : vector<1xf32>
    %reduce_sum3A_12 = vector.multi_reduction <add>, %reduce_sum3A_10, %reduce_sum3A_11 [1, 2] : vector<1x32x16xf32> to vector<1xf32>
    %reduce_sum3A_13 = vector.shape_cast %reduce_sum3A_12 : vector<1xf32> to vector<1x1x1xf32>
    %reduce_sum3A_14 = vector.extract %reduce_sum3A_13[0, 0, 0] : f32 from vector<1x1x1xf32>
    %add3A_15 = arith.addf %add3A_6, %reduce_sum3A_14 : f32
    %mul3A = arith.constant 4.88281239E-6 : f32
    %mul3A_16 = arith.mulf %add3A_15, %mul3A : f32
    %broadcast_in_dim3A = vector.broadcast %mul3A_16 : f32 to vector<1x1xf32>
    %swap3A = arith.constant 0 : index
    %swap3A_17 = arith.constant 0 : index
    %swap3A_18 = vector.load %arg2[%swap3A, %swap3A_17] : memref<1x1xf32, #tpu.memory_space<vmem>>, vector<1x1xf32>
    tpu.vector_store %arg2[%swap3A, %swap3A_17], %broadcast_in_dim3A {strides = array<i32>} : memref<1x1xf32, #tpu.memory_space<vmem>>, vector<1x1xf32>,
    return
  }
}

</mosaic_0001>

<sc_bundles>
// kernel: kernel.11.cloned.1.call-start
scs
__scs_entry_jumppad:
0x0: {  	(pc) =	sbr.rel $0x88, $3  }
0x1: {  	(tag) =	ssettag $0x0;
	lr =	simm.s32 $0x1  }
0x2: {  	[smem:$0x3F9E] =	sst lr;
	_ =	strace $0xD0000000  }
0x3: {  	_ = 	snop  }
0x4: {  	_ = 	snop  }
0x5: {  	_ = 	snop  }
0x6: {  	_ = 	snop  }
0x7: {  	_ = 	snop  }
__scs_overlays_trampoline_lowered:
0x8: {  	[smem:$0x3FAD] =	sst s0  }
0x9: {  	[smem:$0x3FAE] =	sst s1  }
0xa: {  	[smem:$0x3FAF] =	sst s2  }
0xb: {  	[smem:$0x3FB0] =	sst s3  }
0xc: {  	[smem:$0x3FB1] =	sst s4  }
0xd: {  	[smem:$0x3FB2] =	sst s5  }
0xe: {  	[smem:$0x3FB3] =	sst s6  }
0xf: {  	[smem:$0x3FB4] =	sst s7  }
0x10: {  	[smem:$0x3FB5] =	sst s8  }
0x11: {  	[smem:$0x3FB6] =	sst s9;
	s0 =	simm.s32 @!p0 $0x0  }
0x12: {  	s1 =	sld [smem:$0x3F9C];
	s0 =	simm.s32 @p0 $0x1  }
0x13: {  	[smem:$0x3FB7] =	sst s0;
	s0 =	simm.s32 @!p1 $0x0  }
0x14: {  	s2 =	sld [smem:$0x3F9B];
	s0 =	simm.s32 @p1 $0x1  }
0x15: {  	[smem:$0x3FB8] =	sst s0;
	s0 =	simm.s32 @!p2 $0x0  }
0x16: {  	s3 =	sld [smem:$0x3FDB];
	s0 =	simm.s32 @p2 $0x1  }
0x17: {  	s4 =	simm.s32 $0x1BF5;
	[smem:$0x3FBA] =	sst s0  }
0x18: {  	s0 =	sld [smem:$0x3F9D];
	_ =	swait.ge [sflag:s4], $0x0  }
0x19: {  	s7 =	sld [smem:$0x3F9E]  }
0x1a: {  	s8 =	sadd.s32 $0xFFFFE003, lr  }
0x1b: {  	s9 =	sadd.s32 $0xFFFFFEF7, lr;
	s5 =	simm.s32 $0xFFFFFFFF;
	p2 =	slt.u32 s8, $0xFFFFF086  }
0x1c: {  	p1 =	slt.u32 s9, $0xF7A;
	s5 =	simm.s32 @!p2 $0x0  }
0x1d: {  	s5 =	simm.s32 @p1 $0x1;
	p0 =	seq.s32 s7, s2  }
0x1e: {  	s7 =	smul.u32 @!p0 $0xF7A, s2;
	p2 =	seq.s32 @!p0 s5, $0x0  }
0x1f: {  	s9 =	smul.u32 $0xF7A, s1;
	s8 =	simm.s32 @!p0 $0x1BF5;
	p2 =	por !p2, p0  }
0x20: {  	[sflag:s8] =	ssyncset.s32 @!p0 $0xFFFFF086;
	s6 =	sadd.s32 @!p0 s3, s7;
	s7 =	simm.s32 @!p0 $0x108  }
0x21: {  	s3 =	sadd.s32 s3, s9;
	s6 =	sadd.s32 @!p0 $0x88, s6;
	s7 =	simm.s32 @p2 $0x1082  }
0x22: {  	[simem:s7], [sflag:s8] =	dma.local @!p0 [hbm:s6], $0xF7A  }
0x23: {  	s9 =	sor.u32 $0xD0000000, s2;
	s6 =	simm.s32 $0x108;
	_ =	swait.ge @!p0 [sflag:s8], $0x0  }
0x24: {  	s3 =	sadd.s32 $0x88, s3;
	s6 =	simm.s32 @!p1 $0x1082;
	[sflag:s4] =	ssyncset.s32 $0xFFFFF086  }
0x25: {  	[simem:s6], [sflag:s4] =	dma.local [hbm:s3], $0xF7A  }
0x26: {  	[smem:$0x3F9E] =	sst s1;
	(tag) =	ssettag s2;
	_ =	strace s9  }
0x27: {  	s1 =	sld [smem:$0x3FAE]  }
0x28: {  	s2 =	sld [smem:$0x3FAF]  }
0x29: {  	s4 =	sld [smem:$0x3FB1]  }
0x2a: {  	p0 =	seq.s32 s5, $0x0;
	s5 =	sld [smem:$0x3FB2]  }
0x2b: {  	s6 =	sld [smem:$0x3FB3]  }
0x2c: {  	s7 =	sld [smem:$0x3FB4]  }
0x2d: {  	s3 =	simm.s32 $0x108;
	s8 =	sld [smem:$0x3FB5]  }
0x2e: {  	s3 =	simm.s32 @!p0 $0x1082;
	s9 =	sld [smem:$0x3FB6]  }
0x2f: {  	lr =	sadd.s32 s0, s3;
	s0 =	sld [smem:$0x3FAD]  }
0x30: {  	s3 =	sld [smem:$0x3FB0]  }
0x31: {  	[smem:$0x3FB9] =	sst s10  }
0x32: {  	s10 =	sld [smem:$0x3FB7];
	_ =	sdelay $0x3  }
0x33: {  	p0 =	seq.s32 s10, $0x1;
	s10 =	sld [smem:$0x3FB9];
	_ =	sdelay $0x3  }
0x34: {  	[smem:$0x3FB9] =	sst s10  }
0x35: {  	s10 =	sld [smem:$0x3FB8];
	_ =	sdelay $0x3  }
0x36: {  	p1 =	seq.s32 s10, $0x1;
	s10 =	sld [smem:$0x3FB9];
	_ =	sdelay $0x3  }
0x37: {  	[smem:$0x3FB9] =	sst s10  }
0x38: {  	s10 =	sld [smem:$0x3FBA]  }
0x39: {  	_ = 	snop;
	(pc) =	sbr.ind lr, $3  }
0x3a: {  	_ = 	snop  }
0x3b: {  	_ = 	snop  }
0x3c: {  	p2 =	seq.s32 s10, $0x1;
	s10 =	sld [smem:$0x3FB9]  }
0x3d: {  	_ =	shalt  }
0x3e: {  	_ =	shalt  }
0x3f: {  	_ =	shalt  }
0x40: {  	_ =	shalt  }
0x41: {  	_ =	shalt  }
0x42: {  	_ =	shalt  }
0x43: {  	_ =	shalt  }
0x44: {  	_ =	shalt  }
0x45: {  	_ =	shalt  }
0x46: {  	_ =	shalt  }
0x47: {  	_ =	shalt  }
0x48: {  	_ =	shalt  }
0x49: {  	_ =	shalt  }
0x4a: {  	_ =	shalt  }
0x4b: {  	_ =	shalt  }
0x4c: {  	_ =	shalt  }
0x4d: {  	_ =	shalt  }
0x4e: {  	_ =	shalt  }
0x4f: {  	_ =	shalt  }
0x50: {  	_ =	shalt  }
0x51: {  	_ =	shalt  }
0x52: {  	_ =	shalt  }
0x53: {  	_ =	shalt  }
0x54: {  	_ =	shalt  }
0x55: {  	_ =	shalt  }
0x56: {  	_ =	shalt  }
0x57: {  	_ =	shalt  }
0x58: {  	_ =	shalt  }
0x59: {  	_ =	shalt  }
0x5a: {  	_ =	shalt  }
0x5b: {  	_ =	shalt  }
0x5c: {  	_ =	shalt  }
0x5d: {  	_ =	shalt  }
0x5e: {  	_ =	shalt  }
0x5f: {  	_ =	shalt  }
0x60: {  	_ =	shalt  }
0x61: {  	_ =	shalt  }
0x62: {  	_ =	shalt  }
0x63: {  	_ =	shalt  }
0x64: {  	_ =	shalt  }
0x65: {  	_ =	shalt  }
0x66: {  	_ =	shalt  }
0x67: {  	_ =	shalt  }
0x68: {  	_ =	shalt  }
0x69: {  	_ =	shalt  }
0x6a: {  	_ =	shalt  }
0x6b: {  	_ =	shalt  }
0x6c: {  	_ =	shalt  }
0x6d: {  	_ =	shalt  }
0x6e: {  	_ =	shalt  }
0x6f: {  	_ =	shalt  }
0x70: {  	_ =	shalt  }
0x71: {  	_ =	shalt  }
0x72: {  	_ =	shalt  }
0x73: {  	_ =	shalt  }
0x74: {  	_ =	shalt  }
0x75: {  	_ =	shalt  }
0x76: {  	_ =	shalt  }
0x77: {  	_ =	shalt  }
0x78: {  	_ =	shalt  }
0x79: {  	_ =	shalt  }
0x7a: {  	_ =	shalt  }
0x7b: {  	_ =	shalt  }
0x7c: {  	_ =	shalt  }
0x7d: {  	_ =	shalt  }
0x7e: {  	_ =	shalt  }
0x7f: {  	_ =	shalt  }
0x80: {  	_ =	shalt  }
0x81: {  	_ =	shalt  }
0x82: {  	_ =	shalt  }
0x83: {  	_ =	shalt  }
0x84: {  	_ =	shalt  }
0x85: {  	_ =	shalt  }
0x86: {  	_ =	shalt  }
0x87: {  	_ =	shalt  }
.Lfunc_end0:
.L_simem_size_0:
called_computation.1_lowered:
.L_overlay_start_0:
0x88: {  	s2 =	sld [smem:$0x3FD9]  }
0x89: {  	s3 =	sld [smem:$0x3FFE];
	_ =	sdelay $0x1  }
0x8a: {  	s1 =	srdreg.scid  }
0x8b: {  	s0 =	sand.u32 $0x1, s1  }
0x8c: {  	s17 =	sshll.u32 s0, $0xA;
	s2 =	sadd.s32 s3, s2  }
0x8d: {  	s2 =	sadd.s32 s2, s17  }
0x8e: {  	[smem:$0x3FC5] =	sst s2  }
0x8f: {  	_ = 	snop  }
0x90: {  	(tm) =	ssettm $0x1  }
0x91: {  	s18 =	sld [smem:$0x3FFB];
	_ =	sdelay $0x3  }
0x92: {  	_ =	strace s18  }
0x93: {  	s2 =	sld [smem:$0x3FFC];
	_ =	sdelay $0x3  }
0x94: {  	_ =	strace s2  }
0x95: {  	s2 =	sld [smem:$0x3FFD];
	_ =	sdelay $0x3  }
0x96: {  	_ =	strace s2  }
0x97: {  	_ =	strace $0x8FFFFFFF  }
0x98: {  	s19 =	sld [smem:$0x3FDB];
	_ =	sdelay $0x1  }
0x99: {  	s20 =	simm.s32 $_scs_section_size  }
0x9a: {  	s4 =	simm.s32 $_size__tile_overlayer_lowered;
	s5 =	simm.s32 $_tile_overlayer_lowered  }
0x9b: {  	s6 =	simm.s32 $0x1BFF;
	s21 =	sshll.u32 s5, $0x1;
	s3 =	sadd.s32 s20, s19  }
0x9c: {  	s22 =	simm.s32 $0x0;
	s4 =	sshll.u32 s4, $0x1;
	s5 =	sadd.s32 s21, s3  }
0x9d: {  	[timem:s22], [sflag:s6] =	dma.local [hbm:s5], s4  }
0x9e: {  	_ =	swait.ge [sflag:s6], s4  }
0x9f: {  	s4 =	ssub.s32 $0x0, s4;
	[sflag:s6] =	ssyncset.done $0x0  }
0xa0: {  	[sflag:s6] =	ssyncadd.s32 s4;
	_ =	sdelay $0x1  }
0xa1: {  	s23 =	simm.s32 $0x1B8B  }
0xa2: {  	_ =	swait.ge [sflag:s23], $0x1  }
0xa3: {  	[sflag:s23] =	ssyncset.done $0x0  }
0xa4: {  	[sflag:s23] =	ssyncadd.s32 $0xFFFFFFFF  }
0xa5: {  	s4 =	sld [smem:$0x0]  }
0xa6: {  	s5 =	sand.u32 $0xFFFFFFFE, s1  }
0xa7: {  	p0 =	sne.s32 s1, s5  }
0xa8: {  	s5 =	sshll.u32 @p0 s5, $0xE  }
0xa9: {  	s5 =	sadd.s32 @p0 $0x11B8D, s5;
	s6 =	sshll.u32 @p0 s4, $0x11  }
0xaa: {  	s5 =	sor.u32 @p0 s6, s5  }
0xab: {  	[sflag:s5] =	ssyncadd.remote.s32 @p0 $0x1;
	_ =	sdelay $0x1  }
0xac: {  	s5 =	simm.s32 @p0 $0x1B8D  }
0xad: {  	_ =	swait.eq @p0 [sflag:s5], $0x1  }
0xae: {  	[sflag:s5] =	ssyncadd.s32 @p0 $0xFFFFFFFF  }
0xaf: {  	s6 =	sshll.u32 @!p0 s1, $0xE  }
0xb0: {  	s6 =	sor.u32 @!p0 $0x4000, s6;
	s5 =	simm.s32 @!p0 $0x1B8D  }
0xb1: {  	s4 =	sshll.u32 @!p0 s4, $0x11;
	s6 =	sadd.s32 @!p0 $0x11B8D, s6;
	_ =	swait.eq @!p0 [sflag:s5], $0x1  }
0xb2: {  	s4 =	sor.u32 @!p0 s4, s6;
	[sflag:s5] =	ssyncadd.s32 @!p0 $0xFFFFFFFF  }
0xb3: {  	s25 =	simm.s32 $0x1B8E;
	s24 =	sld [smem:$0x3FFE];
	[sflag:s4] =	ssyncadd.remote.s32 @!p0 $0x1  }
0xb4: {  	s26 =	simm.s32 $execute0_lowered;
	[smem:$0x3FD2] =	sst s25  }
0xb5: {  	s5 =	sshll.u32 s26, $0x1;
	_ =	strace $0x80000049;
	[dreg:$0x1] =	wrdreg $0xFFFFFFFF  }
0xb6: {  	s28 =	simm.s32 $_size_execute0_lowered;
	s3 =	sadd.s32 s3, s5;
	[dreg:$0x0] =	wrdreg $0x0  }
0xb7: {  	s5 =	sshll.u32 s28, $0x1;
	[dreg:$0x2] =	wrdreg s3  }
0xb8: {  	[dreg:$0x3] =	wrdreg s5  }
0xb9: {  	[dreg:$0x4] =	wrdreg $0xC0  }
0xba: {  	_ =	task [dreg:s22], $0x5FFFF  }
0xbb: {  	[dreg:$0x1] =	wrdreg $0xFFFFFFFF  }
0xbc: {  	[dreg:$0x0] =	wrdreg $0x60  }
0xbd: {  	[dreg:$0x2] =	wrdreg s24  }
0xbe: {  	[dreg:$0x3] =	wrdreg $0x0  }
0xbf: {  	[dreg:$0x4] =	wrdreg $0xA  }
0xc0: {  	_ =	task.clear_ibuf [dreg:s22], $0x5FFFF;
	_ =	strace $0x90000049  }
0xc1: {  	s29 =	simm.s32 $0xA;
	_ =	strace $0x8000004B  }
0xc2: {  	_ =	swait.ge [sflag:s29], $0x1  }
0xc3: {  	[sflag:s29] =	ssyncadd.s32 $0xFFFFFFFF  }
0xc4: {  	_ =	strace $0x9000004B  }
0xc5: {  	_ =	sfence  }
0xc6: {  	s30 =	sld [smem:$0x0];
	_ =	sdelay $0x2  }
0xc7: {  	s31 =	sshll.u32 s1, $0xD;
	s1 =	sshrl.u32 s1, $0x2  }
0xc8: {  	s4 =	sand.u32 $0x4000, s31;
	s1 =	sadd.s32 s1, s30  }
0xc9: {  	s0 =	sor.u32 s4, s0;
	s1 =	sshll.u32 s1, $0x11  }
0xca: {  	s0 =	sor.u32 s1, s0  }
0xcb: {  	s0 =	sadd.s32 $0x8F2B, s0  }
0xcc: {  	[sflag:s0] =	ssyncadd.remote.s32 $0x1  }
0xcd: {  	_ =	sfence.sel $0xFFFF  }
0xce: {  	[dreg:$0x0] =	wrdreg $0xFFFFFFFF;
	(pc) =	sbr.abs _section_cstart, $3  }
0xcf: {  	[dreg:$0x1] =	wrdreg $0xFFFFFFFF  }
0xd0: {  	_ =	task.clear_ibuf [dreg:s22], $0x2FFFF;
	_ =	strace $0x9FFFFFFF  }
0xd1: {  	(tm) =	ssettm $0x7FFFFFFF  }
tec
execute0_lowered:
.L_overlay_start_1:
0x0: {  	(tag) =	ssettag $0x1  }
0x1: {  	s0 =	rddreg [dreg:$0x0]  }
0x2: {  	s1 =	rddreg [dreg:$0x1];
	s2 =	simm.s32 $0x0  }
0x3: {  	s14 =	stileid.u32;
	s4 =	srdreg.scid;
	s28 =	simm.s32 $0x2  }
0x4: {  	s29 =	simm.s32 $0x3;
	s30 =	simm.s32 $0x4;
	[smem:$0x7FF] =	sst s2  }
0x5: {  	s3 =	sadd.s32 $0x1800, s0;
	s15 =	sand.u32 $0x1, s4;
	s7 =	smul.u32 $0xC8000, s14  }
0x6: {  	s5 =	sshll.u32 s14, $0x1;
	s18 =	sadd.s32 $0x2D400, s0;
	s17 =	smul.u32 $0x64000, s15  }
0x7: {  	_ =	strace $0x8000004A;
	[dreg:$0x5] =	wrdreg s18;
	s18 =	smul.u32 $0x320, s14  }
0x8: {  	s4 =	sadd.s32 $0x20C00, s0;
	p0 =	sne.s32 s14, $0x0;
	s26 =	smul.u32 $0x64, s15  }
0x9: {  	s8 =	sor.u32 s15, s5;
	s10 =	ssub.s32 $0x2, s15;
	s15 =	smul.u32 $0x190, s15  }
0xa: {  	[dreg:$0x4] =	wrdreg s3;
	s5 =	sadd.s32 $0x27000, s0;
	s9 =	smul.u32 $0xC80, s8  }
0xb: {  	s13 =	sadd.s32 s7, s0;
	s19 =	sshll.u32 s8, $0x1;
	s11 =	sshrl.u32 s10, $0x1  }
0xc: {  	s8 =	smul.u32 $0x64, s8;
	s0 =	sadd.s32 s19, s0;
	s16 =	ssub.s32 s10, s11  }
0xd: {  	s19 =	smul.u32 $0xC8, s14;
	s25 =	sadd.s32 s17, s13;
	s17 =	simm.s32 $0xFA80  }
0xe: {  	s9 =	sadd.s32 $0x19000, s9;
	s7 =	sadd.s32 $0x64, s8;
	s12 =	sadd.s32 $0xCAD800, s0  }
0xf: {  	s13 =	smax.u32 s16, $0x1;
	s0 =	sadd.s32 $0xCADA00, s25;
	s16 =	sshrl.u32 @!p0 s1, $0x3  }
0x10: {  	s25 =	simm.s32 $0x17E68;
	s20 =	sshrl.u32 s9, $0x3;
	[dreg:$0x3] =	wrdreg s0  }
0x11: {  	s31 =	sadd.s32 s26, s19;
	s19 =	simm.s32 $0xFA00;
	s26 =	simm.s32 $0x1  }
0x12: {  	s0 =	simm.s32 $0x0;
	s21 =	sadd.s32 s4, s20;
	s22 =	sadd.s32 s5, s20  }
0x13: {  	v0 =	vlaneseq.u32;
	s23 =	sor.u32 $0x4, s20;
	s20 =	sor.u32 $0x3, s31;
	[dreg:$0x6] =	wrdreg s21  }
0x14: {  	v0 =	vmul.u32 $0x400, v0;
	[dreg:$0x7] =	wrdreg s22;
	s24 =	sadd.s32 s4, s23;
	s11 =	sadd.s32 s5, s23  }
0x15: {  	s21 =	simm.s32 $0x20;
	s22 =	simm.s32 $0xFE68;
	s23 =	simm.s32 $0xFA20  }
0x16: {  	v1 =	vimm.f32 $0.0e+00;
	v2 =	vor.u32 $0x4000, v0;
	[dreg:$0x8] =	wrdreg s24;
	s24 =	sadd.s32 s15, s18;
	s18 =	simm.s32 $0x5  }
.LBB2_1:
0x17: {  	s14 =	simm.s32 @!p0 $0x1C05;
	s3 =	rddreg [dreg:$0x4]  }
0x18: {  	[spmem:s16], [sflag:s14] =	dma.local @!p0 [hbm:s3], $0x1F400  }
0x19: {  	s14 =	simm.s32 @!p0 $0x5  }
0x1a: {  	_ =	swait.ge @!p0 [sflag:s14], $0x1F400  }
0x1b: {  	[sflag:s14] =	ssyncset.done @!p0 $0x0  }
0x1c: {  	[sflag:s14] =	ssyncadd.s32 @!p0 $0xFFFE0C00  }
0x1d: {  	[bflag:$0x0] =	sbarrier.arrive $0xFFFF  }
0x1e: {  	s8 =	rddreg [dreg:$0x5]  }
0x1f: {  	[tilespmem:s17], [sflag:$0x5] =	stream.linear.gather [hbm4b:s8+s2], $0x3E8, $0x38;
	[tilespmem:$0x1FE78] =	vst v63  }
0x20: {  	_ =	swait.ge [sflag:s18], $0x3E8  }
0x21: {  	[sflag:s18] =	ssyncset.done $0x0  }
0x22: {  	[sflag:s18] =	ssyncadd.s32 $0xFFFFFC18  }
0x23: {  	s9 =	rddreg [dreg:$0x6];
	[tilespmem:$0x1FE68] =	vst v1  }
0x24: {  	[tilespmem:s19], [sflag:$0x5] =	stream.linear.gather [hbm4b:s9+s2], $0x20, $0x38;
	[tilespmem:$0x1FE78] =	vst v63  }
0x25: {  	_ =	swait.ge [sflag:s18], $0x20  }
0x26: {  	[sflag:s18] =	ssyncset.done $0x0  }
0x27: {  	s6 =	simm.s32 $0xFA40;
	s10 =	rddreg [dreg:$0x7];
	[sflag:s18] =	ssyncadd.s32 $0xFFFFFFE0  }
0x28: {  	[tilespmem:s6], [sflag:$0x5] =	stream.linear.gather [hbm4b:s10+s2], $0x20, $0x38;
	[tilespmem:$0x1FE78] =	vst v63  }
0x29: {  	_ =	swait.ge [sflag:s18], $0x20  }
0x2a: {  	[sflag:s18] =	ssyncset.done $0x0  }
0x2b: {  	[sflag:s18] =	ssyncadd.s32 $0xFFFFFFE0  }
0x2c: {  	[tilespmem:s22], [sflag:$0x1] =	stream.indirect.gather [spmem:s1], $0x400, s19, s21, $0xb8;
	[tilespmem:$0x1FE78] =	vst v63  }
0x2d: {  	s14 =	rddreg [dreg:$0x8]  }
0x2e: {  	[tilespmem:s23], [sflag:$0x5] =	stream.linear.gather [hbm4b:s14+s2], $0x20, $0x38;
	[tilespmem:$0x1FE78] =	vst v63  }
0x2f: {  	_ =	swait.ge [sflag:s18], $0x20  }
0x30: {  	[sflag:s18] =	ssyncset.done $0x0  }
0x31: {  	s15 =	simm.s32 $0xFA60;
	[sflag:s18] =	ssyncadd.s32 $0xFFFFFFE0  }
0x32: {  	[tilespmem:s15], [sflag:$0x5] =	stream.linear.gather [hbm4b:s11+s2], $0x20, $0x38;
	[tilespmem:$0x1FE78] =	vst v63  }
0x33: {  	_ =	swait.ge [sflag:s18], $0x20  }
0x34: {  	s31 =	simm.s32 $0x0;
	[sflag:s18] =	ssyncset.done $0x0  }
0x35: {  	s14 =	smov.u32 s24;
	s15 =	smov.u32 s20;
	[sflag:s18] =	ssyncadd.s32 $0xFFFFFFE0  }
0x36: {  	[tilespmem:s25], [sflag:$0x2] =	stream.indirect.gather [spmem:s1], $0x400, s23, s21, $0xb8;
	[tilespmem:$0x1FE78] =	vst v63  }
.LBB2_2:
0x37: {  	_ =	swait.ge [sflag:s26], $0x8000  }
0x38: {  	[sflag:s26] =	ssyncset.done $0x0  }
0x39: {  	[sflag:s26] =	ssyncadd.s32 $0xFFFF8000  }
0x3a: {  	v3 =	vld [tilespmem:$0xFA40]  }
0x3b: {  	v4 =	vld [tilespmem:$0xFA00]  }
0x3c: {  	v5 =	vld [tilespmem:$0xFA50]  }
0x3d: {  	v6 =	vld [tilespmem:$0xFA10];
	_ =	sdelay $0x1  }
0x3e: {  	v3 =	vadd.s32 v0, v3;
	_ =	sdelay $0x1  }
0x3f: {  	v5 =	vadd.s32 v2, v5  }
0x40: {  	v7 =	vld [tilespmem:$0x1FE68]  }
0x41: {  	v4 =	vld.idx.msk [tilespmem:v4+s17+$0x0], $0xffff  }
0x42: {  	v3 =	vld.idx.msk [tilespmem:v3+s22+$0x0], $0xffff  }
0x43: {  	v6 =	vld.idx.msk [tilespmem:v6+s17+$0x0], $0xffff  }
0x44: {  	v5 =	vld.idx.msk [tilespmem:v5+s22+$0x0], $0xffff;
	_ =	sdelay $0x2  }
0x45: {  	v3 =	vsub.f32 v4, v3;
	_ =	sdelay $0x1  }
0x46: {  	v58 =	vsub.f32 v6, v5;
	v3 =	vadd.f32 v3, v7;
	_ =	sdelay $0x1  }
0x47: {  	v3 =	vadd.f32 v58, v3  }
0x48: {  	s3 =	rddreg [dreg:$0x3]  }
0x49: {  	s3 =	sadd.s32 s31, s3;
	[tilespmem:$0x1FE68] =	vst v3  }
0x4a: {  	[hbm4b:s3+s2] =	stream.linear.scatter [tilespmem:s22], [sflag:$0x3], $0x8000, $0x38;
	[tilespmem:$0x1FE78] =	vst v63  }
0x4b: {  	_ =	swait.ge [sflag:s28], $0x8000  }
0x4c: {  	[sflag:s28] =	ssyncset.done $0x0  }
0x4d: {  	[sflag:s28] =	ssyncadd.s32 $0xFFFF8000  }
0x4e: {  	v3 =	vld [tilespmem:$0xFA60]  }
0x4f: {  	v59 =	vld [tilespmem:$0xFA20]  }
0x50: {  	v60 =	vld [tilespmem:$0xFA70]  }
0x51: {  	v61 =	vld [tilespmem:$0xFA30];
	_ =	sdelay $0x1  }
0x52: {  	v3 =	vadd.s32 v0, v3;
	_ =	sdelay $0x1  }
0x53: {  	v5 =	vadd.s32 v2, v60  }
0x54: {  	v62 =	vld [tilespmem:$0x1FE68]  }
0x55: {  	v4 =	vld.idx.msk [tilespmem:v59+s17+$0x0], $0xffff  }
0x56: {  	v3 =	vld.idx.msk [tilespmem:v3+s25+$0x0], $0xffff  }
0x57: {  	v6 =	vld.idx.msk [tilespmem:v61+s17+$0x0], $0xffff  }
0x58: {  	v5 =	vld.idx.msk [tilespmem:v5+s25+$0x0], $0xffff;
	_ =	sdelay $0x2  }
0x59: {  	v3 =	vsub.f32 v4, v3;
	_ =	sdelay $0x1  }
0x5a: {  	v63 =	vsub.f32 v6, v5;
	v3 =	vadd.f32 v3, v62;
	_ =	sdelay $0x1  }
0x5b: {  	v3 =	vadd.f32 v63, v3  }
0x5c: {  	s10 =	sadd.s32 $0xFFFFFFFF, s15  }
0x5d: {  	p1 =	sge.u32 s10, s7;
	s3 =	sadd.s32 $0x1000, s3;
	[tilespmem:$0x1FE68] =	vst v3  }
0x5e: {  	[hbm4b:s3+s2] =	stream.linear.scatter [tilespmem:s25], [sflag:$0x4], $0x8000, $0x38;
	[tilespmem:$0x1FE78] =	vst v63  }
0x5f: {  	s3 =	simm.s32 @!p1 $0x3  }
0x60: {  	s6 =	sadd.s32 @!p1 $0x8, s14;
	_ =	swait.ge @!p1 [sflag:s3], $0x8000  }
0x61: {  	s6 =	sand.u32 @!p1 $0xFFFFFF8, s6;
	[sflag:s3] =	ssyncset.done @!p1 $0x0  }
0x62: {  	[sflag:s3] =	ssyncadd.s32 @!p1 $0xFFFF8000;
	s3 =	sadd.s32 @!p1 $0x3200, s6  }
0x63: {  	s8 =	simm.s32 @!p1 $0x0;
	s9 =	simm.s32 @!p1 $0xFA00;
	s6 =	sadd.s32 @!p1 s4, s3  }
0x64: {  	[tilespmem:s9], [sflag:$0x5] =	stream.linear.gather @!p1 [hbm4b:s6+s8], $0x20, $0x38;
	[tilespmem:$0x1FE78] =	vst v63  }
0x65: {  	s6 =	simm.s32 @!p1 $0x5  }
0x66: {  	_ =	swait.ge @!p1 [sflag:s6], $0x20  }
0x67: {  	[sflag:s6] =	ssyncset.done @!p1 $0x0  }
0x68: {  	s10 =	simm.s32 @!p1 $0xFA40;
	s3 =	sadd.s32 @!p1 s5, s3;
	[sflag:s6] =	ssyncadd.s32 @!p1 $0xFFFFFFE0  }
0x69: {  	[tilespmem:s10], [sflag:$0x5] =	stream.linear.gather @!p1 [hbm4b:s3+s8], $0x20, $0x38;
	[tilespmem:$0x1FE78] =	vst v63  }
0x6a: {  	_ =	swait.ge @!p1 [sflag:s6], $0x20  }
0x6b: {  	[sflag:s6] =	ssyncset.done @!p1 $0x0  }
0x6c: {  	s3 =	simm.s32 @!p1 $0x20;
	[sflag:s6] =	ssyncadd.s32 @!p1 $0xFFFFFFE0;
	s6 =	simm.s32 @!p1 $0xFE68  }
0x6d: {  	[tilespmem:s6], [sflag:$0x1] =	stream.indirect.gather @!p1 [spmem:s1], $0x400, s9, s3, $0xb8;
	[tilespmem:$0x1FE78] =	vst v63  }
0x6e: {  	p1 =	sge.u32 s15, s7  }
0x6f: {  	s3 =	simm.s32 @!p1 $0x4  }
0x70: {  	s6 =	sadd.s32 @!p1 $0xC, s14;
	_ =	swait.ge @!p1 [sflag:s3], $0x8000  }
0x71: {  	s6 =	sand.u32 @!p1 $0xFFFFFFC, s6;
	[sflag:s3] =	ssyncset.done @!p1 $0x0  }
0x72: {  	[sflag:s3] =	ssyncadd.s32 @!p1 $0xFFFF8000;
	s3 =	sadd.s32 @!p1 $0x3200, s6  }
0x73: {  	s8 =	simm.s32 @!p1 $0x0;
	s9 =	simm.s32 @!p1 $0xFA20;
	s6 =	sadd.s32 @!p1 s4, s3  }
0x74: {  	[tilespmem:s9], [sflag:$0x5] =	stream.linear.gather @!p1 [hbm4b:s6+s8], $0x20, $0x38;
	[tilespmem:$0x1FE78] =	vst v63  }
0x75: {  	s6 =	simm.s32 @!p1 $0x5  }
0x76: {  	_ =	swait.ge @!p1 [sflag:s6], $0x20  }
0x77: {  	[sflag:s6] =	ssyncset.done @!p1 $0x0  }
0x78: {  	s10 =	simm.s32 @!p1 $0xFA60;
	s3 =	sadd.s32 @!p1 s5, s3;
	[sflag:s6] =	ssyncadd.s32 @!p1 $0xFFFFFFE0  }
0x79: {  	[tilespmem:s10], [sflag:$0x5] =	stream.linear.gather @!p1 [hbm4b:s3+s8], $0x20, $0x38;
	[tilespmem:$0x1FE78] =	vst v63  }
0x7a: {  	_ =	swait.ge @!p1 [sflag:s6], $0x20  }
0x7b: {  	s31 =	sadd.s32 $0x2000, s31;
	[sflag:s6] =	ssyncset.done @!p1 $0x0  }
0x7c: {  	s3 =	simm.s32 @!p1 $0x20;
	[sflag:s6] =	ssyncadd.s32 @!p1 $0xFFFFFFE0;
	s6 =	simm.s32 @!p1 $0x17E68  }
0x7d: {  	[tilespmem:s6], [sflag:$0x2] =	stream.indirect.gather @!p1 [spmem:s1], $0x400, s9, s3, $0xb8;
	[tilespmem:$0x1FE78] =	vst v63  }
0x7e: {  	p1 =	sne.s32 s31, $0x64000  }
.Ltmp0:
0x7f: {  	_ = 	snop;
	(pc) =	sbr.rel @p1 .LBB2_2-.Ltmp0, $2  }
0x80: {  	_ =	sdelay $0x2  }
0x81: {  	s15 =	sadd.s32 $0x2, s15;
	s14 =	sadd.s32 $0x8, s14  }
0x82: {  	_ =	swait.ge [sflag:s29], $0x8000  }
0x83: {  	[sflag:s29] =	ssyncset.done $0x0  }
0x84: {  	[sflag:s29] =	ssyncadd.s32 $0xFFFF8000  }
0x85: {  	s0 =	sadd.s32 $0x1, s0;
	_ =	swait.ge [sflag:s30], $0x8000  }
0x86: {  	p1 =	sne.s32 s0, s13;
	[sflag:s30] =	ssyncset.done $0x0  }
.Ltmp1:
0x87: {  	s3 =	simm.s32 $0x1FE68;
	[sflag:s30] =	ssyncadd.s32 $0xFFFF8000;
	(pc) =	sbr.rel @p1 .LBB2_1-.Ltmp1, $4  }
0x88: {  	[hbm4b:s12+s2] =	stream.linear.scatter [tilespmem:s3], [sflag:$0x5], $0x10, $0x38;
	[tilespmem:$0x1FE78] =	vst v63  }
0x89: {  	_ =	swait.ge [sflag:s18], $0x10  }
0x8a: {  	[sflag:s18] =	ssyncset.done $0x0  }
0x8b: {  	[sflag:s18] =	ssyncadd.s32 $0xFFFFFFF0  }
0x8c: {  	_ =	sfence.sel $0x180000  }
0x8d: {  	[bflag:$0x0] =	sbarrier.arrive $0xFFFF  }
0x8e: {  	_ =	strace $0x9000004A  }
0x8f: {  	[bflag:$0x2] =	sbarrier.arrive $0xFFFF  }
0x90: {  	s0 =	rddreg [dreg:$0x2]  }
0x91: {  	s0 =	sadd.s32 @!p0 $0x100000, s0  }
0x92: {  	[sflag:s0] =	ssyncadd.tile.s32 @!p0 $0x1;
	_ =	shalt  }
.Lfunc_end2:
_tile_overlayer_lowered:
.L_overlay_start_2:
0x93: {  	(tag) =	ssettag $0x2  }
0x94: {  	s0 =	rddreg [dreg:$0x0];
	s2 =	stileid.u32  }
0x95: {  	s1 =	rddreg [dreg:$0x1];
	p0 =	sne.s32 s2, $0x0  }
0x96: {  	s3 =	rddreg [dreg:$0x2];
	[bflag:$0x3] =	sbarrier.arrive $0xFFFF;
	s2 =	simm.s32 @!p0 $0x1C05  }
0x97: {  	[timem:s3], [sflag:s2] =	dma.local @!p0 [hbm:s0], s1  }
0x98: {  	s0 =	simm.s32 @!p0 $0x5  }
0x99: {  	_ =	swait.ge @!p0 [sflag:s0], s1  }
0x9a: {  	s1 =	ssub.s32 @!p0 $0x0, s1;
	[sflag:s0] =	ssyncset.done @!p0 $0x0  }
0x9b: {  	[sflag:s0] =	ssyncadd.s32 @!p0 s1  }
0x9c: {  	[bflag:$0x3] =	sbarrier.arrive $0xFFFF  }
0x9d: {  	_ =	shalt  }

// kernel: kernel.8.cloned.1.call-start
scs
__scs_entry_jumppad:
0x0: {  	(pc) =	sbr.rel $0x88, $3  }
0x1: {  	(tag) =	ssettag $0x0;
	lr =	simm.s32 $0x1  }
0x2: {  	[smem:$0x3F9E] =	sst lr;
	_ =	strace $0xD0000000  }
0x3: {  	_ = 	snop  }
0x4: {  	_ = 	snop  }
0x5: {  	_ = 	snop  }
0x6: {  	_ = 	snop  }
0x7: {  	_ = 	snop  }
__scs_overlays_trampoline_lowered:
0x8: {  	[smem:$0x3FAD] =	sst s0  }
0x9: {  	[smem:$0x3FAE] =	sst s1  }
0xa: {  	[smem:$0x3FAF] =	sst s2  }
0xb: {  	[smem:$0x3FB0] =	sst s3  }
0xc: {  	[smem:$0x3FB1] =	sst s4  }
0xd: {  	[smem:$0x3FB2] =	sst s5  }
0xe: {  	[smem:$0x3FB3] =	sst s6  }
0xf: {  	[smem:$0x3FB4] =	sst s7  }
0x10: {  	[smem:$0x3FB5] =	sst s8  }
0x11: {  	[smem:$0x3FB6] =	sst s9;
	s0 =	simm.s32 @!p0 $0x0  }
0x12: {  	s1 =	sld [smem:$0x3F9C];
	s0 =	simm.s32 @p0 $0x1  }
0x13: {  	[smem:$0x3FB7] =	sst s0;
	s0 =	simm.s32 @!p1 $0x0  }
0x14: {  	s2 =	sld [smem:$0x3F9B];
	s0 =	simm.s32 @p1 $0x1  }
0x15: {  	[smem:$0x3FB8] =	sst s0;
	s0 =	simm.s32 @!p2 $0x0  }
0x16: {  	s3 =	sld [smem:$0x3FDB];
	s0 =	simm.s32 @p2 $0x1  }
0x17: {  	s4 =	simm.s32 $0x1BF5;
	[smem:$0x3FBA] =	sst s0  }
0x18: {  	s0 =	sld [smem:$0x3F9D];
	_ =	swait.ge [sflag:s4], $0x0  }
0x19: {  	s7 =	sld [smem:$0x3F9E]  }
0x1a: {  	s8 =	sadd.s32 $0xFFFFE003, lr  }
0x1b: {  	s9 =	sadd.s32 $0xFFFFFEF7, lr;
	s5 =	simm.s32 $0xFFFFFFFF;
	p2 =	slt.u32 s8, $0xFFFFF086  }
0x1c: {  	p1 =	slt.u32 s9, $0xF7A;
	s5 =	simm.s32 @!p2 $0x0  }
0x1d: {  	s5 =	simm.s32 @p1 $0x1;
	p0 =	seq.s32 s7, s2  }
0x1e: {  	s7 =	smul.u32 @!p0 $0xF7A, s2;
	p2 =	seq.s32 @!p0 s5, $0x0  }
0x1f: {  	s9 =	smul.u32 $0xF7A, s1;
	s8 =	simm.s32 @!p0 $0x1BF5;
	p2 =	por !p2, p0  }
0x20: {  	[sflag:s8] =	ssyncset.s32 @!p0 $0xFFFFF086;
	s6 =	sadd.s32 @!p0 s3, s7;
	s7 =	simm.s32 @!p0 $0x108  }
0x21: {  	s3 =	sadd.s32 s3, s9;
	s6 =	sadd.s32 @!p0 $0x88, s6;
	s7 =	simm.s32 @p2 $0x1082  }
0x22: {  	[simem:s7], [sflag:s8] =	dma.local @!p0 [hbm:s6], $0xF7A  }
0x23: {  	s9 =	sor.u32 $0xD0000000, s2;
	s6 =	simm.s32 $0x108;
	_ =	swait.ge @!p0 [sflag:s8], $0x0  }
0x24: {  	s3 =	sadd.s32 $0x88, s3;
	s6 =	simm.s32 @!p1 $0x1082;
	[sflag:s4] =	ssyncset.s32 $0xFFFFF086  }
0x25: {  	[simem:s6], [sflag:s4] =	dma.local [hbm:s3], $0xF7A  }
0x26: {  	[smem:$0x3F9E] =	sst s1;
	(tag) =	ssettag s2;
	_ =	strace s9  }
0x27: {  	s1 =	sld [smem:$0x3FAE]  }
0x28: {  	s2 =	sld [smem:$0x3FAF]  }
0x29: {  	s4 =	sld [smem:$0x3FB1]  }
0x2a: {  	p0 =	seq.s32 s5, $0x0;
	s5 =	sld [smem:$0x3FB2]  }
0x2b: {  	s6 =	sld [smem:$0x3FB3]  }
0x2c: {  	s7 =	sld [smem:$0x3FB4]  }
0x2d: {  	s3 =	simm.s32 $0x108;
	s8 =	sld [smem:$0x3FB5]  }
0x2e: {  	s3 =	simm.s32 @!p0 $0x1082;
	s9 =	sld [smem:$0x3FB6]  }
0x2f: {  	lr =	sadd.s32 s0, s3;
	s0 =	sld [smem:$0x3FAD]  }
0x30: {  	s3 =	sld [smem:$0x3FB0]  }
0x31: {  	[smem:$0x3FB9] =	sst s10  }
0x32: {  	s10 =	sld [smem:$0x3FB7];
	_ =	sdelay $0x3  }
0x33: {  	p0 =	seq.s32 s10, $0x1;
	s10 =	sld [smem:$0x3FB9];
	_ =	sdelay $0x3  }
0x34: {  	[smem:$0x3FB9] =	sst s10  }
0x35: {  	s10 =	sld [smem:$0x3FB8];
	_ =	sdelay $0x3  }
0x36: {  	p1 =	seq.s32 s10, $0x1;
	s10 =	sld [smem:$0x3FB9];
	_ =	sdelay $0x3  }
0x37: {  	[smem:$0x3FB9] =	sst s10  }
0x38: {  	s10 =	sld [smem:$0x3FBA]  }
0x39: {  	_ = 	snop;
	(pc) =	sbr.ind lr, $3  }
0x3a: {  	_ = 	snop  }
0x3b: {  	_ = 	snop  }
0x3c: {  	p2 =	seq.s32 s10, $0x1;
	s10 =	sld [smem:$0x3FB9]  }
0x3d: {  	_ =	shalt  }
0x3e: {  	_ =	shalt  }
0x3f: {  	_ =	shalt  }
0x40: {  	_ =	shalt  }
0x41: {  	_ =	shalt  }
0x42: {  	_ =	shalt  }
0x43: {  	_ =	shalt  }
0x44: {  	_ =	shalt  }
0x45: {  	_ =	shalt  }
0x46: {  	_ =	shalt  }
0x47: {  	_ =	shalt  }
0x48: {  	_ =	shalt  }
0x49: {  	_ =	shalt  }
0x4a: {  	_ =	shalt  }
0x4b: {  	_ =	shalt  }
0x4c: {  	_ =	shalt  }
0x4d: {  	_ =	shalt  }
0x4e: {  	_ =	shalt  }
0x4f: {  	_ =	shalt  }
0x50: {  	_ =	shalt  }
0x51: {  	_ =	shalt  }
0x52: {  	_ =	shalt  }
0x53: {  	_ =	shalt  }
0x54: {  	_ =	shalt  }
0x55: {  	_ =	shalt  }
0x56: {  	_ =	shalt  }
0x57: {  	_ =	shalt  }
0x58: {  	_ =	shalt  }
0x59: {  	_ =	shalt  }
0x5a: {  	_ =	shalt  }
0x5b: {  	_ =	shalt  }
0x5c: {  	_ =	shalt  }
0x5d: {  	_ =	shalt  }
0x5e: {  	_ =	shalt  }
0x5f: {  	_ =	shalt  }
0x60: {  	_ =	shalt  }
0x61: {  	_ =	shalt  }
0x62: {  	_ =	shalt  }
0x63: {  	_ =	shalt  }
0x64: {  	_ =	shalt  }
0x65: {  	_ =	shalt  }
0x66: {  	_ =	shalt  }
0x67: {  	_ =	shalt  }
0x68: {  	_ =	shalt  }
0x69: {  	_ =	shalt  }
0x6a: {  	_ =	shalt  }
0x6b: {  	_ =	shalt  }
0x6c: {  	_ =	shalt  }
0x6d: {  	_ =	shalt  }
0x6e: {  	_ =	shalt  }
0x6f: {  	_ =	shalt  }
0x70: {  	_ =	shalt  }
0x71: {  	_ =	shalt  }
0x72: {  	_ =	shalt  }
0x73: {  	_ =	shalt  }
0x74: {  	_ =	shalt  }
0x75: {  	_ =	shalt  }
0x76: {  	_ =	shalt  }
0x77: {  	_ =	shalt  }
0x78: {  	_ =	shalt  }
0x79: {  	_ =	shalt  }
0x7a: {  	_ =	shalt  }
0x7b: {  	_ =	shalt  }
0x7c: {  	_ =	shalt  }
0x7d: {  	_ =	shalt  }
0x7e: {  	_ =	shalt  }
0x7f: {  	_ =	shalt  }
0x80: {  	_ =	shalt  }
0x81: {  	_ =	shalt  }
0x82: {  	_ =	shalt  }
0x83: {  	_ =	shalt  }
0x84: {  	_ =	shalt  }
0x85: {  	_ =	shalt  }
0x86: {  	_ =	shalt  }
0x87: {  	_ =	shalt  }
.Lfunc_end0:
.L_simem_size_0:
called_computation_lowered:
.L_overlay_start_0:
0x88: {  	s2 =	sld [smem:$0x3FD9]  }
0x89: {  	s3 =	sld [smem:$0x3FFE];
	_ =	sdelay $0x1  }
0x8a: {  	s1 =	srdreg.scid  }
0x8b: {  	s0 =	sand.u32 $0x1, s1  }
0x8c: {  	s16 =	sshll.u32 s0, $0xA;
	s2 =	sadd.s32 s3, s2  }
0x8d: {  	s2 =	sadd.s32 s2, s16  }
0x8e: {  	[smem:$0x3FC5] =	sst s2  }
0x8f: {  	_ = 	snop  }
0x90: {  	(tm) =	ssettm $0x1  }
0x91: {  	s17 =	sld [smem:$0x3FFB];
	_ =	sdelay $0x3  }
0x92: {  	_ =	strace s17  }
0x93: {  	s2 =	sld [smem:$0x3FFC];
	_ =	sdelay $0x3  }
0x94: {  	_ =	strace s2  }
0x95: {  	s2 =	sld [smem:$0x3FFD];
	_ =	sdelay $0x3  }
0x96: {  	_ =	strace s2  }
0x97: {  	_ =	strace $0x8FFFFFFF  }
0x98: {  	s18 =	sld [smem:$0x3FDB];
	_ =	sdelay $0x1  }
0x99: {  	s19 =	simm.s32 $_scs_section_size  }
0x9a: {  	s4 =	simm.s32 $_size__tile_overlayer_lowered;
	s5 =	simm.s32 $_tile_overlayer_lowered  }
0x9b: {  	s22 =	simm.s32 $0x1BFF;
	s21 =	sshll.u32 s5, $0x1;
	s2 =	sadd.s32 s19, s18  }
0x9c: {  	s6 =	simm.s32 $0x0;
	s20 =	sshll.u32 s4, $0x1;
	s4 =	sadd.s32 s21, s2  }
0x9d: {  	[timem:s6], [sflag:s22] =	dma.local [hbm:s4], s20  }
0x9e: {  	_ =	swait.ge [sflag:s22], s20  }
0x9f: {  	s3 =	ssub.s32 $0x0, s20;
	[sflag:s22] =	ssyncset.done $0x0  }
0xa0: {  	[sflag:s22] =	ssyncadd.s32 s3;
	_ =	sdelay $0x1  }
0xa1: {  	s23 =	simm.s32 $0x1B8B  }
0xa2: {  	_ =	swait.ge [sflag:s23], $0x1  }
0xa3: {  	[sflag:s23] =	ssyncset.done $0x0  }
0xa4: {  	s25 =	simm.s32 $0x1B8E;
	s24 =	sld [smem:$0x3FFE];
	[sflag:s23] =	ssyncadd.s32 $0xFFFFFFFF  }
0xa5: {  	s26 =	simm.s32 $execute0_lowered;
	[smem:$0x3FD2] =	sst s25  }
0xa6: {  	s4 =	sshll.u32 s26, $0x1;
	_ =	strace $0x80000046;
	[dreg:$0x1] =	wrdreg $0xFFFFFFFF  }
0xa7: {  	s28 =	simm.s32 $_size_execute0_lowered;
	s2 =	sadd.s32 s2, s4;
	[dreg:$0x0] =	wrdreg $0x0  }
0xa8: {  	s4 =	sshll.u32 s28, $0x1;
	[dreg:$0x2] =	wrdreg s2  }
0xa9: {  	[dreg:$0x3] =	wrdreg s4  }
0xaa: {  	[dreg:$0x4] =	wrdreg $0xC0  }
0xab: {  	_ =	task [dreg:s6], $0x5FFFF  }
0xac: {  	[dreg:$0x1] =	wrdreg $0xFFFFFFFF  }
0xad: {  	[dreg:$0x0] =	wrdreg $0x60  }
0xae: {  	[dreg:$0x2] =	wrdreg s24  }
0xaf: {  	[dreg:$0x3] =	wrdreg $0x0  }
0xb0: {  	[dreg:$0x4] =	wrdreg $0x9  }
0xb1: {  	_ =	task.clear_ibuf [dreg:s6], $0x5FFFF;
	_ =	strace $0x90000046  }
0xb2: {  	s29 =	simm.s32 $0x9;
	_ =	strace $0x80000048  }
0xb3: {  	_ =	swait.ge [sflag:s29], $0x1  }
0xb4: {  	[sflag:s29] =	ssyncadd.s32 $0xFFFFFFFF  }
0xb5: {  	_ =	strace $0x90000048  }
0xb6: {  	_ =	sfence  }
0xb7: {  	s30 =	sld [smem:$0x0];
	_ =	sdelay $0x2  }
0xb8: {  	s31 =	sshll.u32 s1, $0xD;
	s1 =	sshrl.u32 s1, $0x2  }
0xb9: {  	s3 =	sand.u32 $0x4000, s31;
	s1 =	sadd.s32 s1, s30  }
0xba: {  	s0 =	sor.u32 s3, s0;
	s1 =	sshll.u32 s1, $0x11  }
0xbb: {  	s0 =	sor.u32 s1, s0  }
0xbc: {  	s0 =	sadd.s32 $0x8F2B, s0  }
0xbd: {  	[sflag:s0] =	ssyncadd.remote.s32 $0x1  }
0xbe: {  	_ =	sfence.sel $0xFFFF  }
0xbf: {  	[dreg:$0x0] =	wrdreg $0xFFFFFFFF;
	(pc) =	sbr.abs _section_cstart, $3  }
0xc0: {  	[dreg:$0x1] =	wrdreg $0xFFFFFFFF  }
0xc1: {  	_ =	task.clear_ibuf [dreg:s6], $0x2FFFF;
	_ =	strace $0x9FFFFFFF  }
0xc2: {  	(tm) =	ssettm $0x7FFFFFFF  }
0xc3: {  	_ =	shalt  }
tec
execute0_lowered:
.L_overlay_start_1:
0x0: {  	(tag) =	ssettag $0x1  }
0x1: {  	s0 =	rddreg [dreg:$0x0]  }
0x2: {  	s1 =	rddreg [dreg:$0x1];
	s2 =	simm.s32 $0x0;
	s14 =	stileid.u32  }
0x3: {  	s4 =	srdreg.scid;
	s28 =	simm.s32 $0x3;
	s29 =	simm.s32 $0x4  }
0x4: {  	s31 =	simm.s32 $0x0;
	[smem:$0x7FF] =	sst s2;
	s3 =	sadd.s32 $0x1800, s0  }
0x5: {  	s12 =	sadd.s32 $0x20C00, s0;
	s5 =	smul.u32 $0xC8000, s14;
	s8 =	sand.u32 $0x1, s4  }
0x6: {  	s6 =	sshll.u32 s14, $0x1;
	s15 =	sadd.s32 $0x27000, s0;
	s16 =	sadd.s32 $0x2D400, s0  }
0x7: {  	s18 =	smul.u32 $0xC8, s14;
	_ =	strace $0x80000047;
	[dreg:$0x6] =	wrdreg s3  }
0x8: {  	p0 =	sne.s32 s14, $0x0;
	[dreg:$0x7] =	wrdreg s16;
	s6 =	sor.u32 s8, s6  }
0x9: {  	s17 =	ssub.s32 $0x2, s8;
	s22 =	smul.u32 $0x64000, s8;
	s11 =	sadd.s32 s5, s0  }
0xa: {  	s7 =	smul.u32 $0x64, s6;
	s9 =	sshll.u32 s6, $0x1;
	s10 =	sshrl.u32 s17, $0x1  }
0xb: {  	s13 =	smul.u32 $0x190, s6;
	s0 =	sadd.s32 s9, s0;
	s16 =	ssub.s32 s17, s10  }
0xc: {  	s17 =	smul.u32 $0x64, s8;
	s23 =	sadd.s32 s22, s11;
	s22 =	simm.s32 $0xFA20  }
0xd: {  	s5 =	sadd.s32 $0x64, s7;
	s19 =	sadd.s32 s12, s13;
	s20 =	sadd.s32 s15, s13  }
0xe: {  	s21 =	sor.u32 $0x4, s13;
	s10 =	sadd.s32 $0xCAD600, s0;
	[dreg:$0x8] =	wrdreg s19  }
0xf: {  	s11 =	smax.u32 s16, $0x1;
	s16 =	simm.s32 $0xFA80;
	[dreg:$0x9] =	wrdreg s20  }
0x10: {  	s8 =	sadd.s32 s12, s21;
	s9 =	sadd.s32 s15, s21;
	s17 =	sadd.s32 s17, s18  }
0x11: {  	s19 =	sadd.s32 $0x2E600, s23;
	s20 =	simm.s32 $0x20;
	s24 =	sshll.u32 s17, $0x2  }
0x12: {  	s21 =	simm.s32 $0xFE68;
	s25 =	sadd.s32 s24, s12;
	s26 =	sadd.s32 s24, s15  }
0x13: {  	s18 =	sor.u32 $0x8, s24;
	s24 =	simm.s32 $0x17E68;
	s0 =	sadd.s32 $0xC, s25  }
0x14: {  	v0 =	vlaneseq.u32;
	s13 =	sadd.s32 $0xC, s26;
	s30 =	sadd.s32 s18, s15;
	s12 =	sadd.s32 s18, s12  }
0x15: {  	v0 =	vmul.u32 $0x400, v0;
	s15 =	sshrl.u32 @!p0 s1, $0x3;
	s18 =	simm.s32 $0xFA00;
	[dreg:$0x5] =	wrdreg s0  }
0x16: {  	s25 =	simm.s32 $0x1;
	s26 =	simm.s32 $0x2;
	[dreg:$0x4] =	wrdreg s30  }
0x17: {  	v1 =	vimm.f32 $0.0e+00;
	v2 =	vor.u32 $0x4000, v0;
	s0 =	sor.u32 $0x3, s17;
	[dreg:$0x3] =	wrdreg s12;
	s17 =	simm.s32 $0x5  }
.LBB2_1:
0x18: {  	s12 =	simm.s32 @!p0 $0x1C05;
	s3 =	rddreg [dreg:$0x6]  }
0x19: {  	[spmem:s15], [sflag:s12] =	dma.local @!p0 [hbm:s3], $0x1F400  }
0x1a: {  	s12 =	simm.s32 @!p0 $0x5  }
0x1b: {  	_ =	swait.ge @!p0 [sflag:s12], $0x1F400  }
0x1c: {  	[sflag:s12] =	ssyncset.done @!p0 $0x0  }
0x1d: {  	[sflag:s12] =	ssyncadd.s32 @!p0 $0xFFFE0C00  }
0x1e: {  	[bflag:$0x0] =	sbarrier.arrive $0xFFFF  }
0x1f: {  	s12 =	rddreg [dreg:$0x7]  }
0x20: {  	[tilespmem:s16], [sflag:$0x5] =	stream.linear.gather [hbm4b:s12+s2], $0x3E8, $0x38;
	[tilespmem:$0x1FE78] =	vst v63  }
0x21: {  	_ =	swait.ge [sflag:s17], $0x3E8  }
0x22: {  	[sflag:s17] =	ssyncset.done $0x0  }
0x23: {  	[sflag:s17] =	ssyncadd.s32 $0xFFFFFC18  }
0x24: {  	s14 =	rddreg [dreg:$0x8];
	[tilespmem:$0x1FE68] =	vst v1  }
0x25: {  	[tilespmem:s18], [sflag:$0x5] =	stream.linear.gather [hbm4b:s14+s2], $0x20, $0x38;
	[tilespmem:$0x1FE78] =	vst v63  }
0x26: {  	_ =	swait.ge [sflag:s17], $0x20  }
0x27: {  	[sflag:s17] =	ssyncset.done $0x0  }
0x28: {  	s4 =	simm.s32 $0xFA40;
	s23 =	rddreg [dreg:$0x9];
	[sflag:s17] =	ssyncadd.s32 $0xFFFFFFE0  }
0x29: {  	[tilespmem:s4], [sflag:$0x5] =	stream.linear.gather [hbm4b:s23+s2], $0x20, $0x38;
	[tilespmem:$0x1FE78] =	vst v63  }
0x2a: {  	_ =	swait.ge [sflag:s17], $0x20  }
0x2b: {  	[sflag:s17] =	ssyncset.done $0x0  }
0x2c: {  	[sflag:s17] =	ssyncadd.s32 $0xFFFFFFE0  }
0x2d: {  	[tilespmem:s21], [sflag:$0x1] =	stream.indirect.gather [spmem:s1], $0x400, s18, s20, $0xb8;
	[tilespmem:$0x1FE78] =	vst v63  }
0x2e: {  	_ = 	snop  }
0x2f: {  	[tilespmem:s22], [sflag:$0x5] =	stream.linear.gather [hbm4b:s8+s2], $0x20, $0x38;
	[tilespmem:$0x1FE78] =	vst v63  }
0x30: {  	_ =	swait.ge [sflag:s17], $0x20  }
0x31: {  	[sflag:s17] =	ssyncset.done $0x0  }
0x32: {  	s30 =	simm.s32 $0xFA60;
	[sflag:s17] =	ssyncadd.s32 $0xFFFFFFE0  }
0x33: {  	[tilespmem:s30], [sflag:$0x5] =	stream.linear.gather [hbm4b:s9+s2], $0x20, $0x38;
	[tilespmem:$0x1FE78] =	vst v63  }
0x34: {  	_ =	swait.ge [sflag:s17], $0x20  }
0x35: {  	s12 =	smov.u32 s19;
	[sflag:s17] =	ssyncset.done $0x0  }
0x36: {  	s14 =	smov.u32 s0;
	s23 =	simm.s32 $0x0;
	[sflag:s17] =	ssyncadd.s32 $0xFFFFFFE0  }
0x37: {  	[tilespmem:s24], [sflag:$0x2] =	stream.indirect.gather [spmem:s1], $0x400, s22, s20, $0xb8;
	[tilespmem:$0x1FE78] =	vst v63  }
.LBB2_2:
0x38: {  	_ =	swait.ge [sflag:s25], $0x8000  }
0x39: {  	[sflag:s25] =	ssyncset.done $0x0  }
0x3a: {  	[sflag:s25] =	ssyncadd.s32 $0xFFFF8000  }
0x3b: {  	v3 =	vld [tilespmem:$0xFA40]  }
0x3c: {  	v4 =	vld [tilespmem:$0xFA00]  }
0x3d: {  	v5 =	vld [tilespmem:$0xFA50]  }
0x3e: {  	v6 =	vld [tilespmem:$0xFA10];
	_ =	sdelay $0x1  }
0x3f: {  	v3 =	vadd.s32 v0, v3;
	_ =	sdelay $0x1  }
0x40: {  	v5 =	vadd.s32 v2, v5  }
0x41: {  	v7 =	vld [tilespmem:$0x1FE68]  }
0x42: {  	v4 =	vld.idx.msk [tilespmem:v4+s16+$0x0], $0xffff  }
0x43: {  	v3 =	vld.idx.msk [tilespmem:v3+s21+$0x0], $0xffff  }
0x44: {  	v6 =	vld.idx.msk [tilespmem:v6+s16+$0x0], $0xffff  }
0x45: {  	v5 =	vld.idx.msk [tilespmem:v5+s21+$0x0], $0xffff;
	_ =	sdelay $0x2  }
0x46: {  	v3 =	vsub.f32 v4, v3;
	_ =	sdelay $0x1  }
0x47: {  	v58 =	vsub.f32 v6, v5;
	v3 =	vadd.f32 v3, v7;
	_ =	sdelay $0x1  }
0x48: {  	v3 =	vadd.f32 v58, v3;
	_ =	sdelay $0x1  }
0x49: {  	s30 =	sadd.s32 $0xFFFFF000, s12;
	[tilespmem:$0x1FE68] =	vst v3  }
0x4a: {  	[hbm4b:s30+s2] =	stream.linear.scatter [tilespmem:s21], [sflag:$0x3], $0x8000, $0x38;
	[tilespmem:$0x1FE78] =	vst v63  }
0x4b: {  	_ =	swait.ge [sflag:s26], $0x8000  }
0x4c: {  	[sflag:s26] =	ssyncset.done $0x0  }
0x4d: {  	[sflag:s26] =	ssyncadd.s32 $0xFFFF8000  }
0x4e: {  	v3 =	vld [tilespmem:$0xFA60]  }
0x4f: {  	v59 =	vld [tilespmem:$0xFA20]  }
0x50: {  	v60 =	vld [tilespmem:$0xFA70]  }
0x51: {  	v61 =	vld [tilespmem:$0xFA30];
	_ =	sdelay $0x1  }
0x52: {  	v3 =	vadd.s32 v0, v3;
	_ =	sdelay $0x1  }
0x53: {  	v5 =	vadd.s32 v2, v60  }
0x54: {  	v62 =	vld [tilespmem:$0x1FE68]  }
0x55: {  	v4 =	vld.idx.msk [tilespmem:v59+s16+$0x0], $0xffff  }
0x56: {  	v3 =	vld.idx.msk [tilespmem:v3+s24+$0x0], $0xffff  }
0x57: {  	v6 =	vld.idx.msk [tilespmem:v61+s16+$0x0], $0xffff  }
0x58: {  	v5 =	vld.idx.msk [tilespmem:v5+s24+$0x0], $0xffff;
	_ =	sdelay $0x2  }
0x59: {  	v3 =	vsub.f32 v4, v3;
	_ =	sdelay $0x1  }
0x5a: {  	v63 =	vsub.f32 v6, v5;
	v3 =	vadd.f32 v3, v62;
	_ =	sdelay $0x1  }
0x5b: {  	s7 =	sadd.s32 $0xFFFFFFFF, s14;
	v3 =	vadd.f32 v63, v3  }
0x5c: {  	p1 =	sge.u32 s7, s5  }
0x5d: {  	s30 =	simm.s32 @!p1 $0x3;
	[tilespmem:$0x1FE68] =	vst v3  }
0x5e: {  	[hbm4b:s12+s2] =	stream.linear.scatter [tilespmem:s24], [sflag:$0x4], $0x8000, $0x38;
	[tilespmem:$0x1FE78] =	vst v63  }
0x5f: {  	_ =	swait.ge @!p1 [sflag:s30], $0x8000  }
0x60: {  	s4 =	simm.s32 @!p1 $0xFA00;
	s3 =	rddreg [dreg:$0x3];
	[sflag:s30] =	ssyncset.done @!p1 $0x0  }
0x61: {  	[sflag:s30] =	ssyncadd.s32 @!p1 $0xFFFF8000;
	s3 =	sadd.s32 @!p1 s23, s3;
	s30 =	simm.s32 @!p1 $0x0  }
0x62: {  	[tilespmem:s4], [sflag:$0x5] =	stream.linear.gather @!p1 [hbm4b:s3+s30], $0x20, $0x38;
	[tilespmem:$0x1FE78] =	vst v63  }
0x63: {  	s3 =	simm.s32 @!p1 $0x5  }
0x64: {  	_ =	swait.ge @!p1 [sflag:s3], $0x20  }
0x65: {  	s6 =	rddreg [dreg:$0x4];
	[sflag:s3] =	ssyncset.done @!p1 $0x0  }
0x66: {  	s7 =	simm.s32 @!p1 $0xFA40;
	[sflag:s3] =	ssyncadd.s32 @!p1 $0xFFFFFFE0;
	s6 =	sadd.s32 @!p1 s23, s6  }
0x67: {  	[tilespmem:s7], [sflag:$0x5] =	stream.linear.gather @!p1 [hbm4b:s6+s30], $0x20, $0x38;
	[tilespmem:$0x1FE78] =	vst v63  }
0x68: {  	_ =	swait.ge @!p1 [sflag:s3], $0x20  }
0x69: {  	[sflag:s3] =	ssyncset.done @!p1 $0x0  }
0x6a: {  	s6 =	simm.s32 @!p1 $0xFE68;
	[sflag:s3] =	ssyncadd.s32 @!p1 $0xFFFFFFE0;
	s3 =	simm.s32 @!p1 $0x20  }
0x6b: {  	[tilespmem:s6], [sflag:$0x1] =	stream.indirect.gather @!p1 [spmem:s1], $0x400, s4, s3, $0xb8;
	[tilespmem:$0x1FE78] =	vst v63  }
0x6c: {  	p1 =	sge.u32 s14, s5  }
0x6d: {  	s3 =	simm.s32 @!p1 $0x4  }
0x6e: {  	_ =	swait.ge @!p1 [sflag:s3], $0x8000  }
0x6f: {  	s6 =	simm.s32 @!p1 $0xFA20;
	s4 =	rddreg [dreg:$0x5];
	[sflag:s3] =	ssyncset.done @!p1 $0x0  }
0x70: {  	[sflag:s3] =	ssyncadd.s32 @!p1 $0xFFFF8000;
	s3 =	sadd.s32 @!p1 s23, s4;
	s4 =	simm.s32 @!p1 $0x0  }
0x71: {  	[tilespmem:s6], [sflag:$0x5] =	stream.linear.gather @!p1 [hbm4b:s3+s4], $0x20, $0x38;
	[tilespmem:$0x1FE78] =	vst v63  }
0x72: {  	s3 =	simm.s32 @!p1 $0x5  }
0x73: {  	_ =	swait.ge @!p1 [sflag:s3], $0x20  }
0x74: {  	[sflag:s3] =	ssyncset.done @!p1 $0x0  }
0x75: {  	s7 =	sadd.s32 @!p1 s23, s13;
	s30 =	simm.s32 @!p1 $0xFA60;
	[sflag:s3] =	ssyncadd.s32 @!p1 $0xFFFFFFE0  }
0x76: {  	[tilespmem:s30], [sflag:$0x5] =	stream.linear.gather @!p1 [hbm4b:s7+s4], $0x20, $0x38;
	[tilespmem:$0x1FE78] =	vst v63  }
0x77: {  	_ =	swait.ge @!p1 [sflag:s3], $0x20  }
0x78: {  	s23 =	sadd.s32 $0x8, s23;
	[sflag:s3] =	ssyncset.done @!p1 $0x0  }
0x79: {  	s4 =	simm.s32 @!p1 $0x17E68;
	[sflag:s3] =	ssyncadd.s32 @!p1 $0xFFFFFFE0;
	s3 =	simm.s32 @!p1 $0x20  }
0x7a: {  	[tilespmem:s4], [sflag:$0x2] =	stream.indirect.gather @!p1 [spmem:s1], $0x400, s6, s3, $0xb8;
	[tilespmem:$0x1FE78] =	vst v63  }
0x7b: {  	p1 =	sne.s32 s23, $0x190  }
.Ltmp0:
0x7c: {  	_ = 	snop;
	(pc) =	sbr.rel @p1 .LBB2_2-.Ltmp0, $2  }
0x7d: {  	_ =	sdelay $0x2  }
0x7e: {  	s12 =	sadd.s32 $0x2000, s12;
	s14 =	sadd.s32 $0x2, s14  }
0x7f: {  	_ =	swait.ge [sflag:s28], $0x8000  }
0x80: {  	[sflag:s28] =	ssyncset.done $0x0  }
0x81: {  	[sflag:s28] =	ssyncadd.s32 $0xFFFF8000  }
0x82: {  	s31 =	sadd.s32 $0x1, s31;
	_ =	swait.ge [sflag:s29], $0x8000  }
0x83: {  	p1 =	sne.s32 s31, s11;
	[sflag:s29] =	ssyncset.done $0x0  }
.Ltmp1:
0x84: {  	s3 =	simm.s32 $0x1FE68;
	[sflag:s29] =	ssyncadd.s32 $0xFFFF8000;
	(pc) =	sbr.rel @p1 .LBB2_1-.Ltmp1, $4  }
0x85: {  	[hbm4b:s10+s2] =	stream.linear.scatter [tilespmem:s3], [sflag:$0x5], $0x10, $0x38;
	[tilespmem:$0x1FE78] =	vst v63  }
0x86: {  	_ =	swait.ge [sflag:s17], $0x10  }
0x87: {  	[sflag:s17] =	ssyncset.done $0x0  }
0x88: {  	[sflag:s17] =	ssyncadd.s32 $0xFFFFFFF0  }
0x89: {  	_ =	sfence.sel $0x180000  }
0x8a: {  	[bflag:$0x0] =	sbarrier.arrive $0xFFFF  }
0x8b: {  	_ =	strace $0x90000047  }
0x8c: {  	[bflag:$0x2] =	sbarrier.arrive $0xFFFF  }
0x8d: {  	s0 =	rddreg [dreg:$0x2]  }
0x8e: {  	s0 =	sadd.s32 @!p0 $0x100000, s0  }
0x8f: {  	[sflag:s0] =	ssyncadd.tile.s32 @!p0 $0x1;
	_ =	shalt  }
.Lfunc_end2:
_tile_overlayer_lowered:
.L_overlay_start_2:
0x90: {  	(tag) =	ssettag $0x2  }
0x91: {  	s0 =	rddreg [dreg:$0x0];
	s2 =	stileid.u32  }
0x92: {  	s1 =	rddreg [dreg:$0x1];
	p0 =	sne.s32 s2, $0x0  }
0x93: {  	s3 =	rddreg [dreg:$0x2];
	[bflag:$0x3] =	sbarrier.arrive $0xFFFF;
	s2 =	simm.s32 @!p0 $0x1C05  }
0x94: {  	[timem:s3], [sflag:s2] =	dma.local @!p0 [hbm:s0], s1  }
0x95: {  	s0 =	simm.s32 @!p0 $0x5  }
0x96: {  	_ =	swait.ge @!p0 [sflag:s0], s1  }
0x97: {  	s1 =	ssub.s32 @!p0 $0x0, s1;
	[sflag:s0] =	ssyncset.done @!p0 $0x0  }
0x98: {  	[sflag:s0] =	ssyncadd.s32 @!p0 s1  }
0x99: {  	[bflag:$0x3] =	sbarrier.arrive $0xFFFF  }
0x9a: {  	_ =	shalt  }

</sc_bundles>
